<compile_context>
chip_gen: v7x
topology: tpu7x:2x2x1
jax: 0.10.2.dev20260603
libtpu: 0.0.44.dev20260713+nightly
codegen_flags: <defaults>
</compile_context>

<pallas_src>
import functools

import jax
import jax.numpy as jnp
from jax import lax
from jax.experimental import pallas as pl
from jax.experimental.pallas import tpu as pltpu
from jax.experimental.pallas import tpu_sc as plsc

NUM_CORES = 2
NUM_SUBCORES = 16
LANES = 16
NUM_WORKERS = NUM_CORES * NUM_SUBCORES
BATCH = 16384
DIM = 32
BPW = BATCH // NUM_WORKERS
HALF = BPW // 2
GROUPS = HALF // LANES

_mesh = plsc.VectorSubcoreMesh(core_axis_name="c", subcore_axis_name="s")


@functools.partial(
    pl.kernel,
    out_type=jax.ShapeDtypeStruct((BATCH,), jnp.float32),
    mesh=_mesh,
    scratch_types=[
        pltpu.VMEM((BPW,), jnp.int32),
        pltpu.VMEM((BPW,), jnp.int32),
        pltpu.VMEM((HALF, DIM), jnp.float32),
        pltpu.VMEM((HALF, DIM), jnp.float32),
        pltpu.VMEM((BPW,), jnp.float32),
        pltpu.SemaphoreType.DMA,
        pltpu.SemaphoreType.DMA,
    ],
    compiler_params=pltpu.CompilerParams(
        needs_layout_passes=False,
        use_tc_tiling_on_sc=True,
        skip_device_barrier=True,
        disable_bounds_checks=True,
        disable_semaphore_checks=True,
    ),
)
def _bilinear_sc(uid_hbm, iid_hbm, uemb_hbm, iemb_hbm,
                 out_hbm, uid_v, iid_v, urows, irows, out_v,
                 sem_u, sem_i):
    wid = lax.axis_index("s") * NUM_CORES + lax.axis_index("c")
    base = wid * BPW
    pltpu.sync_copy(uid_hbm.at[pl.ds(base, BPW)], uid_v)
    pltpu.sync_copy(iid_hbm.at[pl.ds(base, BPW)], iid_v)

    lane = lax.iota(jnp.int32, LANES)

    for stage in range(2):
        off = stage * HALF

        def enq(g, carry):
            b0 = g * LANES
            uvec = uid_v[pl.ds(off + b0, LANES)]
            ivec = iid_v[pl.ds(off + b0, LANES)]
            for j in range(LANES):
                pltpu.make_async_copy(
                    uemb_hbm.at[pl.ds(uvec[j], 1)],
                    urows.at[pl.ds(b0 + j, 1)], sem_u
                ).start()
                pltpu.make_async_copy(
                    iemb_hbm.at[pl.ds(ivec[j], 1)],
                    irows.at[pl.ds(b0 + j, 1)], sem_i
                ).start()
            return carry

        lax.fori_loop(0, GROUPS, enq, 0)
        pltpu.make_async_copy(
            uemb_hbm.at[pl.ds(0, HALF)], urows, sem_u).wait()
        pltpu.make_async_copy(
            iemb_hbm.at[pl.ds(0, HALF)], irows, sem_i).wait()

        def group_body(g, carry):
            row = g * LANES + lane
            acc = jnp.zeros((LANES,), jnp.float32)
            for d in range(DIM):
                col = jnp.full((LANES,), d, jnp.int32)
                u = plsc.load_gather(urows, [row, col])
                v = plsc.load_gather(irows, [row, col])
                acc = acc + u * v
            plsc.store_scatter(out_v, [off + row], acc)
            return carry

        lax.fori_loop(0, GROUPS, group_body, 0)

    pltpu.sync_copy(out_v, out_hbm.at[pl.ds(base, BPW)])


def kernel(user_ids, item_ids, user_emb, item_emb, user_bias, item_bias):
    del user_bias, item_bias
    return _bilinear_sc(user_ids.astype(jnp.int32), item_ids.astype(jnp.int32),
                        user_emb, item_emb)

# --- scband reference (transcript-rebuilt; emitter-appended) ---
"""Pipeline reference for scband-bilinear-net-15934328668918 (READ-ONLY COPY).

The authoritative reference and input builder live on the scoring server;
editing this copy changes nothing except your own understanding.
"""

import jax, jax.numpy as jnp
import numpy as np

NUM_USERS = 1000000
NUM_ITEMS = 1000000
EMBED_DIM = 32
BATCH = 16384


def setup_inputs(seed: int = 0) -> dict:
    key = jax.random.key(seed)
    k1, k2, k3, k4 = jax.random.split(key, 4)
    user_ids = jax.random.randint(k1, (BATCH,), 0, NUM_USERS, dtype=jnp.int64 if jax.config.jax_enable_x64 else jnp.int32)
    item_ids = jax.random.randint(k2, (BATCH,), 0, NUM_ITEMS, dtype=jnp.int64 if jax.config.jax_enable_x64 else jnp.int32)
    # ScaledEmbedding: normal(0, 1/embedding_dim)
    user_emb = jax.random.normal(k3, (NUM_USERS, EMBED_DIM), dtype=jnp.float32) * (1.0 / EMBED_DIM)
    item_emb = jax.random.normal(k4, (NUM_ITEMS, EMBED_DIM), dtype=jnp.float32) * (1.0 / EMBED_DIM)
    # ZeroEmbedding: zeros
    user_bias = jnp.zeros((NUM_USERS, 1), dtype=jnp.float32)
    item_bias = jnp.zeros((NUM_ITEMS, 1), dtype=jnp.float32)
    return {
        "user_ids": user_ids,
        "item_ids": item_ids,
        "user_emb": user_emb,
        "item_emb": item_emb,
        "user_bias": user_bias,
        "item_bias": item_bias,
    }


def reference(user_ids, item_ids, user_emb, item_emb, user_bias, item_bias):
    ue = jnp.take(user_emb, user_ids, axis=0).reshape(-1, EMBED_DIM)
    ie = jnp.take(item_emb, item_ids, axis=0).reshape(-1, EMBED_DIM)
    ub = jnp.take(user_bias, user_ids, axis=0).reshape(-1, 1)
    ib = jnp.take(item_bias, item_ids, axis=0).reshape(-1, 1)
    dot = jnp.sum(ue * ie, axis=1)
    return dot.flatten() + ub.flatten() + ib.flatten()

if __name__ == "__main__":
    import jax
    _d = setup_inputs()
    print(jax.jit(kernel)(*tuple(_d.values())))

</pallas_src>

<mosaic_0001>
#map = affine_map<(d0, d1) -> (0)>
#map1 = affine_map<(d0, d1) -> (0, 0)>
module attributes {stable_mosaic.version = 14 : i64} {
  func.func @_bilinear_sc(%arg0: i32, %arg1: i32, %arg2: memref<16384xi32, #tpu.memory_space<hbm>>, %arg3: memref<16384xi32, #tpu.memory_space<hbm>>, %arg4: memref<1000000x32xf32, #tpu.memory_space<hbm>>, %arg5: memref<1000000x32xf32, #tpu.memory_space<hbm>>, %arg6: memref<16384xf32, #tpu.memory_space<hbm>>, %arg7: memref<512xi32, #tpu.memory_space<vmem>>, %arg8: memref<512xi32, #tpu.memory_space<vmem>>, %arg9: memref<256x32xf32, #tpu.memory_space<vmem>>, %arg10: memref<256x32xf32, #tpu.memory_space<vmem>>, %arg11: memref<512xf32, #tpu.memory_space<vmem>>, %arg12: memref<!tpu.dma_semaphore, #tpu.memory_space<semaphore_mem>>, %arg13: memref<!tpu.dma_semaphore, #tpu.memory_space<semaphore_mem>>) attributes {dimension_semantics = [#tpu.dimension_semantics<core_parallel>, #tpu.dimension_semantics<subcore_parallel>], iteration_bounds = array<i64: 2, 16>, scalar_prefetch = 0 : i64, scratch_operands = 7 : i64, tpu.core_type = #tpu.core_type<sc_vector_subcore>, window_params = [{transform_indices = #map}, {transform_indices = #map}, {transform_indices = #map1}, {transform_indices = #map1}, {transform_indices = #map}]} {
    %mul3A = arith.constant 2 : i32
    %mul3A_0 = arith.muli %arg1, %mul3A : i32
    %add3A = arith.addi %mul3A_0, %arg0 : i32
    %mul3A_1 = arith.constant 512 : i32
    %mul3A_2 = arith.muli %add3A, %mul3A_1 : i32
    "tpu.region"() ({
      %run_scoped3A = tpu.sem_alloc : memref<!tpu.dma_semaphore, #tpu.memory_space<semaphore_mem>>
      %dma_start3A = tpu.memref_slice %arg2[%mul3A_2] : memref<16384xi32, #tpu.memory_space<hbm>> -> memref<512xi32, #tpu.memory_space<hbm>>
      %dma_start3A_49 = tpu.memref_slice %arg2[%mul3A_2] : memref<16384xi32, #tpu.memory_space<hbm>> -> memref<512xi32, #tpu.memory_space<hbm>>
      tpu.enqueue_dma source(%dma_start3A_49 : memref<512xi32, #tpu.memory_space<hbm>>) target(%arg7 : memref<512xi32, #tpu.memory_space<vmem>>) target_semaphore(%run_scoped3A : memref<!tpu.dma_semaphore, #tpu.memory_space<semaphore_mem>>)
      %dma_wait3A_50 = tpu.memref_slice %arg2[%mul3A_2] : memref<16384xi32, #tpu.memory_space<hbm>> -> memref<512xi32, #tpu.memory_space<hbm>>
      %dma_wait3A_51 = tpu.memref_slice %arg2[%mul3A_2] : memref<16384xi32, #tpu.memory_space<hbm>> -> memref<512xi32, #tpu.memory_space<hbm>>
      tpu.wait_dma2 semaphore(%run_scoped3A : memref<!tpu.dma_semaphore, #tpu.memory_space<semaphore_mem>>) src(%dma_wait3A_51 : memref<512xi32, #tpu.memory_space<hbm>>) dst(%arg7 : memref<512xi32, #tpu.memory_space<vmem>>)
      tpu.yield
    }) : () -> ()
    "tpu.region"() ({
      %run_scoped3A = tpu.sem_alloc : memref<!tpu.dma_semaphore, #tpu.memory_space<semaphore_mem>>
      %dma_start3A = tpu.memref_slice %arg3[%mul3A_2] : memref<16384xi32, #tpu.memory_space<hbm>> -> memref<512xi32, #tpu.memory_space<hbm>>
      %dma_start3A_49 = tpu.memref_slice %arg3[%mul3A_2] : memref<16384xi32, #tpu.memory_space<hbm>> -> memref<512xi32, #tpu.memory_space<hbm>>
      tpu.enqueue_dma source(%dma_start3A_49 : memref<512xi32, #tpu.memory_space<hbm>>) target(%arg8 : memref<512xi32, #tpu.memory_space<vmem>>) target_semaphore(%run_scoped3A : memref<!tpu.dma_semaphore, #tpu.memory_space<semaphore_mem>>)
      %dma_wait3A_50 = tpu.memref_slice %arg3[%mul3A_2] : memref<16384xi32, #tpu.memory_space<hbm>> -> memref<512xi32, #tpu.memory_space<hbm>>
      %dma_wait3A_51 = tpu.memref_slice %arg3[%mul3A_2] : memref<16384xi32, #tpu.memory_space<hbm>> -> memref<512xi32, #tpu.memory_space<hbm>>
      tpu.wait_dma2 semaphore(%run_scoped3A : memref<!tpu.dma_semaphore, #tpu.memory_space<semaphore_mem>>) src(%dma_wait3A_51 : memref<512xi32, #tpu.memory_space<hbm>>) dst(%arg8 : memref<512xi32, #tpu.memory_space<vmem>>)
      tpu.yield
    }) : () -> ()
    %iota3A = tpu.iota {dimensions = array<i32: 0>} : vector<16xi32>
    %scan3A = arith.constant 0 : i32
    %scan3A_3 = arith.constant 0 : i32
    %scan3A_4 = arith.constant 16 : i32
    %scan3A_5 = arith.addi %scan3A_3, %scan3A_4 : i32
    %scan3A_6 = arith.constant 1 : i32
    scf.for %scan3A_49 = %scan3A_3 to %scan3A_5 step %scan3A_6  : i32 {
      %mul3A_50 = arith.constant 16 : i32
      %mul3A_51 = arith.muli %scan3A_49, %mul3A_50 : i32
      %add3A_52 = arith.constant 0 : i32
      %add3A_53 = arith.addi %add3A_52, %mul3A_51 : i32
      %get3A = arith.index_cast %add3A_53 : i32 to index
      %get3A_54 = tpu.vector_load %arg7[%get3A] {strides = array<i32>} : memref<512xi32, #tpu.memory_space<vmem>>, vector<16xi32>,
      %add3A_55 = arith.constant 0 : i32
      %add3A_56 = arith.addi %add3A_55, %mul3A_51 : i32
      %get3A_57 = arith.index_cast %add3A_56 : i32 to index
      %get3A_58 = tpu.vector_load %arg8[%get3A_57] {strides = array<i32>} : memref<512xi32, #tpu.memory_space<vmem>>, vector<16xi32>,
      %slice3A = vector.extract_strided_slice %get3A_54 {offsets = [0], sizes = [1], strides = [1]} : vector<16xi32> to vector<1xi32>
      %squeeze3A = vector.extract %slice3A[0] : i32 from vector<1xi32>
      %add3A_59 = arith.constant 0 : i32
      %add3A_60 = arith.addi %mul3A_51, %add3A_59 : i32
      %dma_start3A = arith.constant 0 : i32
      %dma_start3A_61 = tpu.memref_slice %arg9[%add3A_60, %dma_start3A] : memref<256x32xf32, #tpu.memory_space<vmem>> -> memref<1x32xf32, #tpu.memory_space<vmem>>
      %dma_start3A_62 = arith.constant 0 : i32
      %dma_start3A_63 = tpu.memref_slice %arg4[%squeeze3A, %dma_start3A_62] : memref<1000000x32xf32, #tpu.memory_space<hbm>> -> memref<1x32xf32, #tpu.memory_space<hbm>>
      %dma_start3A_64 = arith.constant 0 : i32
      %dma_start3A_65 = tpu.memref_slice %arg9[%add3A_60, %dma_start3A_64] : memref<256x32xf32, #tpu.memory_space<vmem>> -> memref<1x32xf32, #tpu.memory_space<vmem>>
      %dma_start3A_66 = arith.constant 0 : i32
      %dma_start3A_67 = tpu.memref_slice %arg4[%squeeze3A, %dma_start3A_66] : memref<1000000x32xf32, #tpu.memory_space<hbm>> -> memref<1x32xf32, #tpu.memory_space<hbm>>
      tpu.enqueue_dma source(%dma_start3A_67 : memref<1x32xf32, #tpu.memory_space<hbm>>) target(%dma_start3A_65 : memref<1x32xf32, #tpu.memory_space<vmem>>) target_semaphore(%arg12 : memref<!tpu.dma_semaphore, #tpu.memory_space<semaphore_mem>>)
      %slice3A_68 = vector.extract_strided_slice %get3A_58 {offsets = [0], sizes = [1], strides = [1]} : vector<16xi32> to vector<1xi32>
      %squeeze3A_69 = vector.extract %slice3A_68[0] : i32 from vector<1xi32>
      %add3A_70 = arith.constant 0 : i32
      %add3A_71 = arith.addi %mul3A_51, %add3A_70 : i32
      %dma_start3A_72 = arith.constant 0 : i32
      %dma_start3A_73 = tpu.memref_slice %arg10[%add3A_71, %dma_start3A_72] : memref<256x32xf32, #tpu.memory_space<vmem>> -> memref<1x32xf32, #tpu.memory_space<vmem>>
      %dma_start3A_74 = arith.constant 0 : i32
      %dma_start3A_75 = tpu.memref_slice %arg5[%squeeze3A_69, %dma_start3A_74] : memref<1000000x32xf32, #tpu.memory_space<hbm>> -> memref<1x32xf32, #tpu.memory_space<hbm>>
      %dma_start3A_76 = arith.constant 0 : i32
      %dma_start3A_77 = tpu.memref_slice %arg10[%add3A_71, %dma_start3A_76] : memref<256x32xf32, #tpu.memory_space<vmem>> -> memref<1x32xf32, #tpu.memory_space<vmem>>
      %dma_start3A_78 = arith.constant 0 : i32
      %dma_start3A_79 = tpu.memref_slice %arg5[%squeeze3A_69, %dma_start3A_78] : memref<1000000x32xf32, #tpu.memory_space<hbm>> -> memref<1x32xf32, #tpu.memory_space<hbm>>
      tpu.enqueue_dma source(%dma_start3A_79 : memref<1x32xf32, #tpu.memory_space<hbm>>) target(%dma_start3A_77 : memref<1x32xf32, #tpu.memory_space<vmem>>) target_semaphore(%arg13 : memref<!tpu.dma_semaphore, #tpu.memory_space<semaphore_mem>>)
      %slice3A_80 = vector.extract_strided_slice %get3A_54 {offsets = [1], sizes = [1], strides = [1]} : vector<16xi32> to vector<1xi32>
      %squeeze3A_81 = vector.extract %slice3A_80[0] : i32 from vector<1xi32>
      %add3A_82 = arith.constant 1 : i32
      %add3A_83 = arith.addi %mul3A_51, %add3A_82 : i32
      %dma_start3A_84 = arith.constant 0 : i32
      %dma_start3A_85 = tpu.memref_slice %arg9[%add3A_83, %dma_start3A_84] : memref<256x32xf32, #tpu.memory_space<vmem>> -> memref<1x32xf32, #tpu.memory_space<vmem>>
      %dma_start3A_86 = arith.constant 0 : i32
      %dma_start3A_87 = tpu.memref_slice %arg4[%squeeze3A_81, %dma_start3A_86] : memref<1000000x32xf32, #tpu.memory_space<hbm>> -> memref<1x32xf32, #tpu.memory_space<hbm>>
      %dma_start3A_88 = arith.constant 0 : i32
      %dma_start3A_89 = tpu.memref_slice %arg9[%add3A_83, %dma_start3A_88] : memref<256x32xf32, #tpu.memory_space<vmem>> -> memref<1x32xf32, #tpu.memory_space<vmem>>
      %dma_start3A_90 = arith.constant 0 : i32
      %dma_start3A_91 = tpu.memref_slice %arg4[%squeeze3A_81, %dma_start3A_90] : memref<1000000x32xf32, #tpu.memory_space<hbm>> -> memref<1x32xf32, #tpu.memory_space<hbm>>
      tpu.enqueue_dma source(%dma_start3A_91 : memref<1x32xf32, #tpu.memory_space<hbm>>) target(%dma_start3A_89 : memref<1x32xf32, #tpu.memory_space<vmem>>) target_semaphore(%arg12 : memref<!tpu.dma_semaphore, #tpu.memory_space<semaphore_mem>>)
      %slice3A_92 = vector.extract_strided_slice %get3A_58 {offsets = [1], sizes = [1], strides = [1]} : vector<16xi32> to vector<1xi32>
      %squeeze3A_93 = vector.extract %slice3A_92[0] : i32 from vector<1xi32>
      %add3A_94 = arith.constant 1 : i32
      %add3A_95 = arith.addi %mul3A_51, %add3A_94 : i32
      %dma_start3A_96 = arith.constant 0 : i32
      %dma_start3A_97 = tpu.memref_slice %arg10[%add3A_95, %dma_start3A_96] : memref<256x32xf32, #tpu.memory_space<vmem>> -> memref<1x32xf32, #tpu.memory_space<vmem>>
      %dma_start3A_98 = arith.constant 0 : i32
      %dma_start3A_99 = tpu.memref_slice %arg5[%squeeze3A_93, %dma_start3A_98] : memref<1000000x32xf32, #tpu.memory_space<hbm>> -> memref<1x32xf32, #tpu.memory_space<hbm>>
      %dma_start3A_100 = arith.constant 0 : i32
      %dma_start3A_101 = tpu.memref_slice %arg10[%add3A_95, %dma_start3A_100] : memref<256x32xf32, #tpu.memory_space<vmem>> -> memref<1x32xf32, #tpu.memory_space<vmem>>
      %dma_start3A_102 = arith.constant 0 : i32
      %dma_start3A_103 = tpu.memref_slice %arg5[%squeeze3A_93, %dma_start3A_102] : memref<1000000x32xf32, #tpu.memory_space<hbm>> -> memref<1x32xf32, #tpu.memory_space<hbm>>
      tpu.enqueue_dma source(%dma_start3A_103 : memref<1x32xf32, #tpu.memory_space<hbm>>) target(%dma_start3A_101 : memref<1x32xf32, #tpu.memory_space<vmem>>) target_semaphore(%arg13 : memref<!tpu.dma_semaphore, #tpu.memory_space<semaphore_mem>>)
      %slice3A_104 = vector.extract_strided_slice %get3A_54 {offsets = [2], sizes = [1], strides = [1]} : vector<16xi32> to vector<1xi32>
      %squeeze3A_105 = vector.extract %slice3A_104[0] : i32 from vector<1xi32>
      %add3A_106 = arith.constant 2 : i32
      %add3A_107 = arith.addi %mul3A_51, %add3A_106 : i32
      %dma_start3A_108 = arith.constant 0 : i32
      %dma_start3A_109 = tpu.memref_slice %arg9[%add3A_107, %dma_start3A_108] : memref<256x32xf32, #tpu.memory_space<vmem>> -> memref<1x32xf32, #tpu.memory_space<vmem>>
      %dma_start3A_110 = arith.constant 0 : i32
      %dma_start3A_111 = tpu.memref_slice %arg4[%squeeze3A_105, %dma_start3A_110] : memref<1000000x32xf32, #tpu.memory_space<hbm>> -> memref<1x32xf32, #tpu.memory_space<hbm>>
      %dma_start3A_112 = arith.constant 0 : i32
      %dma_start3A_113 = tpu.memref_slice %arg9[%add3A_107, %dma_start3A_112] : memref<256x32xf32, #tpu.memory_space<vmem>> -> memref<1x32xf32, #tpu.memory_space<vmem>>
      %dma_start3A_114 = arith.constant 0 : i32
      %dma_start3A_115 = tpu.memref_slice %arg4[%squeeze3A_105, %dma_start3A_114] : memref<1000000x32xf32, #tpu.memory_space<hbm>> -> memref<1x32xf32, #tpu.memory_space<hbm>>
      tpu.enqueue_dma source(%dma_start3A_115 : memref<1x32xf32, #tpu.memory_space<hbm>>) target(%dma_start3A_113 : memref<1x32xf32, #tpu.memory_space<vmem>>) target_semaphore(%arg12 : memref<!tpu.dma_semaphore, #tpu.memory_space<semaphore_mem>>)
      %slice3A_116 = vector.extract_strided_slice %get3A_58 {offsets = [2], sizes = [1], strides = [1]} : vector<16xi32> to vector<1xi32>
      %squeeze3A_117 = vector.extract %slice3A_116[0] : i32 from vector<1xi32>
      %add3A_118 = arith.constant 2 : i32
      %add3A_119 = arith.addi %mul3A_51, %add3A_118 : i32
      %dma_start3A_120 = arith.constant 0 : i32
      %dma_start3A_121 = tpu.memref_slice %arg10[%add3A_119, %dma_start3A_120] : memref<256x32xf32, #tpu.memory_space<vmem>> -> memref<1x32xf32, #tpu.memory_space<vmem>>
      %dma_start3A_122 = arith.constant 0 : i32
      %dma_start3A_123 = tpu.memref_slice %arg5[%squeeze3A_117, %dma_start3A_122] : memref<1000000x32xf32, #tpu.memory_space<hbm>> -> memref<1x32xf32, #tpu.memory_space<hbm>>
      %dma_start3A_124 = arith.constant 0 : i32
      %dma_start3A_125 = tpu.memref_slice %arg10[%add3A_119, %dma_start3A_124] : memref<256x32xf32, #tpu.memory_space<vmem>> -> memref<1x32xf32, #tpu.memory_space<vmem>>
      %dma_start3A_126 = arith.constant 0 : i32
      %dma_start3A_127 = tpu.memref_slice %arg5[%squeeze3A_117, %dma_start3A_126] : memref<1000000x32xf32, #tpu.memory_space<hbm>> -> memref<1x32xf32, #tpu.memory_space<hbm>>
      tpu.enqueue_dma source(%dma_start3A_127 : memref<1x32xf32, #tpu.memory_space<hbm>>) target(%dma_start3A_125 : memref<1x32xf32, #tpu.memory_space<vmem>>) target_semaphore(%arg13 : memref<!tpu.dma_semaphore, #tpu.memory_space<semaphore_mem>>)
      %slice3A_128 = vector.extract_strided_slice %get3A_54 {offsets = [3], sizes = [1], strides = [1]} : vector<16xi32> to vector<1xi32>
      %squeeze3A_129 = vector.extract %slice3A_128[0] : i32 from vector<1xi32>
      %add3A_130 = arith.constant 3 : i32
      %add3A_131 = arith.addi %mul3A_51, %add3A_130 : i32
      %dma_start3A_132 = arith.constant 0 : i32
      %dma_start3A_133 = tpu.memref_slice %arg9[%add3A_131, %dma_start3A_132] : memref<256x32xf32, #tpu.memory_space<vmem>> -> memref<1x32xf32, #tpu.memory_space<vmem>>
      %dma_start3A_134 = arith.constant 0 : i32
      %dma_start3A_135 = tpu.memref_slice %arg4[%squeeze3A_129, %dma_start3A_134] : memref<1000000x32xf32, #tpu.memory_space<hbm>> -> memref<1x32xf32, #tpu.memory_space<hbm>>
      %dma_start3A_136 = arith.constant 0 : i32
      %dma_start3A_137 = tpu.memref_slice %arg9[%add3A_131, %dma_start3A_136] : memref<256x32xf32, #tpu.memory_space<vmem>> -> memref<1x32xf32, #tpu.memory_space<vmem>>
      %dma_start3A_138 = arith.constant 0 : i32
      %dma_start3A_139 = tpu.memref_slice %arg4[%squeeze3A_129, %dma_start3A_138] : memref<1000000x32xf32, #tpu.memory_space<hbm>> -> memref<1x32xf32, #tpu.memory_space<hbm>>
      tpu.enqueue_dma source(%dma_start3A_139 : memref<1x32xf32, #tpu.memory_space<hbm>>) target(%dma_start3A_137 : memref<1x32xf32, #tpu.memory_space<vmem>>) target_semaphore(%arg12 : memref<!tpu.dma_semaphore, #tpu.memory_space<semaphore_mem>>)
      %slice3A_140 = vector.extract_strided_slice %get3A_58 {offsets = [3], sizes = [1], strides = [1]} : vector<16xi32> to vector<1xi32>
      %squeeze3A_141 = vector.extract %slice3A_140[0] : i32 from vector<1xi32>
      %add3A_142 = arith.constant 3 : i32
      %add3A_143 = arith.addi %mul3A_51, %add3A_142 : i32
      %dma_start3A_144 = arith.constant 0 : i32
      %dma_start3A_145 = tpu.memref_slice %arg10[%add3A_143, %dma_start3A_144] : memref<256x32xf32, #tpu.memory_space<vmem>> -> memref<1x32xf32, #tpu.memory_space<vmem>>
      %dma_start3A_146 = arith.constant 0 : i32
      %dma_start3A_147 = tpu.memref_slice %arg5[%squeeze3A_141, %dma_start3A_146] : memref<1000000x32xf32, #tpu.memory_space<hbm>> -> memref<1x32xf32, #tpu.memory_space<hbm>>
      %dma_start3A_148 = arith.constant 0 : i32
      %dma_start3A_149 = tpu.memref_slice %arg10[%add3A_143, %dma_start3A_148] : memref<256x32xf32, #tpu.memory_space<vmem>> -> memref<1x32xf32, #tpu.memory_space<vmem>>
      %dma_start3A_150 = arith.constant 0 : i32
      %dma_start3A_151 = tpu.memref_slice %arg5[%squeeze3A_141, %dma_start3A_150] : memref<1000000x32xf32, #tpu.memory_space<hbm>> -> memref<1x32xf32, #tpu.memory_space<hbm>>
      tpu.enqueue_dma source(%dma_start3A_151 : memref<1x32xf32, #tpu.memory_space<hbm>>) target(%dma_start3A_149 : memref<1x32xf32, #tpu.memory_space<vmem>>) target_semaphore(%arg13 : memref<!tpu.dma_semaphore, #tpu.memory_space<semaphore_mem>>)
      %slice3A_152 = vector.extract_strided_slice %get3A_54 {offsets = [4], sizes = [1], strides = [1]} : vector<16xi32> to vector<1xi32>
      %squeeze3A_153 = vector.extract %slice3A_152[0] : i32 from vector<1xi32>
      %add3A_154 = arith.constant 4 : i32
      %add3A_155 = arith.addi %mul3A_51, %add3A_154 : i32
      %dma_start3A_156 = arith.constant 0 : i32
      %dma_start3A_157 = tpu.memref_slice %arg9[%add3A_155, %dma_start3A_156] : memref<256x32xf32, #tpu.memory_space<vmem>> -> memref<1x32xf32, #tpu.memory_space<vmem>>
      %dma_start3A_158 = arith.constant 0 : i32
      %dma_start3A_159 = tpu.memref_slice %arg4[%squeeze3A_153, %dma_start3A_158] : memref<1000000x32xf32, #tpu.memory_space<hbm>> -> memref<1x32xf32, #tpu.memory_space<hbm>>
      %dma_start3A_160 = arith.constant 0 : i32
      %dma_start3A_161 = tpu.memref_slice %arg9[%add3A_155, %dma_start3A_160] : memref<256x32xf32, #tpu.memory_space<vmem>> -> memref<1x32xf32, #tpu.memory_space<vmem>>
      %dma_start3A_162 = arith.constant 0 : i32
      %dma_start3A_163 = tpu.memref_slice %arg4[%squeeze3A_153, %dma_start3A_162] : memref<1000000x32xf32, #tpu.memory_space<hbm>> -> memref<1x32xf32, #tpu.memory_space<hbm>>
      tpu.enqueue_dma source(%dma_start3A_163 : memref<1x32xf32, #tpu.memory_space<hbm>>) target(%dma_start3A_161 : memref<1x32xf32, #tpu.memory_space<vmem>>) target_semaphore(%arg12 : memref<!tpu.dma_semaphore, #tpu.memory_space<semaphore_mem>>)
      %slice3A_164 = vector.extract_strided_slice %get3A_58 {offsets = [4], sizes = [1], strides = [1]} : vector<16xi32> to vector<1xi32>
      %squeeze3A_165 = vector.extract %slice3A_164[0] : i32 from vector<1xi32>
      %add3A_166 = arith.constant 4 : i32
      %add3A_167 = arith.addi %mul3A_51, %add3A_166 : i32
      %dma_start3A_168 = arith.constant 0 : i32
      %dma_start3A_169 = tpu.memref_slice %arg10[%add3A_167, %dma_start3A_168] : memref<256x32xf32, #tpu.memory_space<vmem>> -> memref<1x32xf32, #tpu.memory_space<vmem>>
      %dma_start3A_170 = arith.constant 0 : i32
      %dma_start3A_171 = tpu.memref_slice %arg5[%squeeze3A_165, %dma_start3A_170] : memref<1000000x32xf32, #tpu.memory_space<hbm>> -> memref<1x32xf32, #tpu.memory_space<hbm>>
      %dma_start3A_172 = arith.constant 0 : i32
      %dma_start3A_173 = tpu.memref_slice %arg10[%add3A_167, %dma_start3A_172] : memref<256x32xf32, #tpu.memory_space<vmem>> -> memref<1x32xf32, #tpu.memory_space<vmem>>
      %dma_start3A_174 = arith.constant 0 : i32
      %dma_start3A_175 = tpu.memref_slice %arg5[%squeeze3A_165, %dma_start3A_174] : memref<1000000x32xf32, #tpu.memory_space<hbm>> -> memref<1x32xf32, #tpu.memory_space<hbm>>
      tpu.enqueue_dma source(%dma_start3A_175 : memref<1x32xf32, #tpu.memory_space<hbm>>) target(%dma_start3A_173 : memref<1x32xf32, #tpu.memory_space<vmem>>) target_semaphore(%arg13 : memref<!tpu.dma_semaphore, #tpu.memory_space<semaphore_mem>>)
      %slice3A_176 = vector.extract_strided_slice %get3A_54 {offsets = [5], sizes = [1], strides = [1]} : vector<16xi32> to vector<1xi32>
      %squeeze3A_177 = vector.extract %slice3A_176[0] : i32 from vector<1xi32>
      %add3A_178 = arith.constant 5 : i32
      %add3A_179 = arith.addi %mul3A_51, %add3A_178 : i32
      %dma_start3A_180 = arith.constant 0 : i32
      %dma_start3A_181 = tpu.memref_slice %arg9[%add3A_179, %dma_start3A_180] : memref<256x32xf32, #tpu.memory_space<vmem>> -> memref<1x32xf32, #tpu.memory_space<vmem>>
      %dma_start3A_182 = arith.constant 0 : i32
      %dma_start3A_183 = tpu.memref_slice %arg4[%squeeze3A_177, %dma_start3A_182] : memref<1000000x32xf32, #tpu.memory_space<hbm>> -> memref<1x32xf32, #tpu.memory_space<hbm>>
      %dma_start3A_184 = arith.constant 0 : i32
      %dma_start3A_185 = tpu.memref_slice %arg9[%add3A_179, %dma_start3A_184] : memref<256x32xf32, #tpu.memory_space<vmem>> -> memref<1x32xf32, #tpu.memory_space<vmem>>
      %dma_start3A_186 = arith.constant 0 : i32
      %dma_start3A_187 = tpu.memref_slice %arg4[%squeeze3A_177, %dma_start3A_186] : memref<1000000x32xf32, #tpu.memory_space<hbm>> -> memref<1x32xf32, #tpu.memory_space<hbm>>
      tpu.enqueue_dma source(%dma_start3A_187 : memref<1x32xf32, #tpu.memory_space<hbm>>) target(%dma_start3A_185 : memref<1x32xf32, #tpu.memory_space<vmem>>) target_semaphore(%arg12 : memref<!tpu.dma_semaphore, #tpu.memory_space<semaphore_mem>>)
      %slice3A_188 = vector.extract_strided_slice %get3A_58 {offsets = [5], sizes = [1], strides = [1]} : vector<16xi32> to vector<1xi32>
      %squeeze3A_189 = vector.extract %slice3A_188[0] : i32 from vector<1xi32>
      %add3A_190 = arith.constant 5 : i32
      %add3A_191 = arith.addi %mul3A_51, %add3A_190 : i32
      %dma_start3A_192 = arith.constant 0 : i32
      %dma_start3A_193 = tpu.memref_slice %arg10[%add3A_191, %dma_start3A_192] : memref<256x32xf32, #tpu.memory_space<vmem>> -> memref<1x32xf32, #tpu.memory_space<vmem>>
      %dma_start3A_194 = arith.constant 0 : i32
      %dma_start3A_195 = tpu.memref_slice %arg5[%squeeze3A_189, %dma_start3A_194] : memref<1000000x32xf32, #tpu.memory_space<hbm>> -> memref<1x32xf32, #tpu.memory_space<hbm>>
      %dma_start3A_196 = arith.constant 0 : i32
      %dma_start3A_197 = tpu.memref_slice %arg10[%add3A_191, %dma_start3A_196] : memref<256x32xf32, #tpu.memory_space<vmem>> -> memref<1x32xf32, #tpu.memory_space<vmem>>
      %dma_start3A_198 = arith.constant 0 : i32
      %dma_start3A_199 = tpu.memref_slice %arg5[%squeeze3A_189, %dma_start3A_198] : memref<1000000x32xf32, #tpu.memory_space<hbm>> -> memref<1x32xf32, #tpu.memory_space<hbm>>
      tpu.enqueue_dma source(%dma_start3A_199 : memref<1x32xf32, #tpu.memory_space<hbm>>) target(%dma_start3A_197 : memref<1x32xf32, #tpu.memory_space<vmem>>) target_semaphore(%arg13 : memref<!tpu.dma_semaphore, #tpu.memory_space<semaphore_mem>>)
      %slice3A_200 = vector.extract_strided_slice %get3A_54 {offsets = [6], sizes = [1], strides = [1]} : vector<16xi32> to vector<1xi32>
      %squeeze3A_201 = vector.extract %slice3A_200[0] : i32 from vector<1xi32>
      %add3A_202 = arith.constant 6 : i32
      %add3A_203 = arith.addi %mul3A_51, %add3A_202 : i32
      %dma_start3A_204 = arith.constant 0 : i32
      %dma_start3A_205 = tpu.memref_slice %arg9[%add3A_203, %dma_start3A_204] : memref<256x32xf32, #tpu.memory_space<vmem>> -> memref<1x32xf32, #tpu.memory_space<vmem>>
      %dma_start3A_206 = arith.constant 0 : i32
      %dma_start3A_207 = tpu.memref_slice %arg4[%squeeze3A_201, %dma_start3A_206] : memref<1000000x32xf32, #tpu.memory_space<hbm>> -> memref<1x32xf32, #tpu.memory_space<hbm>>
      %dma_start3A_208 = arith.constant 0 : i32
      %dma_start3A_209 = tpu.memref_slice %arg9[%add3A_203, %dma_start3A_208] : memref<256x32xf32, #tpu.memory_space<vmem>> -> memref<1x32xf32, #tpu.memory_space<vmem>>
      %dma_start3A_210 = arith.constant 0 : i32
      %dma_start3A_211 = tpu.memref_slice %arg4[%squeeze3A_201, %dma_start3A_210] : memref<1000000x32xf32, #tpu.memory_space<hbm>> -> memref<1x32xf32, #tpu.memory_space<hbm>>
      tpu.enqueue_dma source(%dma_start3A_211 : memref<1x32xf32, #tpu.memory_space<hbm>>) target(%dma_start3A_209 : memref<1x32xf32, #tpu.memory_space<vmem>>) target_semaphore(%arg12 : memref<!tpu.dma_semaphore, #tpu.memory_space<semaphore_mem>>)
      %slice3A_212 = vector.extract_strided_slice %get3A_58 {offsets = [6], sizes = [1], strides = [1]} : vector<16xi32> to vector<1xi32>
      %squeeze3A_213 = vector.extract %slice3A_212[0] : i32 from vector<1xi32>
      %add3A_214 = arith.constant 6 : i32
      %add3A_215 = arith.addi %mul3A_51, %add3A_214 : i32
      %dma_start3A_216 = arith.constant 0 : i32
      %dma_start3A_217 = tpu.memref_slice %arg10[%add3A_215, %dma_start3A_216] : memref<256x32xf32, #tpu.memory_space<vmem>> -> memref<1x32xf32, #tpu.memory_space<vmem>>
      %dma_start3A_218 = arith.constant 0 : i32
      %dma_start3A_219 = tpu.memref_slice %arg5[%squeeze3A_213, %dma_start3A_218] : memref<1000000x32xf32, #tpu.memory_space<hbm>> -> memref<1x32xf32, #tpu.memory_space<hbm>>
      %dma_start3A_220 = arith.constant 0 : i32
      %dma_start3A_221 = tpu.memref_slice %arg10[%add3A_215, %dma_start3A_220] : memref<256x32xf32, #tpu.memory_space<vmem>> -> memref<1x32xf32, #tpu.memory_space<vmem>>
      %dma_start3A_222 = arith.constant 0 : i32
      %dma_start3A_223 = tpu.memref_slice %arg5[%squeeze3A_213, %dma_start3A_222] : memref<1000000x32xf32, #tpu.memory_space<hbm>> -> memref<1x32xf32, #tpu.memory_space<hbm>>
      tpu.enqueue_dma source(%dma_start3A_223 : memref<1x32xf32, #tpu.memory_space<hbm>>) target(%dma_start3A_221 : memref<1x32xf32, #tpu.memory_space<vmem>>) target_semaphore(%arg13 : memref<!tpu.dma_semaphore, #tpu.memory_space<semaphore_mem>>)
      %slice3A_224 = vector.extract_strided_slice %get3A_54 {offsets = [7], sizes = [1], strides = [1]} : vector<16xi32> to vector<1xi32>
      %squeeze3A_225 = vector.extract %slice3A_224[0] : i32 from vector<1xi32>
      %add3A_226 = arith.constant 7 : i32
      %add3A_227 = arith.addi %mul3A_51, %add3A_226 : i32
      %dma_start3A_228 = arith.constant 0 : i32
      %dma_start3A_229 = tpu.memref_slice %arg9[%add3A_227, %dma_start3A_228] : memref<256x32xf32, #tpu.memory_space<vmem>> -> memref<1x32xf32, #tpu.memory_space<vmem>>
      %dma_start3A_230 = arith.constant 0 : i32
      %dma_start3A_231 = tpu.memref_slice %arg4[%squeeze3A_225, %dma_start3A_230] : memref<1000000x32xf32, #tpu.memory_space<hbm>> -> memref<1x32xf32, #tpu.memory_space<hbm>>
      %dma_start3A_232 = arith.constant 0 : i32
      %dma_start3A_233 = tpu.memref_slice %arg9[%add3A_227, %dma_start3A_232] : memref<256x32xf32, #tpu.memory_space<vmem>> -> memref<1x32xf32, #tpu.memory_space<vmem>>
      %dma_start3A_234 = arith.constant 0 : i32
      %dma_start3A_235 = tpu.memref_slice %arg4[%squeeze3A_225, %dma_start3A_234] : memref<1000000x32xf32, #tpu.memory_space<hbm>> -> memref<1x32xf32, #tpu.memory_space<hbm>>
      tpu.enqueue_dma source(%dma_start3A_235 : memref<1x32xf32, #tpu.memory_space<hbm>>) target(%dma_start3A_233 : memref<1x32xf32, #tpu.memory_space<vmem>>) target_semaphore(%arg12 : memref<!tpu.dma_semaphore, #tpu.memory_space<semaphore_mem>>)
      %slice3A_236 = vector.extract_strided_slice %get3A_58 {offsets = [7], sizes = [1], strides = [1]} : vector<16xi32> to vector<1xi32>
      %squeeze3A_237 = vector.extract %slice3A_236[0] : i32 from vector<1xi32>
      %add3A_238 = arith.constant 7 : i32
      %add3A_239 = arith.addi %mul3A_51, %add3A_238 : i32
      %dma_start3A_240 = arith.constant 0 : i32
      %dma_start3A_241 = tpu.memref_slice %arg10[%add3A_239, %dma_start3A_240] : memref<256x32xf32, #tpu.memory_space<vmem>> -> memref<1x32xf32, #tpu.memory_space<vmem>>
      %dma_start3A_242 = arith.constant 0 : i32
      %dma_start3A_243 = tpu.memref_slice %arg5[%squeeze3A_237, %dma_start3A_242] : memref<1000000x32xf32, #tpu.memory_space<hbm>> -> memref<1x32xf32, #tpu.memory_space<hbm>>
      %dma_start3A_244 = arith.constant 0 : i32
      %dma_start3A_245 = tpu.memref_slice %arg10[%add3A_239, %dma_start3A_244] : memref<256x32xf32, #tpu.memory_space<vmem>> -> memref<1x32xf32, #tpu.memory_space<vmem>>
      %dma_start3A_246 = arith.constant 0 : i32
      %dma_start3A_247 = tpu.memref_slice %arg5[%squeeze3A_237, %dma_start3A_246] : memref<1000000x32xf32, #tpu.memory_space<hbm>> -> memref<1x32xf32, #tpu.memory_space<hbm>>
      tpu.enqueue_dma source(%dma_start3A_247 : memref<1x32xf32, #tpu.memory_space<hbm>>) target(%dma_start3A_245 : memref<1x32xf32, #tpu.memory_space<vmem>>) target_semaphore(%arg13 : memref<!tpu.dma_semaphore, #tpu.memory_space<semaphore_mem>>)
      %slice3A_248 = vector.extract_strided_slice %get3A_54 {offsets = [8], sizes = [1], strides = [1]} : vector<16xi32> to vector<1xi32>
      %squeeze3A_249 = vector.extract %slice3A_248[0] : i32 from vector<1xi32>
      %add3A_250 = arith.constant 8 : i32
      %add3A_251 = arith.addi %mul3A_51, %add3A_250 : i32
      %dma_start3A_252 = arith.constant 0 : i32
      %dma_start3A_253 = tpu.memref_slice %arg9[%add3A_251, %dma_start3A_252] : memref<256x32xf32, #tpu.memory_space<vmem>> -> memref<1x32xf32, #tpu.memory_space<vmem>>
      %dma_start3A_254 = arith.constant 0 : i32
      %dma_start3A_255 = tpu.memref_slice %arg4[%squeeze3A_249, %dma_start3A_254] : memref<1000000x32xf32, #tpu.memory_space<hbm>> -> memref<1x32xf32, #tpu.memory_space<hbm>>
      %dma_start3A_256 = arith.constant 0 : i32
      %dma_start3A_257 = tpu.memref_slice %arg9[%add3A_251, %dma_start3A_256] : memref<256x32xf32, #tpu.memory_space<vmem>> -> memref<1x32xf32, #tpu.memory_space<vmem>>
      %dma_start3A_258 = arith.constant 0 : i32
      %dma_start3A_259 = tpu.memref_slice %arg4[%squeeze3A_249, %dma_start3A_258] : memref<1000000x32xf32, #tpu.memory_space<hbm>> -> memref<1x32xf32, #tpu.memory_space<hbm>>
      tpu.enqueue_dma source(%dma_start3A_259 : memref<1x32xf32, #tpu.memory_space<hbm>>) target(%dma_start3A_257 : memref<1x32xf32, #tpu.memory_space<vmem>>) target_semaphore(%arg12 : memref<!tpu.dma_semaphore, #tpu.memory_space<semaphore_mem>>)
      %slice3A_260 = vector.extract_strided_slice %get3A_58 {offsets = [8], sizes = [1], strides = [1]} : vector<16xi32> to vector<1xi32>
      %squeeze3A_261 = vector.extract %slice3A_260[0] : i32 from vector<1xi32>
      %add3A_262 = arith.constant 8 : i32
      %add3A_263 = arith.addi %mul3A_51, %add3A_262 : i32
      %dma_start3A_264 = arith.constant 0 : i32
      %dma_start3A_265 = tpu.memref_slice %arg10[%add3A_263, %dma_start3A_264] : memref<256x32xf32, #tpu.memory_space<vmem>> -> memref<1x32xf32, #tpu.memory_space<vmem>>
      %dma_start3A_266 = arith.constant 0 : i32
      %dma_start3A_267 = tpu.memref_slice %arg5[%squeeze3A_261, %dma_start3A_266] : memref<1000000x32xf32, #tpu.memory_space<hbm>> -> memref<1x32xf32, #tpu.memory_space<hbm>>
      %dma_start3A_268 = arith.constant 0 : i32
      %dma_start3A_269 = tpu.memref_slice %arg10[%add3A_263, %dma_start3A_268] : memref<256x32xf32, #tpu.memory_space<vmem>> -> memref<1x32xf32, #tpu.memory_space<vmem>>
      %dma_start3A_270 = arith.constant 0 : i32
      %dma_start3A_271 = tpu.memref_slice %arg5[%squeeze3A_261, %dma_start3A_270] : memref<1000000x32xf32, #tpu.memory_space<hbm>> -> memref<1x32xf32, #tpu.memory_space<hbm>>
      tpu.enqueue_dma source(%dma_start3A_271 : memref<1x32xf32, #tpu.memory_space<hbm>>) target(%dma_start3A_269 : memref<1x32xf32, #tpu.memory_space<vmem>>) target_semaphore(%arg13 : memref<!tpu.dma_semaphore, #tpu.memory_space<semaphore_mem>>)
      %slice3A_272 = vector.extract_strided_slice %get3A_54 {offsets = [9], sizes = [1], strides = [1]} : vector<16xi32> to vector<1xi32>
      %squeeze3A_273 = vector.extract %slice3A_272[0] : i32 from vector<1xi32>
      %add3A_274 = arith.constant 9 : i32
      %add3A_275 = arith.addi %mul3A_51, %add3A_274 : i32
      %dma_start3A_276 = arith.constant 0 : i32
      %dma_start3A_277 = tpu.memref_slice %arg9[%add3A_275, %dma_start3A_276] : memref<256x32xf32, #tpu.memory_space<vmem>> -> memref<1x32xf32, #tpu.memory_space<vmem>>
      %dma_start3A_278 = arith.constant 0 : i32
      %dma_start3A_279 = tpu.memref_slice %arg4[%squeeze3A_273, %dma_start3A_278] : memref<1000000x32xf32, #tpu.memory_space<hbm>> -> memref<1x32xf32, #tpu.memory_space<hbm>>
      %dma_start3A_280 = arith.constant 0 : i32
      %dma_start3A_281 = tpu.memref_slice %arg9[%add3A_275, %dma_start3A_280] : memref<256x32xf32, #tpu.memory_space<vmem>> -> memref<1x32xf32, #tpu.memory_space<vmem>>
      %dma_start3A_282 = arith.constant 0 : i32
      %dma_start3A_283 = tpu.memref_slice %arg4[%squeeze3A_273, %dma_start3A_282] : memref<1000000x32xf32, #tpu.memory_space<hbm>> -> memref<1x32xf32, #tpu.memory_space<hbm>>
      tpu.enqueue_dma source(%dma_start3A_283 : memref<1x32xf32, #tpu.memory_space<hbm>>) target(%dma_start3A_281 : memref<1x32xf32, #tpu.memory_space<vmem>>) target_semaphore(%arg12 : memref<!tpu.dma_semaphore, #tpu.memory_space<semaphore_mem>>)
      %slice3A_284 = vector.extract_strided_slice %get3A_58 {offsets = [9], sizes = [1], strides = [1]} : vector<16xi32> to vector<1xi32>
      %squeeze3A_285 = vector.extract %slice3A_284[0] : i32 from vector<1xi32>
      %add3A_286 = arith.constant 9 : i32
      %add3A_287 = arith.addi %mul3A_51, %add3A_286 : i32
      %dma_start3A_288 = arith.constant 0 : i32
      %dma_start3A_289 = tpu.memref_slice %arg10[%add3A_287, %dma_start3A_288] : memref<256x32xf32, #tpu.memory_space<vmem>> -> memref<1x32xf32, #tpu.memory_space<vmem>>
      %dma_start3A_290 = arith.constant 0 : i32
      %dma_start3A_291 = tpu.memref_slice %arg5[%squeeze3A_285, %dma_start3A_290] : memref<1000000x32xf32, #tpu.memory_space<hbm>> -> memref<1x32xf32, #tpu.memory_space<hbm>>
      %dma_start3A_292 = arith.constant 0 : i32
      %dma_start3A_293 = tpu.memref_slice %arg10[%add3A_287, %dma_start3A_292] : memref<256x32xf32, #tpu.memory_space<vmem>> -> memref<1x32xf32, #tpu.memory_space<vmem>>
      %dma_start3A_294 = arith.constant 0 : i32
      %dma_start3A_295 = tpu.memref_slice %arg5[%squeeze3A_285, %dma_start3A_294] : memref<1000000x32xf32, #tpu.memory_space<hbm>> -> memref<1x32xf32, #tpu.memory_space<hbm>>
      tpu.enqueue_dma source(%dma_start3A_295 : memref<1x32xf32, #tpu.memory_space<hbm>>) target(%dma_start3A_293 : memref<1x32xf32, #tpu.memory_space<vmem>>) target_semaphore(%arg13 : memref<!tpu.dma_semaphore, #tpu.memory_space<semaphore_mem>>)
      %slice3A_296 = vector.extract_strided_slice %get3A_54 {offsets = [10], sizes = [1], strides = [1]} : vector<16xi32> to vector<1xi32>
      %squeeze3A_297 = vector.extract %slice3A_296[0] : i32 from vector<1xi32>
      %add3A_298 = arith.constant 10 : i32
      %add3A_299 = arith.addi %mul3A_51, %add3A_298 : i32
      %dma_start3A_300 = arith.constant 0 : i32
      %dma_start3A_301 = tpu.memref_slice %arg9[%add3A_299, %dma_start3A_300] : memref<256x32xf32, #tpu.memory_space<vmem>> -> memref<1x32xf32, #tpu.memory_space<vmem>>
      %dma_start3A_302 = arith.constant 0 : i32
      %dma_start3A_303 = tpu.memref_slice %arg4[%squeeze3A_297, %dma_start3A_302] : memref<1000000x32xf32, #tpu.memory_space<hbm>> -> memref<1x32xf32, #tpu.memory_space<hbm>>
      %dma_start3A_304 = arith.constant 0 : i32
      %dma_start3A_305 = tpu.memref_slice %arg9[%add3A_299, %dma_start3A_304] : memref<256x32xf32, #tpu.memory_space<vmem>> -> memref<1x32xf32, #tpu.memory_space<vmem>>
      %dma_start3A_306 = arith.constant 0 : i32
      %dma_start3A_307 = tpu.memref_slice %arg4[%squeeze3A_297, %dma_start3A_306] : memref<1000000x32xf32, #tpu.memory_space<hbm>> -> memref<1x32xf32, #tpu.memory_space<hbm>>
      tpu.enqueue_dma source(%dma_start3A_307 : memref<1x32xf32, #tpu.memory_space<hbm>>) target(%dma_start3A_305 : memref<1x32xf32, #tpu.memory_space<vmem>>) target_semaphore(%arg12 : memref<!tpu.dma_semaphore, #tpu.memory_space<semaphore_mem>>)
      %slice3A_308 = vector.extract_strided_slice %get3A_58 {offsets = [10], sizes = [1], strides = [1]} : vector<16xi32> to vector<1xi32>
      %squeeze3A_309 = vector.extract %slice3A_308[0] : i32 from vector<1xi32>
      %add3A_310 = arith.constant 10 : i32
      %add3A_311 = arith.addi %mul3A_51, %add3A_310 : i32
      %dma_start3A_312 = arith.constant 0 : i32
      %dma_start3A_313 = tpu.memref_slice %arg10[%add3A_311, %dma_start3A_312] : memref<256x32xf32, #tpu.memory_space<vmem>> -> memref<1x32xf32, #tpu.memory_space<vmem>>
      %dma_start3A_314 = arith.constant 0 : i32
      %dma_start3A_315 = tpu.memref_slice %arg5[%squeeze3A_309, %dma_start3A_314] : memref<1000000x32xf32, #tpu.memory_space<hbm>> -> memref<1x32xf32, #tpu.memory_space<hbm>>
      %dma_start3A_316 = arith.constant 0 : i32
      %dma_start3A_317 = tpu.memref_slice %arg10[%add3A_311, %dma_start3A_316] : memref<256x32xf32, #tpu.memory_space<vmem>> -> memref<1x32xf32, #tpu.memory_space<vmem>>
      %dma_start3A_318 = arith.constant 0 : i32
      %dma_start3A_319 = tpu.memref_slice %arg5[%squeeze3A_309, %dma_start3A_318] : memref<1000000x32xf32, #tpu.memory_space<hbm>> -> memref<1x32xf32, #tpu.memory_space<hbm>>
      tpu.enqueue_dma source(%dma_start3A_319 : memref<1x32xf32, #tpu.memory_space<hbm>>) target(%dma_start3A_317 : memref<1x32xf32, #tpu.memory_space<vmem>>) target_semaphore(%arg13 : memref<!tpu.dma_semaphore, #tpu.memory_space<semaphore_mem>>)
      %slice3A_320 = vector.extract_strided_slice %get3A_54 {offsets = [11], sizes = [1], strides = [1]} : vector<16xi32> to vector<1xi32>
      %squeeze3A_321 = vector.extract %slice3A_320[0] : i32 from vector<1xi32>
      %add3A_322 = arith.constant 11 : i32
      %add3A_323 = arith.addi %mul3A_51, %add3A_322 : i32
      %dma_start3A_324 = arith.constant 0 : i32
      %dma_start3A_325 = tpu.memref_slice %arg9[%add3A_323, %dma_start3A_324] : memref<256x32xf32, #tpu.memory_space<vmem>> -> memref<1x32xf32, #tpu.memory_space<vmem>>
      %dma_start3A_326 = arith.constant 0 : i32
      %dma_start3A_327 = tpu.memref_slice %arg4[%squeeze3A_321, %dma_start3A_326] : memref<1000000x32xf32, #tpu.memory_space<hbm>> -> memref<1x32xf32, #tpu.memory_space<hbm>>
      %dma_start3A_328 = arith.constant 0 : i32
      %dma_start3A_329 = tpu.memref_slice %arg9[%add3A_323, %dma_start3A_328] : memref<256x32xf32, #tpu.memory_space<vmem>> -> memref<1x32xf32, #tpu.memory_space<vmem>>
      %dma_start3A_330 = arith.constant 0 : i32
      %dma_start3A_331 = tpu.memref_slice %arg4[%squeeze3A_321, %dma_start3A_330] : memref<1000000x32xf32, #tpu.memory_space<hbm>> -> memref<1x32xf32, #tpu.memory_space<hbm>>
      tpu.enqueue_dma source(%dma_start3A_331 : memref<1x32xf32, #tpu.memory_space<hbm>>) target(%dma_start3A_329 : memref<1x32xf32, #tpu.memory_space<vmem>>) target_semaphore(%arg12 : memref<!tpu.dma_semaphore, #tpu.memory_space<semaphore_mem>>)
      %slice3A_332 = vector.extract_strided_slice %get3A_58 {offsets = [11], sizes = [1], strides = [1]} : vector<16xi32> to vector<1xi32>
      %squeeze3A_333 = vector.extract %slice3A_332[0] : i32 from vector<1xi32>
      %add3A_334 = arith.constant 11 : i32
      %add3A_335 = arith.addi %mul3A_51, %add3A_334 : i32
      %dma_start3A_336 = arith.constant 0 : i32
      %dma_start3A_337 = tpu.memref_slice %arg10[%add3A_335, %dma_start3A_336] : memref<256x32xf32, #tpu.memory_space<vmem>> -> memref<1x32xf32, #tpu.memory_space<vmem>>
      %dma_start3A_338 = arith.constant 0 : i32
      %dma_start3A_339 = tpu.memref_slice %arg5[%squeeze3A_333, %dma_start3A_338] : memref<1000000x32xf32, #tpu.memory_space<hbm>> -> memref<1x32xf32, #tpu.memory_space<hbm>>
      %dma_start3A_340 = arith.constant 0 : i32
      %dma_start3A_341 = tpu.memref_slice %arg10[%add3A_335, %dma_start3A_340] : memref<256x32xf32, #tpu.memory_space<vmem>> -> memref<1x32xf32, #tpu.memory_space<vmem>>
      %dma_start3A_342 = arith.constant 0 : i32
      %dma_start3A_343 = tpu.memref_slice %arg5[%squeeze3A_333, %dma_start3A_342] : memref<1000000x32xf32, #tpu.memory_space<hbm>> -> memref<1x32xf32, #tpu.memory_space<hbm>>
      tpu.enqueue_dma source(%dma_start3A_343 : memref<1x32xf32, #tpu.memory_space<hbm>>) target(%dma_start3A_341 : memref<1x32xf32, #tpu.memory_space<vmem>>) target_semaphore(%arg13 : memref<!tpu.dma_semaphore, #tpu.memory_space<semaphore_mem>>)
      %slice3A_344 = vector.extract_strided_slice %get3A_54 {offsets = [12], sizes = [1], strides = [1]} : vector<16xi32> to vector<1xi32>
      %squeeze3A_345 = vector.extract %slice3A_344[0] : i32 from vector<1xi32>
      %add3A_346 = arith.constant 12 : i32
      %add3A_347 = arith.addi %mul3A_51, %add3A_346 : i32
      %dma_start3A_348 = arith.constant 0 : i32
      %dma_start3A_349 = tpu.memref_slice %arg9[%add3A_347, %dma_start3A_348] : memref<256x32xf32, #tpu.memory_space<vmem>> -> memref<1x32xf32, #tpu.memory_space<vmem>>
      %dma_start3A_350 = arith.constant 0 : i32
      %dma_start3A_351 = tpu.memref_slice %arg4[%squeeze3A_345, %dma_start3A_350] : memref<1000000x32xf32, #tpu.memory_space<hbm>> -> memref<1x32xf32, #tpu.memory_space<hbm>>
      %dma_start3A_352 = arith.constant 0 : i32
      %dma_start3A_353 = tpu.memref_slice %arg9[%add3A_347, %dma_start3A_352] : memref<256x32xf32, #tpu.memory_space<vmem>> -> memref<1x32xf32, #tpu.memory_space<vmem>>
      %dma_start3A_354 = arith.constant 0 : i32
      %dma_start3A_355 = tpu.memref_slice %arg4[%squeeze3A_345, %dma_start3A_354] : memref<1000000x32xf32, #tpu.memory_space<hbm>> -> memref<1x32xf32, #tpu.memory_space<hbm>>
      tpu.enqueue_dma source(%dma_start3A_355 : memref<1x32xf32, #tpu.memory_space<hbm>>) target(%dma_start3A_353 : memref<1x32xf32, #tpu.memory_space<vmem>>) target_semaphore(%arg12 : memref<!tpu.dma_semaphore, #tpu.memory_space<semaphore_mem>>)
      %slice3A_356 = vector.extract_strided_slice %get3A_58 {offsets = [12], sizes = [1], strides = [1]} : vector<16xi32> to vector<1xi32>
      %squeeze3A_357 = vector.extract %slice3A_356[0] : i32 from vector<1xi32>
      %add3A_358 = arith.constant 12 : i32
      %add3A_359 = arith.addi %mul3A_51, %add3A_358 : i32
      %dma_start3A_360 = arith.constant 0 : i32
      %dma_start3A_361 = tpu.memref_slice %arg10[%add3A_359, %dma_start3A_360] : memref<256x32xf32, #tpu.memory_space<vmem>> -> memref<1x32xf32, #tpu.memory_space<vmem>>
      %dma_start3A_362 = arith.constant 0 : i32
      %dma_start3A_363 = tpu.memref_slice %arg5[%squeeze3A_357, %dma_start3A_362] : memref<1000000x32xf32, #tpu.memory_space<hbm>> -> memref<1x32xf32, #tpu.memory_space<hbm>>
      %dma_start3A_364 = arith.constant 0 : i32
      %dma_start3A_365 = tpu.memref_slice %arg10[%add3A_359, %dma_start3A_364] : memref<256x32xf32, #tpu.memory_space<vmem>> -> memref<1x32xf32, #tpu.memory_space<vmem>>
      %dma_start3A_366 = arith.constant 0 : i32
      %dma_start3A_367 = tpu.memref_slice %arg5[%squeeze3A_357, %dma_start3A_366] : memref<1000000x32xf32, #tpu.memory_space<hbm>> -> memref<1x32xf32, #tpu.memory_space<hbm>>
      tpu.enqueue_dma source(%dma_start3A_367 : memref<1x32xf32, #tpu.memory_space<hbm>>) target(%dma_start3A_365 : memref<1x32xf32, #tpu.memory_space<vmem>>) target_semaphore(%arg13 : memref<!tpu.dma_semaphore, #tpu.memory_space<semaphore_mem>>)
      %slice3A_368 = vector.extract_strided_slice %get3A_54 {offsets = [13], sizes = [1], strides = [1]} : vector<16xi32> to vector<1xi32>
      %squeeze3A_369 = vector.extract %slice3A_368[0] : i32 from vector<1xi32>
      %add3A_370 = arith.constant 13 : i32
      %add3A_371 = arith.addi %mul3A_51, %add3A_370 : i32
      %dma_start3A_372 = arith.constant 0 : i32
      %dma_start3A_373 = tpu.memref_slice %arg9[%add3A_371, %dma_start3A_372] : memref<256x32xf32, #tpu.memory_space<vmem>> -> memref<1x32xf32, #tpu.memory_space<vmem>>
      %dma_start3A_374 = arith.constant 0 : i32
      %dma_start3A_375 = tpu.memref_slice %arg4[%squeeze3A_369, %dma_start3A_374] : memref<1000000x32xf32, #tpu.memory_space<hbm>> -> memref<1x32xf32, #tpu.memory_space<hbm>>
      %dma_start3A_376 = arith.constant 0 : i32
      %dma_start3A_377 = tpu.memref_slice %arg9[%add3A_371, %dma_start3A_376] : memref<256x32xf32, #tpu.memory_space<vmem>> -> memref<1x32xf32, #tpu.memory_space<vmem>>
      %dma_start3A_378 = arith.constant 0 : i32
      %dma_start3A_379 = tpu.memref_slice %arg4[%squeeze3A_369, %dma_start3A_378] : memref<1000000x32xf32, #tpu.memory_space<hbm>> -> memref<1x32xf32, #tpu.memory_space<hbm>>
      tpu.enqueue_dma source(%dma_start3A_379 : memref<1x32xf32, #tpu.memory_space<hbm>>) target(%dma_start3A_377 : memref<1x32xf32, #tpu.memory_space<vmem>>) target_semaphore(%arg12 : memref<!tpu.dma_semaphore, #tpu.memory_space<semaphore_mem>>)
      %slice3A_380 = vector.extract_strided_slice %get3A_58 {offsets = [13], sizes = [1], strides = [1]} : vector<16xi32> to vector<1xi32>
      %squeeze3A_381 = vector.extract %slice3A_380[0] : i32 from vector<1xi32>
      %add3A_382 = arith.constant 13 : i32
      %add3A_383 = arith.addi %mul3A_51, %add3A_382 : i32
      %dma_start3A_384 = arith.constant 0 : i32
      %dma_start3A_385 = tpu.memref_slice %arg10[%add3A_383, %dma_start3A_384] : memref<256x32xf32, #tpu.memory_space<vmem>> -> memref<1x32xf32, #tpu.memory_space<vmem>>
      %dma_start3A_386 = arith.constant 0 : i32
      %dma_start3A_387 = tpu.memref_slice %arg5[%squeeze3A_381, %dma_start3A_386] : memref<1000000x32xf32, #tpu.memory_space<hbm>> -> memref<1x32xf32, #tpu.memory_space<hbm>>
      %dma_start3A_388 = arith.constant 0 : i32
      %dma_start3A_389 = tpu.memref_slice %arg10[%add3A_383, %dma_start3A_388] : memref<256x32xf32, #tpu.memory_space<vmem>> -> memref<1x32xf32, #tpu.memory_space<vmem>>
      %dma_start3A_390 = arith.constant 0 : i32
      %dma_start3A_391 = tpu.memref_slice %arg5[%squeeze3A_381, %dma_start3A_390] : memref<1000000x32xf32, #tpu.memory_space<hbm>> -> memref<1x32xf32, #tpu.memory_space<hbm>>
      tpu.enqueue_dma source(%dma_start3A_391 : memref<1x32xf32, #tpu.memory_space<hbm>>) target(%dma_start3A_389 : memref<1x32xf32, #tpu.memory_space<vmem>>) target_semaphore(%arg13 : memref<!tpu.dma_semaphore, #tpu.memory_space<semaphore_mem>>)
      %slice3A_392 = vector.extract_strided_slice %get3A_54 {offsets = [14], sizes = [1], strides = [1]} : vector<16xi32> to vector<1xi32>
      %squeeze3A_393 = vector.extract %slice3A_392[0] : i32 from vector<1xi32>
      %add3A_394 = arith.constant 14 : i32
      %add3A_395 = arith.addi %mul3A_51, %add3A_394 : i32
      %dma_start3A_396 = arith.constant 0 : i32
      %dma_start3A_397 = tpu.memref_slice %arg9[%add3A_395, %dma_start3A_396] : memref<256x32xf32, #tpu.memory_space<vmem>> -> memref<1x32xf32, #tpu.memory_space<vmem>>
      %dma_start3A_398 = arith.constant 0 : i32
      %dma_start3A_399 = tpu.memref_slice %arg4[%squeeze3A_393, %dma_start3A_398] : memref<1000000x32xf32, #tpu.memory_space<hbm>> -> memref<1x32xf32, #tpu.memory_space<hbm>>
      %dma_start3A_400 = arith.constant 0 : i32
      %dma_start3A_401 = tpu.memref_slice %arg9[%add3A_395, %dma_start3A_400] : memref<256x32xf32, #tpu.memory_space<vmem>> -> memref<1x32xf32, #tpu.memory_space<vmem>>
      %dma_start3A_402 = arith.constant 0 : i32
      %dma_start3A_403 = tpu.memref_slice %arg4[%squeeze3A_393, %dma_start3A_402] : memref<1000000x32xf32, #tpu.memory_space<hbm>> -> memref<1x32xf32, #tpu.memory_space<hbm>>
      tpu.enqueue_dma source(%dma_start3A_403 : memref<1x32xf32, #tpu.memory_space<hbm>>) target(%dma_start3A_401 : memref<1x32xf32, #tpu.memory_space<vmem>>) target_semaphore(%arg12 : memref<!tpu.dma_semaphore, #tpu.memory_space<semaphore_mem>>)
      %slice3A_404 = vector.extract_strided_slice %get3A_58 {offsets = [14], sizes = [1], strides = [1]} : vector<16xi32> to vector<1xi32>
      %squeeze3A_405 = vector.extract %slice3A_404[0] : i32 from vector<1xi32>
      %add3A_406 = arith.constant 14 : i32
      %add3A_407 = arith.addi %mul3A_51, %add3A_406 : i32
      %dma_start3A_408 = arith.constant 0 : i32
      %dma_start3A_409 = tpu.memref_slice %arg10[%add3A_407, %dma_start3A_408] : memref<256x32xf32, #tpu.memory_space<vmem>> -> memref<1x32xf32, #tpu.memory_space<vmem>>
      %dma_start3A_410 = arith.constant 0 : i32
      %dma_start3A_411 = tpu.memref_slice %arg5[%squeeze3A_405, %dma_start3A_410] : memref<1000000x32xf32, #tpu.memory_space<hbm>> -> memref<1x32xf32, #tpu.memory_space<hbm>>
      %dma_start3A_412 = arith.constant 0 : i32
      %dma_start3A_413 = tpu.memref_slice %arg10[%add3A_407, %dma_start3A_412] : memref<256x32xf32, #tpu.memory_space<vmem>> -> memref<1x32xf32, #tpu.memory_space<vmem>>
      %dma_start3A_414 = arith.constant 0 : i32
      %dma_start3A_415 = tpu.memref_slice %arg5[%squeeze3A_405, %dma_start3A_414] : memref<1000000x32xf32, #tpu.memory_space<hbm>> -> memref<1x32xf32, #tpu.memory_space<hbm>>
      tpu.enqueue_dma source(%dma_start3A_415 : memref<1x32xf32, #tpu.memory_space<hbm>>) target(%dma_start3A_413 : memref<1x32xf32, #tpu.memory_space<vmem>>) target_semaphore(%arg13 : memref<!tpu.dma_semaphore, #tpu.memory_space<semaphore_mem>>)
      %slice3A_416 = vector.extract_strided_slice %get3A_54 {offsets = [15], sizes = [1], strides = [1]} : vector<16xi32> to vector<1xi32>
      %squeeze3A_417 = vector.extract %slice3A_416[0] : i32 from vector<1xi32>
      %add3A_418 = arith.constant 15 : i32
      %add3A_419 = arith.addi %mul3A_51, %add3A_418 : i32
      %dma_start3A_420 = arith.constant 0 : i32
      %dma_start3A_421 = tpu.memref_slice %arg9[%add3A_419, %dma_start3A_420] : memref<256x32xf32, #tpu.memory_space<vmem>> -> memref<1x32xf32, #tpu.memory_space<vmem>>
      %dma_start3A_422 = arith.constant 0 : i32
      %dma_start3A_423 = tpu.memref_slice %arg4[%squeeze3A_417, %dma_start3A_422] : memref<1000000x32xf32, #tpu.memory_space<hbm>> -> memref<1x32xf32, #tpu.memory_space<hbm>>
      %dma_start3A_424 = arith.constant 0 : i32
      %dma_start3A_425 = tpu.memref_slice %arg9[%add3A_419, %dma_start3A_424] : memref<256x32xf32, #tpu.memory_space<vmem>> -> memref<1x32xf32, #tpu.memory_space<vmem>>
      %dma_start3A_426 = arith.constant 0 : i32
      %dma_start3A_427 = tpu.memref_slice %arg4[%squeeze3A_417, %dma_start3A_426] : memref<1000000x32xf32, #tpu.memory_space<hbm>> -> memref<1x32xf32, #tpu.memory_space<hbm>>
      tpu.enqueue_dma source(%dma_start3A_427 : memref<1x32xf32, #tpu.memory_space<hbm>>) target(%dma_start3A_425 : memref<1x32xf32, #tpu.memory_space<vmem>>) target_semaphore(%arg12 : memref<!tpu.dma_semaphore, #tpu.memory_space<semaphore_mem>>)
      %slice3A_428 = vector.extract_strided_slice %get3A_58 {offsets = [15], sizes = [1], strides = [1]} : vector<16xi32> to vector<1xi32>
      %squeeze3A_429 = vector.extract %slice3A_428[0] : i32 from vector<1xi32>
      %add3A_430 = arith.constant 15 : i32
      %add3A_431 = arith.addi %mul3A_51, %add3A_430 : i32
      %dma_start3A_432 = arith.constant 0 : i32
      %dma_start3A_433 = tpu.memref_slice %arg10[%add3A_431, %dma_start3A_432] : memref<256x32xf32, #tpu.memory_space<vmem>> -> memref<1x32xf32, #tpu.memory_space<vmem>>
      %dma_start3A_434 = arith.constant 0 : i32
      %dma_start3A_435 = tpu.memref_slice %arg5[%squeeze3A_429, %dma_start3A_434] : memref<1000000x32xf32, #tpu.memory_space<hbm>> -> memref<1x32xf32, #tpu.memory_space<hbm>>
      %dma_start3A_436 = arith.constant 0 : i32
      %dma_start3A_437 = tpu.memref_slice %arg10[%add3A_431, %dma_start3A_436] : memref<256x32xf32, #tpu.memory_space<vmem>> -> memref<1x32xf32, #tpu.memory_space<vmem>>
      %dma_start3A_438 = arith.constant 0 : i32
      %dma_start3A_439 = tpu.memref_slice %arg5[%squeeze3A_429, %dma_start3A_438] : memref<1000000x32xf32, #tpu.memory_space<hbm>> -> memref<1x32xf32, #tpu.memory_space<hbm>>
      tpu.enqueue_dma source(%dma_start3A_439 : memref<1x32xf32, #tpu.memory_space<hbm>>) target(%dma_start3A_437 : memref<1x32xf32, #tpu.memory_space<vmem>>) target_semaphore(%arg13 : memref<!tpu.dma_semaphore, #tpu.memory_space<semaphore_mem>>)
    }
    %scan3A_7 = arith.constant 16 : i32
    %dma_wait3A = arith.constant 0 : i32
    %dma_wait3A_8 = arith.constant 0 : i32
    %dma_wait3A_9 = tpu.memref_slice %arg4[%dma_wait3A, %dma_wait3A_8] : memref<1000000x32xf32, #tpu.memory_space<hbm>> -> memref<256x32xf32, #tpu.memory_space<hbm>>
    %dma_wait3A_10 = arith.constant 0 : i32
    %dma_wait3A_11 = arith.constant 0 : i32
    %dma_wait3A_12 = tpu.memref_slice %arg4[%dma_wait3A_10, %dma_wait3A_11] : memref<1000000x32xf32, #tpu.memory_space<hbm>> -> memref<256x32xf32, #tpu.memory_space<hbm>>
    tpu.wait_dma2 semaphore(%arg12 : memref<!tpu.dma_semaphore, #tpu.memory_space<semaphore_mem>>) src(%dma_wait3A_12 : memref<256x32xf32, #tpu.memory_space<hbm>>) dst(%arg9 : memref<256x32xf32, #tpu.memory_space<vmem>>)
    %dma_wait3A_13 = arith.constant 0 : i32
    %dma_wait3A_14 = arith.constant 0 : i32
    %dma_wait3A_15 = tpu.memref_slice %arg5[%dma_wait3A_13, %dma_wait3A_14] : memref<1000000x32xf32, #tpu.memory_space<hbm>> -> memref<256x32xf32, #tpu.memory_space<hbm>>
    %dma_wait3A_16 = arith.constant 0 : i32
    %dma_wait3A_17 = arith.constant 0 : i32
    %dma_wait3A_18 = tpu.memref_slice %arg5[%dma_wait3A_16, %dma_wait3A_17] : memref<1000000x32xf32, #tpu.memory_space<hbm>> -> memref<256x32xf32, #tpu.memory_space<hbm>>
    tpu.wait_dma2 semaphore(%arg13 : memref<!tpu.dma_semaphore, #tpu.memory_space<semaphore_mem>>) src(%dma_wait3A_18 : memref<256x32xf32, #tpu.memory_space<hbm>>) dst(%arg10 : memref<256x32xf32, #tpu.memory_space<vmem>>)
    %scan3A_19 = arith.constant 0 : i32
    %scan3A_20 = arith.constant 0 : i32
    %scan3A_21 = arith.constant 16 : i32
    %scan3A_22 = arith.addi %scan3A_20, %scan3A_21 : i32
    %scan3A_23 = arith.constant 1 : i32
    scf.for %scan3A_49 = %scan3A_20 to %scan3A_22 step %scan3A_23  : i32 {
      %mul3A_50 = arith.constant 16 : i32
      %mul3A_51 = arith.muli %scan3A_49, %mul3A_50 : i32
      %add3A_52 = vector.broadcast %mul3A_51 : i32 to vector<16xi32>
      %add3A_53 = arith.addi %add3A_52, %iota3A : vector<16xi32>
      %broadcast_in_dim3A = arith.constant 0.000000e+00 : f32
      %broadcast_in_dim3A_54 = vector.broadcast %broadcast_in_dim3A : f32 to vector<16xf32>
      %broadcast_in_dim3A_55 = arith.constant 0 : i32
      %broadcast_in_dim3A_56 = vector.broadcast %broadcast_in_dim3A_55 : i32 to vector<16xi32>
      %gather3A = tpu.vector_load_idx %arg9[%add3A_53, %broadcast_in_dim3A_56] : memref<256x32xf32, #tpu.memory_space<vmem>>[vector<16xi32>, vector<16xi32>], vector<16xf32>,
      %gather3A_57 = tpu.vector_load_idx %arg10[%add3A_53, %broadcast_in_dim3A_56] : memref<256x32xf32, #tpu.memory_space<vmem>>[vector<16xi32>, vector<16xi32>], vector<16xf32>,
      %mul3A_58 = arith.mulf %gather3A, %gather3A_57 : vector<16xf32>
      %add3A_59 = arith.addf %broadcast_in_dim3A_54, %mul3A_58 : vector<16xf32>
      %broadcast_in_dim3A_60 = arith.constant 1 : i32
      %broadcast_in_dim3A_61 = vector.broadcast %broadcast_in_dim3A_60 : i32 to vector<16xi32>
      %gather3A_62 = tpu.vector_load_idx %arg9[%add3A_53, %broadcast_in_dim3A_61] : memref<256x32xf32, #tpu.memory_space<vmem>>[vector<16xi32>, vector<16xi32>], vector<16xf32>,
      %gather3A_63 = tpu.vector_load_idx %arg10[%add3A_53, %broadcast_in_dim3A_61] : memref<256x32xf32, #tpu.memory_space<vmem>>[vector<16xi32>, vector<16xi32>], vector<16xf32>,
      %mul3A_64 = arith.mulf %gather3A_62, %gather3A_63 : vector<16xf32>
      %add3A_65 = arith.addf %add3A_59, %mul3A_64 : vector<16xf32>
      %broadcast_in_dim3A_66 = arith.constant 2 : i32
      %broadcast_in_dim3A_67 = vector.broadcast %broadcast_in_dim3A_66 : i32 to vector<16xi32>
      %gather3A_68 = tpu.vector_load_idx %arg9[%add3A_53, %broadcast_in_dim3A_67] : memref<256x32xf32, #tpu.memory_space<vmem>>[vector<16xi32>, vector<16xi32>], vector<16xf32>,
      %gather3A_69 = tpu.vector_load_idx %arg10[%add3A_53, %broadcast_in_dim3A_67] : memref<256x32xf32, #tpu.memory_space<vmem>>[vector<16xi32>, vector<16xi32>], vector<16xf32>,
      %mul3A_70 = arith.mulf %gather3A_68, %gather3A_69 : vector<16xf32>
      %add3A_71 = arith.addf %add3A_65, %mul3A_70 : vector<16xf32>
      %broadcast_in_dim3A_72 = arith.constant 3 : i32
      %broadcast_in_dim3A_73 = vector.broadcast %broadcast_in_dim3A_72 : i32 to vector<16xi32>
      %gather3A_74 = tpu.vector_load_idx %arg9[%add3A_53, %broadcast_in_dim3A_73] : memref<256x32xf32, #tpu.memory_space<vmem>>[vector<16xi32>, vector<16xi32>], vector<16xf32>,
      %gather3A_75 = tpu.vector_load_idx %arg10[%add3A_53, %broadcast_in_dim3A_73] : memref<256x32xf32, #tpu.memory_space<vmem>>[vector<16xi32>, vector<16xi32>], vector<16xf32>,
      %mul3A_76 = arith.mulf %gather3A_74, %gather3A_75 : vector<16xf32>
      %add3A_77 = arith.addf %add3A_71, %mul3A_76 : vector<16xf32>
      %broadcast_in_dim3A_78 = arith.constant 4 : i32
      %broadcast_in_dim3A_79 = vector.broadcast %broadcast_in_dim3A_78 : i32 to vector<16xi32>
      %gather3A_80 = tpu.vector_load_idx %arg9[%add3A_53, %broadcast_in_dim3A_79] : memref<256x32xf32, #tpu.memory_space<vmem>>[vector<16xi32>, vector<16xi32>], vector<16xf32>,
      %gather3A_81 = tpu.vector_load_idx %arg10[%add3A_53, %broadcast_in_dim3A_79] : memref<256x32xf32, #tpu.memory_space<vmem>>[vector<16xi32>, vector<16xi32>], vector<16xf32>,
      %mul3A_82 = arith.mulf %gather3A_80, %gather3A_81 : vector<16xf32>
      %add3A_83 = arith.addf %add3A_77, %mul3A_82 : vector<16xf32>
      %broadcast_in_dim3A_84 = arith.constant 5 : i32
      %broadcast_in_dim3A_85 = vector.broadcast %broadcast_in_dim3A_84 : i32 to vector<16xi32>
      %gather3A_86 = tpu.vector_load_idx %arg9[%add3A_53, %broadcast_in_dim3A_85] : memref<256x32xf32, #tpu.memory_space<vmem>>[vector<16xi32>, vector<16xi32>], vector<16xf32>,
      %gather3A_87 = tpu.vector_load_idx %arg10[%add3A_53, %broadcast_in_dim3A_85] : memref<256x32xf32, #tpu.memory_space<vmem>>[vector<16xi32>, vector<16xi32>], vector<16xf32>,
      %mul3A_88 = arith.mulf %gather3A_86, %gather3A_87 : vector<16xf32>
      %add3A_89 = arith.addf %add3A_83, %mul3A_88 : vector<16xf32>
      %broadcast_in_dim3A_90 = arith.constant 6 : i32
      %broadcast_in_dim3A_91 = vector.broadcast %broadcast_in_dim3A_90 : i32 to vector<16xi32>
      %gather3A_92 = tpu.vector_load_idx %arg9[%add3A_53, %broadcast_in_dim3A_91] : memref<256x32xf32, #tpu.memory_space<vmem>>[vector<16xi32>, vector<16xi32>], vector<16xf32>,
      %gather3A_93 = tpu.vector_load_idx %arg10[%add3A_53, %broadcast_in_dim3A_91] : memref<256x32xf32, #tpu.memory_space<vmem>>[vector<16xi32>, vector<16xi32>], vector<16xf32>,
      %mul3A_94 = arith.mulf %gather3A_92, %gather3A_93 : vector<16xf32>
      %add3A_95 = arith.addf %add3A_89, %mul3A_94 : vector<16xf32>
      %broadcast_in_dim3A_96 = arith.constant 7 : i32
      %broadcast_in_dim3A_97 = vector.broadcast %broadcast_in_dim3A_96 : i32 to vector<16xi32>
      %gather3A_98 = tpu.vector_load_idx %arg9[%add3A_53, %broadcast_in_dim3A_97] : memref<256x32xf32, #tpu.memory_space<vmem>>[vector<16xi32>, vector<16xi32>], vector<16xf32>,
      %gather3A_99 = tpu.vector_load_idx %arg10[%add3A_53, %broadcast_in_dim3A_97] : memref<256x32xf32, #tpu.memory_space<vmem>>[vector<16xi32>, vector<16xi32>], vector<16xf32>,
      %mul3A_100 = arith.mulf %gather3A_98, %gather3A_99 : vector<16xf32>
      %add3A_101 = arith.addf %add3A_95, %mul3A_100 : vector<16xf32>
      %broadcast_in_dim3A_102 = arith.constant 8 : i32
      %broadcast_in_dim3A_103 = vector.broadcast %broadcast_in_dim3A_102 : i32 to vector<16xi32>
      %gather3A_104 = tpu.vector_load_idx %arg9[%add3A_53, %broadcast_in_dim3A_103] : memref<256x32xf32, #tpu.memory_space<vmem>>[vector<16xi32>, vector<16xi32>], vector<16xf32>,
      %gather3A_105 = tpu.vector_load_idx %arg10[%add3A_53, %broadcast_in_dim3A_103] : memref<256x32xf32, #tpu.memory_space<vmem>>[vector<16xi32>, vector<16xi32>], vector<16xf32>,
      %mul3A_106 = arith.mulf %gather3A_104, %gather3A_105 : vector<16xf32>
      %add3A_107 = arith.addf %add3A_101, %mul3A_106 : vector<16xf32>
      %broadcast_in_dim3A_108 = arith.constant 9 : i32
      %broadcast_in_dim3A_109 = vector.broadcast %broadcast_in_dim3A_108 : i32 to vector<16xi32>
      %gather3A_110 = tpu.vector_load_idx %arg9[%add3A_53, %broadcast_in_dim3A_109] : memref<256x32xf32, #tpu.memory_space<vmem>>[vector<16xi32>, vector<16xi32>], vector<16xf32>,
      %gather3A_111 = tpu.vector_load_idx %arg10[%add3A_53, %broadcast_in_dim3A_109] : memref<256x32xf32, #tpu.memory_space<vmem>>[vector<16xi32>, vector<16xi32>], vector<16xf32>,
      %mul3A_112 = arith.mulf %gather3A_110, %gather3A_111 : vector<16xf32>
      %add3A_113 = arith.addf %add3A_107, %mul3A_112 : vector<16xf32>
      %broadcast_in_dim3A_114 = arith.constant 10 : i32
      %broadcast_in_dim3A_115 = vector.broadcast %broadcast_in_dim3A_114 : i32 to vector<16xi32>
      %gather3A_116 = tpu.vector_load_idx %arg9[%add3A_53, %broadcast_in_dim3A_115] : memref<256x32xf32, #tpu.memory_space<vmem>>[vector<16xi32>, vector<16xi32>], vector<16xf32>,
      %gather3A_117 = tpu.vector_load_idx %arg10[%add3A_53, %broadcast_in_dim3A_115] : memref<256x32xf32, #tpu.memory_space<vmem>>[vector<16xi32>, vector<16xi32>], vector<16xf32>,
      %mul3A_118 = arith.mulf %gather3A_116, %gather3A_117 : vector<16xf32>
      %add3A_119 = arith.addf %add3A_113, %mul3A_118 : vector<16xf32>
      %broadcast_in_dim3A_120 = arith.constant 11 : i32
      %broadcast_in_dim3A_121 = vector.broadcast %broadcast_in_dim3A_120 : i32 to vector<16xi32>
      %gather3A_122 = tpu.vector_load_idx %arg9[%add3A_53, %broadcast_in_dim3A_121] : memref<256x32xf32, #tpu.memory_space<vmem>>[vector<16xi32>, vector<16xi32>], vector<16xf32>,
      %gather3A_123 = tpu.vector_load_idx %arg10[%add3A_53, %broadcast_in_dim3A_121] : memref<256x32xf32, #tpu.memory_space<vmem>>[vector<16xi32>, vector<16xi32>], vector<16xf32>,
      %mul3A_124 = arith.mulf %gather3A_122, %gather3A_123 : vector<16xf32>
      %add3A_125 = arith.addf %add3A_119, %mul3A_124 : vector<16xf32>
      %broadcast_in_dim3A_126 = arith.constant 12 : i32
      %broadcast_in_dim3A_127 = vector.broadcast %broadcast_in_dim3A_126 : i32 to vector<16xi32>
      %gather3A_128 = tpu.vector_load_idx %arg9[%add3A_53, %broadcast_in_dim3A_127] : memref<256x32xf32, #tpu.memory_space<vmem>>[vector<16xi32>, vector<16xi32>], vector<16xf32>,
      %gather3A_129 = tpu.vector_load_idx %arg10[%add3A_53, %broadcast_in_dim3A_127] : memref<256x32xf32, #tpu.memory_space<vmem>>[vector<16xi32>, vector<16xi32>], vector<16xf32>,
      %mul3A_130 = arith.mulf %gather3A_128, %gather3A_129 : vector<16xf32>
      %add3A_131 = arith.addf %add3A_125, %mul3A_130 : vector<16xf32>
      %broadcast_in_dim3A_132 = arith.constant 13 : i32
      %broadcast_in_dim3A_133 = vector.broadcast %broadcast_in_dim3A_132 : i32 to vector<16xi32>
      %gather3A_134 = tpu.vector_load_idx %arg9[%add3A_53, %broadcast_in_dim3A_133] : memref<256x32xf32, #tpu.memory_space<vmem>>[vector<16xi32>, vector<16xi32>], vector<16xf32>,
      %gather3A_135 = tpu.vector_load_idx %arg10[%add3A_53, %broadcast_in_dim3A_133] : memref<256x32xf32, #tpu.memory_space<vmem>>[vector<16xi32>, vector<16xi32>], vector<16xf32>,
      %mul3A_136 = arith.mulf %gather3A_134, %gather3A_135 : vector<16xf32>
      %add3A_137 = arith.addf %add3A_131, %mul3A_136 : vector<16xf32>
      %broadcast_in_dim3A_138 = arith.constant 14 : i32
      %broadcast_in_dim3A_139 = vector.broadcast %broadcast_in_dim3A_138 : i32 to vector<16xi32>
      %gather3A_140 = tpu.vector_load_idx %arg9[%add3A_53, %broadcast_in_dim3A_139] : memref<256x32xf32, #tpu.memory_space<vmem>>[vector<16xi32>, vector<16xi32>], vector<16xf32>,
      %gather3A_141 = tpu.vector_load_idx %arg10[%add3A_53, %broadcast_in_dim3A_139] : memref<256x32xf32, #tpu.memory_space<vmem>>[vector<16xi32>, vector<16xi32>], vector<16xf32>,
      %mul3A_142 = arith.mulf %gather3A_140, %gather3A_141 : vector<16xf32>
      %add3A_143 = arith.addf %add3A_137, %mul3A_142 : vector<16xf32>
      %broadcast_in_dim3A_144 = arith.constant 15 : i32
      %broadcast_in_dim3A_145 = vector.broadcast %broadcast_in_dim3A_144 : i32 to vector<16xi32>
      %gather3A_146 = tpu.vector_load_idx %arg9[%add3A_53, %broadcast_in_dim3A_145] : memref<256x32xf32, #tpu.memory_space<vmem>>[vector<16xi32>, vector<16xi32>], vector<16xf32>,
      %gather3A_147 = tpu.vector_load_idx %arg10[%add3A_53, %broadcast_in_dim3A_145] : memref<256x32xf32, #tpu.memory_space<vmem>>[vector<16xi32>, vector<16xi32>], vector<16xf32>,
      %mul3A_148 = arith.mulf %gather3A_146, %gather3A_147 : vector<16xf32>
      %add3A_149 = arith.addf %add3A_143, %mul3A_148 : vector<16xf32>
      %broadcast_in_dim3A_150 = arith.constant 16 : i32
      %broadcast_in_dim3A_151 = vector.broadcast %broadcast_in_dim3A_150 : i32 to vector<16xi32>
      %gather3A_152 = tpu.vector_load_idx %arg9[%add3A_53, %broadcast_in_dim3A_151] : memref<256x32xf32, #tpu.memory_space<vmem>>[vector<16xi32>, vector<16xi32>], vector<16xf32>,
      %gather3A_153 = tpu.vector_load_idx %arg10[%add3A_53, %broadcast_in_dim3A_151] : memref<256x32xf32, #tpu.memory_space<vmem>>[vector<16xi32>, vector<16xi32>], vector<16xf32>,
      %mul3A_154 = arith.mulf %gather3A_152, %gather3A_153 : vector<16xf32>
      %add3A_155 = arith.addf %add3A_149, %mul3A_154 : vector<16xf32>
      %broadcast_in_dim3A_156 = arith.constant 17 : i32
      %broadcast_in_dim3A_157 = vector.broadcast %broadcast_in_dim3A_156 : i32 to vector<16xi32>
      %gather3A_158 = tpu.vector_load_idx %arg9[%add3A_53, %broadcast_in_dim3A_157] : memref<256x32xf32, #tpu.memory_space<vmem>>[vector<16xi32>, vector<16xi32>], vector<16xf32>,
      %gather3A_159 = tpu.vector_load_idx %arg10[%add3A_53, %broadcast_in_dim3A_157] : memref<256x32xf32, #tpu.memory_space<vmem>>[vector<16xi32>, vector<16xi32>], vector<16xf32>,
      %mul3A_160 = arith.mulf %gather3A_158, %gather3A_159 : vector<16xf32>
      %add3A_161 = arith.addf %add3A_155, %mul3A_160 : vector<16xf32>
      %broadcast_in_dim3A_162 = arith.constant 18 : i32
      %broadcast_in_dim3A_163 = vector.broadcast %broadcast_in_dim3A_162 : i32 to vector<16xi32>
      %gather3A_164 = tpu.vector_load_idx %arg9[%add3A_53, %broadcast_in_dim3A_163] : memref<256x32xf32, #tpu.memory_space<vmem>>[vector<16xi32>, vector<16xi32>], vector<16xf32>,
      %gather3A_165 = tpu.vector_load_idx %arg10[%add3A_53, %broadcast_in_dim3A_163] : memref<256x32xf32, #tpu.memory_space<vmem>>[vector<16xi32>, vector<16xi32>], vector<16xf32>,
      %mul3A_166 = arith.mulf %gather3A_164, %gather3A_165 : vector<16xf32>
      %add3A_167 = arith.addf %add3A_161, %mul3A_166 : vector<16xf32>
      %broadcast_in_dim3A_168 = arith.constant 19 : i32
      %broadcast_in_dim3A_169 = vector.broadcast %broadcast_in_dim3A_168 : i32 to vector<16xi32>
      %gather3A_170 = tpu.vector_load_idx %arg9[%add3A_53, %broadcast_in_dim3A_169] : memref<256x32xf32, #tpu.memory_space<vmem>>[vector<16xi32>, vector<16xi32>], vector<16xf32>,
      %gather3A_171 = tpu.vector_load_idx %arg10[%add3A_53, %broadcast_in_dim3A_169] : memref<256x32xf32, #tpu.memory_space<vmem>>[vector<16xi32>, vector<16xi32>], vector<16xf32>,
      %mul3A_172 = arith.mulf %gather3A_170, %gather3A_171 : vector<16xf32>
      %add3A_173 = arith.addf %add3A_167, %mul3A_172 : vector<16xf32>
      %broadcast_in_dim3A_174 = arith.constant 20 : i32
      %broadcast_in_dim3A_175 = vector.broadcast %broadcast_in_dim3A_174 : i32 to vector<16xi32>
      %gather3A_176 = tpu.vector_load_idx %arg9[%add3A_53, %broadcast_in_dim3A_175] : memref<256x32xf32, #tpu.memory_space<vmem>>[vector<16xi32>, vector<16xi32>], vector<16xf32>,
      %gather3A_177 = tpu.vector_load_idx %arg10[%add3A_53, %broadcast_in_dim3A_175] : memref<256x32xf32, #tpu.memory_space<vmem>>[vector<16xi32>, vector<16xi32>], vector<16xf32>,
      %mul3A_178 = arith.mulf %gather3A_176, %gather3A_177 : vector<16xf32>
      %add3A_179 = arith.addf %add3A_173, %mul3A_178 : vector<16xf32>
      %broadcast_in_dim3A_180 = arith.constant 21 : i32
      %broadcast_in_dim3A_181 = vector.broadcast %broadcast_in_dim3A_180 : i32 to vector<16xi32>
      %gather3A_182 = tpu.vector_load_idx %arg9[%add3A_53, %broadcast_in_dim3A_181] : memref<256x32xf32, #tpu.memory_space<vmem>>[vector<16xi32>, vector<16xi32>], vector<16xf32>,
      %gather3A_183 = tpu.vector_load_idx %arg10[%add3A_53, %broadcast_in_dim3A_181] : memref<256x32xf32, #tpu.memory_space<vmem>>[vector<16xi32>, vector<16xi32>], vector<16xf32>,
      %mul3A_184 = arith.mulf %gather3A_182, %gather3A_183 : vector<16xf32>
      %add3A_185 = arith.addf %add3A_179, %mul3A_184 : vector<16xf32>
      %broadcast_in_dim3A_186 = arith.constant 22 : i32
      %broadcast_in_dim3A_187 = vector.broadcast %broadcast_in_dim3A_186 : i32 to vector<16xi32>
      %gather3A_188 = tpu.vector_load_idx %arg9[%add3A_53, %broadcast_in_dim3A_187] : memref<256x32xf32, #tpu.memory_space<vmem>>[vector<16xi32>, vector<16xi32>], vector<16xf32>,
      %gather3A_189 = tpu.vector_load_idx %arg10[%add3A_53, %broadcast_in_dim3A_187] : memref<256x32xf32, #tpu.memory_space<vmem>>[vector<16xi32>, vector<16xi32>], vector<16xf32>,
      %mul3A_190 = arith.mulf %gather3A_188, %gather3A_189 : vector<16xf32>
      %add3A_191 = arith.addf %add3A_185, %mul3A_190 : vector<16xf32>
      %broadcast_in_dim3A_192 = arith.constant 23 : i32
      %broadcast_in_dim3A_193 = vector.broadcast %broadcast_in_dim3A_192 : i32 to vector<16xi32>
      %gather3A_194 = tpu.vector_load_idx %arg9[%add3A_53, %broadcast_in_dim3A_193] : memref<256x32xf32, #tpu.memory_space<vmem>>[vector<16xi32>, vector<16xi32>], vector<16xf32>,
      %gather3A_195 = tpu.vector_load_idx %arg10[%add3A_53, %broadcast_in_dim3A_193] : memref<256x32xf32, #tpu.memory_space<vmem>>[vector<16xi32>, vector<16xi32>], vector<16xf32>,
      %mul3A_196 = arith.mulf %gather3A_194, %gather3A_195 : vector<16xf32>
      %add3A_197 = arith.addf %add3A_191, %mul3A_196 : vector<16xf32>
      %broadcast_in_dim3A_198 = arith.constant 24 : i32
      %broadcast_in_dim3A_199 = vector.broadcast %broadcast_in_dim3A_198 : i32 to vector<16xi32>
      %gather3A_200 = tpu.vector_load_idx %arg9[%add3A_53, %broadcast_in_dim3A_199] : memref<256x32xf32, #tpu.memory_space<vmem>>[vector<16xi32>, vector<16xi32>], vector<16xf32>,
      %gather3A_201 = tpu.vector_load_idx %arg10[%add3A_53, %broadcast_in_dim3A_199] : memref<256x32xf32, #tpu.memory_space<vmem>>[vector<16xi32>, vector<16xi32>], vector<16xf32>,
      %mul3A_202 = arith.mulf %gather3A_200, %gather3A_201 : vector<16xf32>
      %add3A_203 = arith.addf %add3A_197, %mul3A_202 : vector<16xf32>
      %broadcast_in_dim3A_204 = arith.constant 25 : i32
      %broadcast_in_dim3A_205 = vector.broadcast %broadcast_in_dim3A_204 : i32 to vector<16xi32>
      %gather3A_206 = tpu.vector_load_idx %arg9[%add3A_53, %broadcast_in_dim3A_205] : memref<256x32xf32, #tpu.memory_space<vmem>>[vector<16xi32>, vector<16xi32>], vector<16xf32>,
      %gather3A_207 = tpu.vector_load_idx %arg10[%add3A_53, %broadcast_in_dim3A_205] : memref<256x32xf32, #tpu.memory_space<vmem>>[vector<16xi32>, vector<16xi32>], vector<16xf32>,
      %mul3A_208 = arith.mulf %gather3A_206, %gather3A_207 : vector<16xf32>
      %add3A_209 = arith.addf %add3A_203, %mul3A_208 : vector<16xf32>
      %broadcast_in_dim3A_210 = arith.constant 26 : i32
      %broadcast_in_dim3A_211 = vector.broadcast %broadcast_in_dim3A_210 : i32 to vector<16xi32>
      %gather3A_212 = tpu.vector_load_idx %arg9[%add3A_53, %broadcast_in_dim3A_211] : memref<256x32xf32, #tpu.memory_space<vmem>>[vector<16xi32>, vector<16xi32>], vector<16xf32>,
      %gather3A_213 = tpu.vector_load_idx %arg10[%add3A_53, %broadcast_in_dim3A_211] : memref<256x32xf32, #tpu.memory_space<vmem>>[vector<16xi32>, vector<16xi32>], vector<16xf32>,
      %mul3A_214 = arith.mulf %gather3A_212, %gather3A_213 : vector<16xf32>
      %add3A_215 = arith.addf %add3A_209, %mul3A_214 : vector<16xf32>
      %broadcast_in_dim3A_216 = arith.constant 27 : i32
      %broadcast_in_dim3A_217 = vector.broadcast %broadcast_in_dim3A_216 : i32 to vector<16xi32>
      %gather3A_218 = tpu.vector_load_idx %arg9[%add3A_53, %broadcast_in_dim3A_217] : memref<256x32xf32, #tpu.memory_space<vmem>>[vector<16xi32>, vector<16xi32>], vector<16xf32>,
      %gather3A_219 = tpu.vector_load_idx %arg10[%add3A_53, %broadcast_in_dim3A_217] : memref<256x32xf32, #tpu.memory_space<vmem>>[vector<16xi32>, vector<16xi32>], vector<16xf32>,
      %mul3A_220 = arith.mulf %gather3A_218, %gather3A_219 : vector<16xf32>
      %add3A_221 = arith.addf %add3A_215, %mul3A_220 : vector<16xf32>
      %broadcast_in_dim3A_222 = arith.constant 28 : i32
      %broadcast_in_dim3A_223 = vector.broadcast %broadcast_in_dim3A_222 : i32 to vector<16xi32>
      %gather3A_224 = tpu.vector_load_idx %arg9[%add3A_53, %broadcast_in_dim3A_223] : memref<256x32xf32, #tpu.memory_space<vmem>>[vector<16xi32>, vector<16xi32>], vector<16xf32>,
      %gather3A_225 = tpu.vector_load_idx %arg10[%add3A_53, %broadcast_in_dim3A_223] : memref<256x32xf32, #tpu.memory_space<vmem>>[vector<16xi32>, vector<16xi32>], vector<16xf32>,
      %mul3A_226 = arith.mulf %gather3A_224, %gather3A_225 : vector<16xf32>
      %add3A_227 = arith.addf %add3A_221, %mul3A_226 : vector<16xf32>
      %broadcast_in_dim3A_228 = arith.constant 29 : i32
      %broadcast_in_dim3A_229 = vector.broadcast %broadcast_in_dim3A_228 : i32 to vector<16xi32>
      %gather3A_230 = tpu.vector_load_idx %arg9[%add3A_53, %broadcast_in_dim3A_229] : memref<256x32xf32, #tpu.memory_space<vmem>>[vector<16xi32>, vector<16xi32>], vector<16xf32>,
      %gather3A_231 = tpu.vector_load_idx %arg10[%add3A_53, %broadcast_in_dim3A_229] : memref<256x32xf32, #tpu.memory_space<vmem>>[vector<16xi32>, vector<16xi32>], vector<16xf32>,
      %mul3A_232 = arith.mulf %gather3A_230, %gather3A_231 : vector<16xf32>
      %add3A_233 = arith.addf %add3A_227, %mul3A_232 : vector<16xf32>
      %broadcast_in_dim3A_234 = arith.constant 30 : i32
      %broadcast_in_dim3A_235 = vector.broadcast %broadcast_in_dim3A_234 : i32 to vector<16xi32>
      %gather3A_236 = tpu.vector_load_idx %arg9[%add3A_53, %broadcast_in_dim3A_235] : memref<256x32xf32, #tpu.memory_space<vmem>>[vector<16xi32>, vector<16xi32>], vector<16xf32>,
      %gather3A_237 = tpu.vector_load_idx %arg10[%add3A_53, %broadcast_in_dim3A_235] : memref<256x32xf32, #tpu.memory_space<vmem>>[vector<16xi32>, vector<16xi32>], vector<16xf32>,
      %mul3A_238 = arith.mulf %gather3A_236, %gather3A_237 : vector<16xf32>
      %add3A_239 = arith.addf %add3A_233, %mul3A_238 : vector<16xf32>
      %broadcast_in_dim3A_240 = arith.constant 31 : i32
      %broadcast_in_dim3A_241 = vector.broadcast %broadcast_in_dim3A_240 : i32 to vector<16xi32>
      %gather3A_242 = tpu.vector_load_idx %arg9[%add3A_53, %broadcast_in_dim3A_241] : memref<256x32xf32, #tpu.memory_space<vmem>>[vector<16xi32>, vector<16xi32>], vector<16xf32>,
      %gather3A_243 = tpu.vector_load_idx %arg10[%add3A_53, %broadcast_in_dim3A_241] : memref<256x32xf32, #tpu.memory_space<vmem>>[vector<16xi32>, vector<16xi32>], vector<16xf32>,
      %mul3A_244 = arith.mulf %gather3A_242, %gather3A_243 : vector<16xf32>
      %add3A_245 = arith.addf %add3A_239, %mul3A_244 : vector<16xf32>
      %add3A_246 = arith.constant 0 : i32
      %add3A_247 = vector.broadcast %add3A_246 : i32 to vector<16xi32>
      %add3A_248 = arith.addi %add3A_247, %add3A_53 : vector<16xi32>
      tpu.vector_store_idx %arg11[%add3A_248], %add3A_245 : memref<512xf32, #tpu.memory_space<vmem>>[vector<16xi32>], vector<16xf32>,
    }
    %scan3A_24 = arith.constant 16 : i32
    %scan3A_25 = arith.constant 0 : i32
    %scan3A_26 = arith.constant 0 : i32
    %scan3A_27 = arith.constant 16 : i32
    %scan3A_28 = arith.addi %scan3A_26, %scan3A_27 : i32
    %scan3A_29 = arith.constant 1 : i32
    scf.for %scan3A_49 = %scan3A_26 to %scan3A_28 step %scan3A_29  : i32 {
      %mul3A_50 = arith.constant 16 : i32
      %mul3A_51 = arith.muli %scan3A_49, %mul3A_50 : i32
      %add3A_52 = arith.constant 256 : i32
      %add3A_53 = arith.addi %add3A_52, %mul3A_51 : i32
      %get3A = arith.index_cast %add3A_53 : i32 to index
      %get3A_54 = tpu.vector_load %arg7[%get3A] {strides = array<i32>} : memref<512xi32, #tpu.memory_space<vmem>>, vector<16xi32>,
      %add3A_55 = arith.constant 256 : i32
      %add3A_56 = arith.addi %add3A_55, %mul3A_51 : i32
      %get3A_57 = arith.index_cast %add3A_56 : i32 to index
      %get3A_58 = tpu.vector_load %arg8[%get3A_57] {strides = array<i32>} : memref<512xi32, #tpu.memory_space<vmem>>, vector<16xi32>,
      %slice3A = vector.extract_strided_slice %get3A_54 {offsets = [0], sizes = [1], strides = [1]} : vector<16xi32> to vector<1xi32>
      %squeeze3A = vector.extract %slice3A[0] : i32 from vector<1xi32>
      %add3A_59 = arith.constant 0 : i32
      %add3A_60 = arith.addi %mul3A_51, %add3A_59 : i32
      %dma_start3A = arith.constant 0 : i32
      %dma_start3A_61 = tpu.memref_slice %arg9[%add3A_60, %dma_start3A] : memref<256x32xf32, #tpu.memory_space<vmem>> -> memref<1x32xf32, #tpu.memory_space<vmem>>
      %dma_start3A_62 = arith.constant 0 : i32
      %dma_start3A_63 = tpu.memref_slice %arg4[%squeeze3A, %dma_start3A_62] : memref<1000000x32xf32, #tpu.memory_space<hbm>> -> memref<1x32xf32, #tpu.memory_space<hbm>>
      %dma_start3A_64 = arith.constant 0 : i32
      %dma_start3A_65 = tpu.memref_slice %arg9[%add3A_60, %dma_start3A_64] : memref<256x32xf32, #tpu.memory_space<vmem>> -> memref<1x32xf32, #tpu.memory_space<vmem>>
      %dma_start3A_66 = arith.constant 0 : i32
      %dma_start3A_67 = tpu.memref_slice %arg4[%squeeze3A, %dma_start3A_66] : memref<1000000x32xf32, #tpu.memory_space<hbm>> -> memref<1x32xf32, #tpu.memory_space<hbm>>
      tpu.enqueue_dma source(%dma_start3A_67 : memref<1x32xf32, #tpu.memory_space<hbm>>) target(%dma_start3A_65 : memref<1x32xf32, #tpu.memory_space<vmem>>) target_semaphore(%arg12 : memref<!tpu.dma_semaphore, #tpu.memory_space<semaphore_mem>>)
      %slice3A_68 = vector.extract_strided_slice %get3A_58 {offsets = [0], sizes = [1], strides = [1]} : vector<16xi32> to vector<1xi32>
      %squeeze3A_69 = vector.extract %slice3A_68[0] : i32 from vector<1xi32>
      %add3A_70 = arith.constant 0 : i32
      %add3A_71 = arith.addi %mul3A_51, %add3A_70 : i32
      %dma_start3A_72 = arith.constant 0 : i32
      %dma_start3A_73 = tpu.memref_slice %arg10[%add3A_71, %dma_start3A_72] : memref<256x32xf32, #tpu.memory_space<vmem>> -> memref<1x32xf32, #tpu.memory_space<vmem>>
      %dma_start3A_74 = arith.constant 0 : i32
      %dma_start3A_75 = tpu.memref_slice %arg5[%squeeze3A_69, %dma_start3A_74] : memref<1000000x32xf32, #tpu.memory_space<hbm>> -> memref<1x32xf32, #tpu.memory_space<hbm>>
      %dma_start3A_76 = arith.constant 0 : i32
      %dma_start3A_77 = tpu.memref_slice %arg10[%add3A_71, %dma_start3A_76] : memref<256x32xf32, #tpu.memory_space<vmem>> -> memref<1x32xf32, #tpu.memory_space<vmem>>
      %dma_start3A_78 = arith.constant 0 : i32
      %dma_start3A_79 = tpu.memref_slice %arg5[%squeeze3A_69, %dma_start3A_78] : memref<1000000x32xf32, #tpu.memory_space<hbm>> -> memref<1x32xf32, #tpu.memory_space<hbm>>
      tpu.enqueue_dma source(%dma_start3A_79 : memref<1x32xf32, #tpu.memory_space<hbm>>) target(%dma_start3A_77 : memref<1x32xf32, #tpu.memory_space<vmem>>) target_semaphore(%arg13 : memref<!tpu.dma_semaphore, #tpu.memory_space<semaphore_mem>>)
      %slice3A_80 = vector.extract_strided_slice %get3A_54 {offsets = [1], sizes = [1], strides = [1]} : vector<16xi32> to vector<1xi32>
      %squeeze3A_81 = vector.extract %slice3A_80[0] : i32 from vector<1xi32>
      %add3A_82 = arith.constant 1 : i32
      %add3A_83 = arith.addi %mul3A_51, %add3A_82 : i32
      %dma_start3A_84 = arith.constant 0 : i32
      %dma_start3A_85 = tpu.memref_slice %arg9[%add3A_83, %dma_start3A_84] : memref<256x32xf32, #tpu.memory_space<vmem>> -> memref<1x32xf32, #tpu.memory_space<vmem>>
      %dma_start3A_86 = arith.constant 0 : i32
      %dma_start3A_87 = tpu.memref_slice %arg4[%squeeze3A_81, %dma_start3A_86] : memref<1000000x32xf32, #tpu.memory_space<hbm>> -> memref<1x32xf32, #tpu.memory_space<hbm>>
      %dma_start3A_88 = arith.constant 0 : i32
      %dma_start3A_89 = tpu.memref_slice %arg9[%add3A_83, %dma_start3A_88] : memref<256x32xf32, #tpu.memory_space<vmem>> -> memref<1x32xf32, #tpu.memory_space<vmem>>
      %dma_start3A_90 = arith.constant 0 : i32
      %dma_start3A_91 = tpu.memref_slice %arg4[%squeeze3A_81, %dma_start3A_90] : memref<1000000x32xf32, #tpu.memory_space<hbm>> -> memref<1x32xf32, #tpu.memory_space<hbm>>
      tpu.enqueue_dma source(%dma_start3A_91 : memref<1x32xf32, #tpu.memory_space<hbm>>) target(%dma_start3A_89 : memref<1x32xf32, #tpu.memory_space<vmem>>) target_semaphore(%arg12 : memref<!tpu.dma_semaphore, #tpu.memory_space<semaphore_mem>>)
      %slice3A_92 = vector.extract_strided_slice %get3A_58 {offsets = [1], sizes = [1], strides = [1]} : vector<16xi32> to vector<1xi32>
      %squeeze3A_93 = vector.extract %slice3A_92[0] : i32 from vector<1xi32>
      %add3A_94 = arith.constant 1 : i32
      %add3A_95 = arith.addi %mul3A_51, %add3A_94 : i32
      %dma_start3A_96 = arith.constant 0 : i32
      %dma_start3A_97 = tpu.memref_slice %arg10[%add3A_95, %dma_start3A_96] : memref<256x32xf32, #tpu.memory_space<vmem>> -> memref<1x32xf32, #tpu.memory_space<vmem>>
      %dma_start3A_98 = arith.constant 0 : i32
      %dma_start3A_99 = tpu.memref_slice %arg5[%squeeze3A_93, %dma_start3A_98] : memref<1000000x32xf32, #tpu.memory_space<hbm>> -> memref<1x32xf32, #tpu.memory_space<hbm>>
      %dma_start3A_100 = arith.constant 0 : i32
      %dma_start3A_101 = tpu.memref_slice %arg10[%add3A_95, %dma_start3A_100] : memref<256x32xf32, #tpu.memory_space<vmem>> -> memref<1x32xf32, #tpu.memory_space<vmem>>
      %dma_start3A_102 = arith.constant 0 : i32
      %dma_start3A_103 = tpu.memref_slice %arg5[%squeeze3A_93, %dma_start3A_102] : memref<1000000x32xf32, #tpu.memory_space<hbm>> -> memref<1x32xf32, #tpu.memory_space<hbm>>
      tpu.enqueue_dma source(%dma_start3A_103 : memref<1x32xf32, #tpu.memory_space<hbm>>) target(%dma_start3A_101 : memref<1x32xf32, #tpu.memory_space<vmem>>) target_semaphore(%arg13 : memref<!tpu.dma_semaphore, #tpu.memory_space<semaphore_mem>>)
      %slice3A_104 = vector.extract_strided_slice %get3A_54 {offsets = [2], sizes = [1], strides = [1]} : vector<16xi32> to vector<1xi32>
      %squeeze3A_105 = vector.extract %slice3A_104[0] : i32 from vector<1xi32>
      %add3A_106 = arith.constant 2 : i32
      %add3A_107 = arith.addi %mul3A_51, %add3A_106 : i32
      %dma_start3A_108 = arith.constant 0 : i32
      %dma_start3A_109 = tpu.memref_slice %arg9[%add3A_107, %dma_start3A_108] : memref<256x32xf32, #tpu.memory_space<vmem>> -> memref<1x32xf32, #tpu.memory_space<vmem>>
      %dma_start3A_110 = arith.constant 0 : i32
      %dma_start3A_111 = tpu.memref_slice %arg4[%squeeze3A_105, %dma_start3A_110] : memref<1000000x32xf32, #tpu.memory_space<hbm>> -> memref<1x32xf32, #tpu.memory_space<hbm>>
      %dma_start3A_112 = arith.constant 0 : i32
      %dma_start3A_113 = tpu.memref_slice %arg9[%add3A_107, %dma_start3A_112] : memref<256x32xf32, #tpu.memory_space<vmem>> -> memref<1x32xf32, #tpu.memory_space<vmem>>
      %dma_start3A_114 = arith.constant 0 : i32
      %dma_start3A_115 = tpu.memref_slice %arg4[%squeeze3A_105, %dma_start3A_114] : memref<1000000x32xf32, #tpu.memory_space<hbm>> -> memref<1x32xf32, #tpu.memory_space<hbm>>
      tpu.enqueue_dma source(%dma_start3A_115 : memref<1x32xf32, #tpu.memory_space<hbm>>) target(%dma_start3A_113 : memref<1x32xf32, #tpu.memory_space<vmem>>) target_semaphore(%arg12 : memref<!tpu.dma_semaphore, #tpu.memory_space<semaphore_mem>>)
      %slice3A_116 = vector.extract_strided_slice %get3A_58 {offsets = [2], sizes = [1], strides = [1]} : vector<16xi32> to vector<1xi32>
      %squeeze3A_117 = vector.extract %slice3A_116[0] : i32 from vector<1xi32>
      %add3A_118 = arith.constant 2 : i32
      %add3A_119 = arith.addi %mul3A_51, %add3A_118 : i32
      %dma_start3A_120 = arith.constant 0 : i32
      %dma_start3A_121 = tpu.memref_slice %arg10[%add3A_119, %dma_start3A_120] : memref<256x32xf32, #tpu.memory_space<vmem>> -> memref<1x32xf32, #tpu.memory_space<vmem>>
      %dma_start3A_122 = arith.constant 0 : i32
      %dma_start3A_123 = tpu.memref_slice %arg5[%squeeze3A_117, %dma_start3A_122] : memref<1000000x32xf32, #tpu.memory_space<hbm>> -> memref<1x32xf32, #tpu.memory_space<hbm>>
      %dma_start3A_124 = arith.constant 0 : i32
      %dma_start3A_125 = tpu.memref_slice %arg10[%add3A_119, %dma_start3A_124] : memref<256x32xf32, #tpu.memory_space<vmem>> -> memref<1x32xf32, #tpu.memory_space<vmem>>
      %dma_start3A_126 = arith.constant 0 : i32
      %dma_start3A_127 = tpu.memref_slice %arg5[%squeeze3A_117, %dma_start3A_126] : memref<1000000x32xf32, #tpu.memory_space<hbm>> -> memref<1x32xf32, #tpu.memory_space<hbm>>
      tpu.enqueue_dma source(%dma_start3A_127 : memref<1x32xf32, #tpu.memory_space<hbm>>) target(%dma_start3A_125 : memref<1x32xf32, #tpu.memory_space<vmem>>) target_semaphore(%arg13 : memref<!tpu.dma_semaphore, #tpu.memory_space<semaphore_mem>>)
      %slice3A_128 = vector.extract_strided_slice %get3A_54 {offsets = [3], sizes = [1], strides = [1]} : vector<16xi32> to vector<1xi32>
      %squeeze3A_129 = vector.extract %slice3A_128[0] : i32 from vector<1xi32>
      %add3A_130 = arith.constant 3 : i32
      %add3A_131 = arith.addi %mul3A_51, %add3A_130 : i32
      %dma_start3A_132 = arith.constant 0 : i32
      %dma_start3A_133 = tpu.memref_slice %arg9[%add3A_131, %dma_start3A_132] : memref<256x32xf32, #tpu.memory_space<vmem>> -> memref<1x32xf32, #tpu.memory_space<vmem>>
      %dma_start3A_134 = arith.constant 0 : i32
      %dma_start3A_135 = tpu.memref_slice %arg4[%squeeze3A_129, %dma_start3A_134] : memref<1000000x32xf32, #tpu.memory_space<hbm>> -> memref<1x32xf32, #tpu.memory_space<hbm>>
      %dma_start3A_136 = arith.constant 0 : i32
      %dma_start3A_137 = tpu.memref_slice %arg9[%add3A_131, %dma_start3A_136] : memref<256x32xf32, #tpu.memory_space<vmem>> -> memref<1x32xf32, #tpu.memory_space<vmem>>
      %dma_start3A_138 = arith.constant 0 : i32
      %dma_start3A_139 = tpu.memref_slice %arg4[%squeeze3A_129, %dma_start3A_138] : memref<1000000x32xf32, #tpu.memory_space<hbm>> -> memref<1x32xf32, #tpu.memory_space<hbm>>
      tpu.enqueue_dma source(%dma_start3A_139 : memref<1x32xf32, #tpu.memory_space<hbm>>) target(%dma_start3A_137 : memref<1x32xf32, #tpu.memory_space<vmem>>) target_semaphore(%arg12 : memref<!tpu.dma_semaphore, #tpu.memory_space<semaphore_mem>>)
      %slice3A_140 = vector.extract_strided_slice %get3A_58 {offsets = [3], sizes = [1], strides = [1]} : vector<16xi32> to vector<1xi32>
      %squeeze3A_141 = vector.extract %slice3A_140[0] : i32 from vector<1xi32>
      %add3A_142 = arith.constant 3 : i32
      %add3A_143 = arith.addi %mul3A_51, %add3A_142 : i32
      %dma_start3A_144 = arith.constant 0 : i32
      %dma_start3A_145 = tpu.memref_slice %arg10[%add3A_143, %dma_start3A_144] : memref<256x32xf32, #tpu.memory_space<vmem>> -> memref<1x32xf32, #tpu.memory_space<vmem>>
      %dma_start3A_146 = arith.constant 0 : i32
      %dma_start3A_147 = tpu.memref_slice %arg5[%squeeze3A_141, %dma_start3A_146] : memref<1000000x32xf32, #tpu.memory_space<hbm>> -> memref<1x32xf32, #tpu.memory_space<hbm>>
      %dma_start3A_148 = arith.constant 0 : i32
      %dma_start3A_149 = tpu.memref_slice %arg10[%add3A_143, %dma_start3A_148] : memref<256x32xf32, #tpu.memory_space<vmem>> -> memref<1x32xf32, #tpu.memory_space<vmem>>
      %dma_start3A_150 = arith.constant 0 : i32
      %dma_start3A_151 = tpu.memref_slice %arg5[%squeeze3A_141, %dma_start3A_150] : memref<1000000x32xf32, #tpu.memory_space<hbm>> -> memref<1x32xf32, #tpu.memory_space<hbm>>
      tpu.enqueue_dma source(%dma_start3A_151 : memref<1x32xf32, #tpu.memory_space<hbm>>) target(%dma_start3A_149 : memref<1x32xf32, #tpu.memory_space<vmem>>) target_semaphore(%arg13 : memref<!tpu.dma_semaphore, #tpu.memory_space<semaphore_mem>>)
      %slice3A_152 = vector.extract_strided_slice %get3A_54 {offsets = [4], sizes = [1], strides = [1]} : vector<16xi32> to vector<1xi32>
      %squeeze3A_153 = vector.extract %slice3A_152[0] : i32 from vector<1xi32>
      %add3A_154 = arith.constant 4 : i32
      %add3A_155 = arith.addi %mul3A_51, %add3A_154 : i32
      %dma_start3A_156 = arith.constant 0 : i32
      %dma_start3A_157 = tpu.memref_slice %arg9[%add3A_155, %dma_start3A_156] : memref<256x32xf32, #tpu.memory_space<vmem>> -> memref<1x32xf32, #tpu.memory_space<vmem>>
      %dma_start3A_158 = arith.constant 0 : i32
      %dma_start3A_159 = tpu.memref_slice %arg4[%squeeze3A_153, %dma_start3A_158] : memref<1000000x32xf32, #tpu.memory_space<hbm>> -> memref<1x32xf32, #tpu.memory_space<hbm>>
      %dma_start3A_160 = arith.constant 0 : i32
      %dma_start3A_161 = tpu.memref_slice %arg9[%add3A_155, %dma_start3A_160] : memref<256x32xf32, #tpu.memory_space<vmem>> -> memref<1x32xf32, #tpu.memory_space<vmem>>
      %dma_start3A_162 = arith.constant 0 : i32
      %dma_start3A_163 = tpu.memref_slice %arg4[%squeeze3A_153, %dma_start3A_162] : memref<1000000x32xf32, #tpu.memory_space<hbm>> -> memref<1x32xf32, #tpu.memory_space<hbm>>
      tpu.enqueue_dma source(%dma_start3A_163 : memref<1x32xf32, #tpu.memory_space<hbm>>) target(%dma_start3A_161 : memref<1x32xf32, #tpu.memory_space<vmem>>) target_semaphore(%arg12 : memref<!tpu.dma_semaphore, #tpu.memory_space<semaphore_mem>>)
      %slice3A_164 = vector.extract_strided_slice %get3A_58 {offsets = [4], sizes = [1], strides = [1]} : vector<16xi32> to vector<1xi32>
      %squeeze3A_165 = vector.extract %slice3A_164[0] : i32 from vector<1xi32>
      %add3A_166 = arith.constant 4 : i32
      %add3A_167 = arith.addi %mul3A_51, %add3A_166 : i32
      %dma_start3A_168 = arith.constant 0 : i32
      %dma_start3A_169 = tpu.memref_slice %arg10[%add3A_167, %dma_start3A_168] : memref<256x32xf32, #tpu.memory_space<vmem>> -> memref<1x32xf32, #tpu.memory_space<vmem>>
      %dma_start3A_170 = arith.constant 0 : i32
      %dma_start3A_171 = tpu.memref_slice %arg5[%squeeze3A_165, %dma_start3A_170] : memref<1000000x32xf32, #tpu.memory_space<hbm>> -> memref<1x32xf32, #tpu.memory_space<hbm>>
      %dma_start3A_172 = arith.constant 0 : i32
      %dma_start3A_173 = tpu.memref_slice %arg10[%add3A_167, %dma_start3A_172] : memref<256x32xf32, #tpu.memory_space<vmem>> -> memref<1x32xf32, #tpu.memory_space<vmem>>
      %dma_start3A_174 = arith.constant 0 : i32
      %dma_start3A_175 = tpu.memref_slice %arg5[%squeeze3A_165, %dma_start3A_174] : memref<1000000x32xf32, #tpu.memory_space<hbm>> -> memref<1x32xf32, #tpu.memory_space<hbm>>
      tpu.enqueue_dma source(%dma_start3A_175 : memref<1x32xf32, #tpu.memory_space<hbm>>) target(%dma_start3A_173 : memref<1x32xf32, #tpu.memory_space<vmem>>) target_semaphore(%arg13 : memref<!tpu.dma_semaphore, #tpu.memory_space<semaphore_mem>>)
      %slice3A_176 = vector.extract_strided_slice %get3A_54 {offsets = [5], sizes = [1], strides = [1]} : vector<16xi32> to vector<1xi32>
      %squeeze3A_177 = vector.extract %slice3A_176[0] : i32 from vector<1xi32>
      %add3A_178 = arith.constant 5 : i32
      %add3A_179 = arith.addi %mul3A_51, %add3A_178 : i32
      %dma_start3A_180 = arith.constant 0 : i32
      %dma_start3A_181 = tpu.memref_slice %arg9[%add3A_179, %dma_start3A_180] : memref<256x32xf32, #tpu.memory_space<vmem>> -> memref<1x32xf32, #tpu.memory_space<vmem>>
      %dma_start3A_182 = arith.constant 0 : i32
      %dma_start3A_183 = tpu.memref_slice %arg4[%squeeze3A_177, %dma_start3A_182] : memref<1000000x32xf32, #tpu.memory_space<hbm>> -> memref<1x32xf32, #tpu.memory_space<hbm>>
      %dma_start3A_184 = arith.constant 0 : i32
      %dma_start3A_185 = tpu.memref_slice %arg9[%add3A_179, %dma_start3A_184] : memref<256x32xf32, #tpu.memory_space<vmem>> -> memref<1x32xf32, #tpu.memory_space<vmem>>
      %dma_start3A_186 = arith.constant 0 : i32
      %dma_start3A_187 = tpu.memref_slice %arg4[%squeeze3A_177, %dma_start3A_186] : memref<1000000x32xf32, #tpu.memory_space<hbm>> -> memref<1x32xf32, #tpu.memory_space<hbm>>
      tpu.enqueue_dma source(%dma_start3A_187 : memref<1x32xf32, #tpu.memory_space<hbm>>) target(%dma_start3A_185 : memref<1x32xf32, #tpu.memory_space<vmem>>) target_semaphore(%arg12 : memref<!tpu.dma_semaphore, #tpu.memory_space<semaphore_mem>>)
      %slice3A_188 = vector.extract_strided_slice %get3A_58 {offsets = [5], sizes = [1], strides = [1]} : vector<16xi32> to vector<1xi32>
      %squeeze3A_189 = vector.extract %slice3A_188[0] : i32 from vector<1xi32>
      %add3A_190 = arith.constant 5 : i32
      %add3A_191 = arith.addi %mul3A_51, %add3A_190 : i32
      %dma_start3A_192 = arith.constant 0 : i32
      %dma_start3A_193 = tpu.memref_slice %arg10[%add3A_191, %dma_start3A_192] : memref<256x32xf32, #tpu.memory_space<vmem>> -> memref<1x32xf32, #tpu.memory_space<vmem>>
      %dma_start3A_194 = arith.constant 0 : i32
      %dma_start3A_195 = tpu.memref_slice %arg5[%squeeze3A_189, %dma_start3A_194] : memref<1000000x32xf32, #tpu.memory_space<hbm>> -> memref<1x32xf32, #tpu.memory_space<hbm>>
      %dma_start3A_196 = arith.constant 0 : i32
      %dma_start3A_197 = tpu.memref_slice %arg10[%add3A_191, %dma_start3A_196] : memref<256x32xf32, #tpu.memory_space<vmem>> -> memref<1x32xf32, #tpu.memory_space<vmem>>
      %dma_start3A_198 = arith.constant 0 : i32
      %dma_start3A_199 = tpu.memref_slice %arg5[%squeeze3A_189, %dma_start3A_198] : memref<1000000x32xf32, #tpu.memory_space<hbm>> -> memref<1x32xf32, #tpu.memory_space<hbm>>
      tpu.enqueue_dma source(%dma_start3A_199 : memref<1x32xf32, #tpu.memory_space<hbm>>) target(%dma_start3A_197 : memref<1x32xf32, #tpu.memory_space<vmem>>) target_semaphore(%arg13 : memref<!tpu.dma_semaphore, #tpu.memory_space<semaphore_mem>>)
      %slice3A_200 = vector.extract_strided_slice %get3A_54 {offsets = [6], sizes = [1], strides = [1]} : vector<16xi32> to vector<1xi32>
      %squeeze3A_201 = vector.extract %slice3A_200[0] : i32 from vector<1xi32>
      %add3A_202 = arith.constant 6 : i32
      %add3A_203 = arith.addi %mul3A_51, %add3A_202 : i32
      %dma_start3A_204 = arith.constant 0 : i32
      %dma_start3A_205 = tpu.memref_slice %arg9[%add3A_203, %dma_start3A_204] : memref<256x32xf32, #tpu.memory_space<vmem>> -> memref<1x32xf32, #tpu.memory_space<vmem>>
      %dma_start3A_206 = arith.constant 0 : i32
      %dma_start3A_207 = tpu.memref_slice %arg4[%squeeze3A_201, %dma_start3A_206] : memref<1000000x32xf32, #tpu.memory_space<hbm>> -> memref<1x32xf32, #tpu.memory_space<hbm>>
      %dma_start3A_208 = arith.constant 0 : i32
      %dma_start3A_209 = tpu.memref_slice %arg9[%add3A_203, %dma_start3A_208] : memref<256x32xf32, #tpu.memory_space<vmem>> -> memref<1x32xf32, #tpu.memory_space<vmem>>
      %dma_start3A_210 = arith.constant 0 : i32
      %dma_start3A_211 = tpu.memref_slice %arg4[%squeeze3A_201, %dma_start3A_210] : memref<1000000x32xf32, #tpu.memory_space<hbm>> -> memref<1x32xf32, #tpu.memory_space<hbm>>
      tpu.enqueue_dma source(%dma_start3A_211 : memref<1x32xf32, #tpu.memory_space<hbm>>) target(%dma_start3A_209 : memref<1x32xf32, #tpu.memory_space<vmem>>) target_semaphore(%arg12 : memref<!tpu.dma_semaphore, #tpu.memory_space<semaphore_mem>>)
      %slice3A_212 = vector.extract_strided_slice %get3A_58 {offsets = [6], sizes = [1], strides = [1]} : vector<16xi32> to vector<1xi32>
      %squeeze3A_213 = vector.extract %slice3A_212[0] : i32 from vector<1xi32>
      %add3A_214 = arith.constant 6 : i32
      %add3A_215 = arith.addi %mul3A_51, %add3A_214 : i32
      %dma_start3A_216 = arith.constant 0 : i32
      %dma_start3A_217 = tpu.memref_slice %arg10[%add3A_215, %dma_start3A_216] : memref<256x32xf32, #tpu.memory_space<vmem>> -> memref<1x32xf32, #tpu.memory_space<vmem>>
      %dma_start3A_218 = arith.constant 0 : i32
      %dma_start3A_219 = tpu.memref_slice %arg5[%squeeze3A_213, %dma_start3A_218] : memref<1000000x32xf32, #tpu.memory_space<hbm>> -> memref<1x32xf32, #tpu.memory_space<hbm>>
      %dma_start3A_220 = arith.constant 0 : i32
      %dma_start3A_221 = tpu.memref_slice %arg10[%add3A_215, %dma_start3A_220] : memref<256x32xf32, #tpu.memory_space<vmem>> -> memref<1x32xf32, #tpu.memory_space<vmem>>
      %dma_start3A_222 = arith.constant 0 : i32
      %dma_start3A_223 = tpu.memref_slice %arg5[%squeeze3A_213, %dma_start3A_222] : memref<1000000x32xf32, #tpu.memory_space<hbm>> -> memref<1x32xf32, #tpu.memory_space<hbm>>
      tpu.enqueue_dma source(%dma_start3A_223 : memref<1x32xf32, #tpu.memory_space<hbm>>) target(%dma_start3A_221 : memref<1x32xf32, #tpu.memory_space<vmem>>) target_semaphore(%arg13 : memref<!tpu.dma_semaphore, #tpu.memory_space<semaphore_mem>>)
      %slice3A_224 = vector.extract_strided_slice %get3A_54 {offsets = [7], sizes = [1], strides = [1]} : vector<16xi32> to vector<1xi32>
      %squeeze3A_225 = vector.extract %slice3A_224[0] : i32 from vector<1xi32>
      %add3A_226 = arith.constant 7 : i32
      %add3A_227 = arith.addi %mul3A_51, %add3A_226 : i32
      %dma_start3A_228 = arith.constant 0 : i32
      %dma_start3A_229 = tpu.memref_slice %arg9[%add3A_227, %dma_start3A_228] : memref<256x32xf32, #tpu.memory_space<vmem>> -> memref<1x32xf32, #tpu.memory_space<vmem>>
      %dma_start3A_230 = arith.constant 0 : i32
      %dma_start3A_231 = tpu.memref_slice %arg4[%squeeze3A_225, %dma_start3A_230] : memref<1000000x32xf32, #tpu.memory_space<hbm>> -> memref<1x32xf32, #tpu.memory_space<hbm>>
      %dma_start3A_232 = arith.constant 0 : i32
      %dma_start3A_233 = tpu.memref_slice %arg9[%add3A_227, %dma_start3A_232] : memref<256x32xf32, #tpu.memory_space<vmem>> -> memref<1x32xf32, #tpu.memory_space<vmem>>
      %dma_start3A_234 = arith.constant 0 : i32
      %dma_start3A_235 = tpu.memref_slice %arg4[%squeeze3A_225, %dma_start3A_234] : memref<1000000x32xf32, #tpu.memory_space<hbm>> -> memref<1x32xf32, #tpu.memory_space<hbm>>
      tpu.enqueue_dma source(%dma_start3A_235 : memref<1x32xf32, #tpu.memory_space<hbm>>) target(%dma_start3A_233 : memref<1x32xf32, #tpu.memory_space<vmem>>) target_semaphore(%arg12 : memref<!tpu.dma_semaphore, #tpu.memory_space<semaphore_mem>>)
      %slice3A_236 = vector.extract_strided_slice %get3A_58 {offsets = [7], sizes = [1], strides = [1]} : vector<16xi32> to vector<1xi32>
      %squeeze3A_237 = vector.extract %slice3A_236[0] : i32 from vector<1xi32>
      %add3A_238 = arith.constant 7 : i32
      %add3A_239 = arith.addi %mul3A_51, %add3A_238 : i32
      %dma_start3A_240 = arith.constant 0 : i32
      %dma_start3A_241 = tpu.memref_slice %arg10[%add3A_239, %dma_start3A_240] : memref<256x32xf32, #tpu.memory_space<vmem>> -> memref<1x32xf32, #tpu.memory_space<vmem>>
      %dma_start3A_242 = arith.constant 0 : i32
      %dma_start3A_243 = tpu.memref_slice %arg5[%squeeze3A_237, %dma_start3A_242] : memref<1000000x32xf32, #tpu.memory_space<hbm>> -> memref<1x32xf32, #tpu.memory_space<hbm>>
      %dma_start3A_244 = arith.constant 0 : i32
      %dma_start3A_245 = tpu.memref_slice %arg10[%add3A_239, %dma_start3A_244] : memref<256x32xf32, #tpu.memory_space<vmem>> -> memref<1x32xf32, #tpu.memory_space<vmem>>
      %dma_start3A_246 = arith.constant 0 : i32
      %dma_start3A_247 = tpu.memref_slice %arg5[%squeeze3A_237, %dma_start3A_246] : memref<1000000x32xf32, #tpu.memory_space<hbm>> -> memref<1x32xf32, #tpu.memory_space<hbm>>
      tpu.enqueue_dma source(%dma_start3A_247 : memref<1x32xf32, #tpu.memory_space<hbm>>) target(%dma_start3A_245 : memref<1x32xf32, #tpu.memory_space<vmem>>) target_semaphore(%arg13 : memref<!tpu.dma_semaphore, #tpu.memory_space<semaphore_mem>>)
      %slice3A_248 = vector.extract_strided_slice %get3A_54 {offsets = [8], sizes = [1], strides = [1]} : vector<16xi32> to vector<1xi32>
      %squeeze3A_249 = vector.extract %slice3A_248[0] : i32 from vector<1xi32>
      %add3A_250 = arith.constant 8 : i32
      %add3A_251 = arith.addi %mul3A_51, %add3A_250 : i32
      %dma_start3A_252 = arith.constant 0 : i32
      %dma_start3A_253 = tpu.memref_slice %arg9[%add3A_251, %dma_start3A_252] : memref<256x32xf32, #tpu.memory_space<vmem>> -> memref<1x32xf32, #tpu.memory_space<vmem>>
      %dma_start3A_254 = arith.constant 0 : i32
      %dma_start3A_255 = tpu.memref_slice %arg4[%squeeze3A_249, %dma_start3A_254] : memref<1000000x32xf32, #tpu.memory_space<hbm>> -> memref<1x32xf32, #tpu.memory_space<hbm>>
      %dma_start3A_256 = arith.constant 0 : i32
      %dma_start3A_257 = tpu.memref_slice %arg9[%add3A_251, %dma_start3A_256] : memref<256x32xf32, #tpu.memory_space<vmem>> -> memref<1x32xf32, #tpu.memory_space<vmem>>
      %dma_start3A_258 = arith.constant 0 : i32
      %dma_start3A_259 = tpu.memref_slice %arg4[%squeeze3A_249, %dma_start3A_258] : memref<1000000x32xf32, #tpu.memory_space<hbm>> -> memref<1x32xf32, #tpu.memory_space<hbm>>
      tpu.enqueue_dma source(%dma_start3A_259 : memref<1x32xf32, #tpu.memory_space<hbm>>) target(%dma_start3A_257 : memref<1x32xf32, #tpu.memory_space<vmem>>) target_semaphore(%arg12 : memref<!tpu.dma_semaphore, #tpu.memory_space<semaphore_mem>>)
      %slice3A_260 = vector.extract_strided_slice %get3A_58 {offsets = [8], sizes = [1], strides = [1]} : vector<16xi32> to vector<1xi32>
      %squeeze3A_261 = vector.extract %slice3A_260[0] : i32 from vector<1xi32>
      %add3A_262 = arith.constant 8 : i32
      %add3A_263 = arith.addi %mul3A_51, %add3A_262 : i32
      %dma_start3A_264 = arith.constant 0 : i32
      %dma_start3A_265 = tpu.memref_slice %arg10[%add3A_263, %dma_start3A_264] : memref<256x32xf32, #tpu.memory_space<vmem>> -> memref<1x32xf32, #tpu.memory_space<vmem>>
      %dma_start3A_266 = arith.constant 0 : i32
      %dma_start3A_267 = tpu.memref_slice %arg5[%squeeze3A_261, %dma_start3A_266] : memref<1000000x32xf32, #tpu.memory_space<hbm>> -> memref<1x32xf32, #tpu.memory_space<hbm>>
      %dma_start3A_268 = arith.constant 0 : i32
      %dma_start3A_269 = tpu.memref_slice %arg10[%add3A_263, %dma_start3A_268] : memref<256x32xf32, #tpu.memory_space<vmem>> -> memref<1x32xf32, #tpu.memory_space<vmem>>
      %dma_start3A_270 = arith.constant 0 : i32
      %dma_start3A_271 = tpu.memref_slice %arg5[%squeeze3A_261, %dma_start3A_270] : memref<1000000x32xf32, #tpu.memory_space<hbm>> -> memref<1x32xf32, #tpu.memory_space<hbm>>
      tpu.enqueue_dma source(%dma_start3A_271 : memref<1x32xf32, #tpu.memory_space<hbm>>) target(%dma_start3A_269 : memref<1x32xf32, #tpu.memory_space<vmem>>) target_semaphore(%arg13 : memref<!tpu.dma_semaphore, #tpu.memory_space<semaphore_mem>>)
      %slice3A_272 = vector.extract_strided_slice %get3A_54 {offsets = [9], sizes = [1], strides = [1]} : vector<16xi32> to vector<1xi32>
      %squeeze3A_273 = vector.extract %slice3A_272[0] : i32 from vector<1xi32>
      %add3A_274 = arith.constant 9 : i32
      %add3A_275 = arith.addi %mul3A_51, %add3A_274 : i32
      %dma_start3A_276 = arith.constant 0 : i32
      %dma_start3A_277 = tpu.memref_slice %arg9[%add3A_275, %dma_start3A_276] : memref<256x32xf32, #tpu.memory_space<vmem>> -> memref<1x32xf32, #tpu.memory_space<vmem>>
      %dma_start3A_278 = arith.constant 0 : i32
      %dma_start3A_279 = tpu.memref_slice %arg4[%squeeze3A_273, %dma_start3A_278] : memref<1000000x32xf32, #tpu.memory_space<hbm>> -> memref<1x32xf32, #tpu.memory_space<hbm>>
      %dma_start3A_280 = arith.constant 0 : i32
      %dma_start3A_281 = tpu.memref_slice %arg9[%add3A_275, %dma_start3A_280] : memref<256x32xf32, #tpu.memory_space<vmem>> -> memref<1x32xf32, #tpu.memory_space<vmem>>
      %dma_start3A_282 = arith.constant 0 : i32
      %dma_start3A_283 = tpu.memref_slice %arg4[%squeeze3A_273, %dma_start3A_282] : memref<1000000x32xf32, #tpu.memory_space<hbm>> -> memref<1x32xf32, #tpu.memory_space<hbm>>
      tpu.enqueue_dma source(%dma_start3A_283 : memref<1x32xf32, #tpu.memory_space<hbm>>) target(%dma_start3A_281 : memref<1x32xf32, #tpu.memory_space<vmem>>) target_semaphore(%arg12 : memref<!tpu.dma_semaphore, #tpu.memory_space<semaphore_mem>>)
      %slice3A_284 = vector.extract_strided_slice %get3A_58 {offsets = [9], sizes = [1], strides = [1]} : vector<16xi32> to vector<1xi32>
      %squeeze3A_285 = vector.extract %slice3A_284[0] : i32 from vector<1xi32>
      %add3A_286 = arith.constant 9 : i32
      %add3A_287 = arith.addi %mul3A_51, %add3A_286 : i32
      %dma_start3A_288 = arith.constant 0 : i32
      %dma_start3A_289 = tpu.memref_slice %arg10[%add3A_287, %dma_start3A_288] : memref<256x32xf32, #tpu.memory_space<vmem>> -> memref<1x32xf32, #tpu.memory_space<vmem>>
      %dma_start3A_290 = arith.constant 0 : i32
      %dma_start3A_291 = tpu.memref_slice %arg5[%squeeze3A_285, %dma_start3A_290] : memref<1000000x32xf32, #tpu.memory_space<hbm>> -> memref<1x32xf32, #tpu.memory_space<hbm>>
      %dma_start3A_292 = arith.constant 0 : i32
      %dma_start3A_293 = tpu.memref_slice %arg10[%add3A_287, %dma_start3A_292] : memref<256x32xf32, #tpu.memory_space<vmem>> -> memref<1x32xf32, #tpu.memory_space<vmem>>
      %dma_start3A_294 = arith.constant 0 : i32
      %dma_start3A_295 = tpu.memref_slice %arg5[%squeeze3A_285, %dma_start3A_294] : memref<1000000x32xf32, #tpu.memory_space<hbm>> -> memref<1x32xf32, #tpu.memory_space<hbm>>
      tpu.enqueue_dma source(%dma_start3A_295 : memref<1x32xf32, #tpu.memory_space<hbm>>) target(%dma_start3A_293 : memref<1x32xf32, #tpu.memory_space<vmem>>) target_semaphore(%arg13 : memref<!tpu.dma_semaphore, #tpu.memory_space<semaphore_mem>>)
      %slice3A_296 = vector.extract_strided_slice %get3A_54 {offsets = [10], sizes = [1], strides = [1]} : vector<16xi32> to vector<1xi32>
      %squeeze3A_297 = vector.extract %slice3A_296[0] : i32 from vector<1xi32>
      %add3A_298 = arith.constant 10 : i32
      %add3A_299 = arith.addi %mul3A_51, %add3A_298 : i32
      %dma_start3A_300 = arith.constant 0 : i32
      %dma_start3A_301 = tpu.memref_slice %arg9[%add3A_299, %dma_start3A_300] : memref<256x32xf32, #tpu.memory_space<vmem>> -> memref<1x32xf32, #tpu.memory_space<vmem>>
      %dma_start3A_302 = arith.constant 0 : i32
      %dma_start3A_303 = tpu.memref_slice %arg4[%squeeze3A_297, %dma_start3A_302] : memref<1000000x32xf32, #tpu.memory_space<hbm>> -> memref<1x32xf32, #tpu.memory_space<hbm>>
      %dma_start3A_304 = arith.constant 0 : i32
      %dma_start3A_305 = tpu.memref_slice %arg9[%add3A_299, %dma_start3A_304] : memref<256x32xf32, #tpu.memory_space<vmem>> -> memref<1x32xf32, #tpu.memory_space<vmem>>
      %dma_start3A_306 = arith.constant 0 : i32
      %dma_start3A_307 = tpu.memref_slice %arg4[%squeeze3A_297, %dma_start3A_306] : memref<1000000x32xf32, #tpu.memory_space<hbm>> -> memref<1x32xf32, #tpu.memory_space<hbm>>
      tpu.enqueue_dma source(%dma_start3A_307 : memref<1x32xf32, #tpu.memory_space<hbm>>) target(%dma_start3A_305 : memref<1x32xf32, #tpu.memory_space<vmem>>) target_semaphore(%arg12 : memref<!tpu.dma_semaphore, #tpu.memory_space<semaphore_mem>>)
      %slice3A_308 = vector.extract_strided_slice %get3A_58 {offsets = [10], sizes = [1], strides = [1]} : vector<16xi32> to vector<1xi32>
      %squeeze3A_309 = vector.extract %slice3A_308[0] : i32 from vector<1xi32>
      %add3A_310 = arith.constant 10 : i32
      %add3A_311 = arith.addi %mul3A_51, %add3A_310 : i32
      %dma_start3A_312 = arith.constant 0 : i32
      %dma_start3A_313 = tpu.memref_slice %arg10[%add3A_311, %dma_start3A_312] : memref<256x32xf32, #tpu.memory_space<vmem>> -> memref<1x32xf32, #tpu.memory_space<vmem>>
      %dma_start3A_314 = arith.constant 0 : i32
      %dma_start3A_315 = tpu.memref_slice %arg5[%squeeze3A_309, %dma_start3A_314] : memref<1000000x32xf32, #tpu.memory_space<hbm>> -> memref<1x32xf32, #tpu.memory_space<hbm>>
      %dma_start3A_316 = arith.constant 0 : i32
      %dma_start3A_317 = tpu.memref_slice %arg10[%add3A_311, %dma_start3A_316] : memref<256x32xf32, #tpu.memory_space<vmem>> -> memref<1x32xf32, #tpu.memory_space<vmem>>
      %dma_start3A_318 = arith.constant 0 : i32
      %dma_start3A_319 = tpu.memref_slice %arg5[%squeeze3A_309, %dma_start3A_318] : memref<1000000x32xf32, #tpu.memory_space<hbm>> -> memref<1x32xf32, #tpu.memory_space<hbm>>
      tpu.enqueue_dma source(%dma_start3A_319 : memref<1x32xf32, #tpu.memory_space<hbm>>) target(%dma_start3A_317 : memref<1x32xf32, #tpu.memory_space<vmem>>) target_semaphore(%arg13 : memref<!tpu.dma_semaphore, #tpu.memory_space<semaphore_mem>>)
      %slice3A_320 = vector.extract_strided_slice %get3A_54 {offsets = [11], sizes = [1], strides = [1]} : vector<16xi32> to vector<1xi32>
      %squeeze3A_321 = vector.extract %slice3A_320[0] : i32 from vector<1xi32>
      %add3A_322 = arith.constant 11 : i32
      %add3A_323 = arith.addi %mul3A_51, %add3A_322 : i32
      %dma_start3A_324 = arith.constant 0 : i32
      %dma_start3A_325 = tpu.memref_slice %arg9[%add3A_323, %dma_start3A_324] : memref<256x32xf32, #tpu.memory_space<vmem>> -> memref<1x32xf32, #tpu.memory_space<vmem>>
      %dma_start3A_326 = arith.constant 0 : i32
      %dma_start3A_327 = tpu.memref_slice %arg4[%squeeze3A_321, %dma_start3A_326] : memref<1000000x32xf32, #tpu.memory_space<hbm>> -> memref<1x32xf32, #tpu.memory_space<hbm>>
      %dma_start3A_328 = arith.constant 0 : i32
      %dma_start3A_329 = tpu.memref_slice %arg9[%add3A_323, %dma_start3A_328] : memref<256x32xf32, #tpu.memory_space<vmem>> -> memref<1x32xf32, #tpu.memory_space<vmem>>
      %dma_start3A_330 = arith.constant 0 : i32
      %dma_start3A_331 = tpu.memref_slice %arg4[%squeeze3A_321, %dma_start3A_330] : memref<1000000x32xf32, #tpu.memory_space<hbm>> -> memref<1x32xf32, #tpu.memory_space<hbm>>
      tpu.enqueue_dma source(%dma_start3A_331 : memref<1x32xf32, #tpu.memory_space<hbm>>) target(%dma_start3A_329 : memref<1x32xf32, #tpu.memory_space<vmem>>) target_semaphore(%arg12 : memref<!tpu.dma_semaphore, #tpu.memory_space<semaphore_mem>>)
      %slice3A_332 = vector.extract_strided_slice %get3A_58 {offsets = [11], sizes = [1], strides = [1]} : vector<16xi32> to vector<1xi32>
      %squeeze3A_333 = vector.extract %slice3A_332[0] : i32 from vector<1xi32>
      %add3A_334 = arith.constant 11 : i32
      %add3A_335 = arith.addi %mul3A_51, %add3A_334 : i32
      %dma_start3A_336 = arith.constant 0 : i32
      %dma_start3A_337 = tpu.memref_slice %arg10[%add3A_335, %dma_start3A_336] : memref<256x32xf32, #tpu.memory_space<vmem>> -> memref<1x32xf32, #tpu.memory_space<vmem>>
      %dma_start3A_338 = arith.constant 0 : i32
      %dma_start3A_339 = tpu.memref_slice %arg5[%squeeze3A_333, %dma_start3A_338] : memref<1000000x32xf32, #tpu.memory_space<hbm>> -> memref<1x32xf32, #tpu.memory_space<hbm>>
      %dma_start3A_340 = arith.constant 0 : i32
      %dma_start3A_341 = tpu.memref_slice %arg10[%add3A_335, %dma_start3A_340] : memref<256x32xf32, #tpu.memory_space<vmem>> -> memref<1x32xf32, #tpu.memory_space<vmem>>
      %dma_start3A_342 = arith.constant 0 : i32
      %dma_start3A_343 = tpu.memref_slice %arg5[%squeeze3A_333, %dma_start3A_342] : memref<1000000x32xf32, #tpu.memory_space<hbm>> -> memref<1x32xf32, #tpu.memory_space<hbm>>
      tpu.enqueue_dma source(%dma_start3A_343 : memref<1x32xf32, #tpu.memory_space<hbm>>) target(%dma_start3A_341 : memref<1x32xf32, #tpu.memory_space<vmem>>) target_semaphore(%arg13 : memref<!tpu.dma_semaphore, #tpu.memory_space<semaphore_mem>>)
      %slice3A_344 = vector.extract_strided_slice %get3A_54 {offsets = [12], sizes = [1], strides = [1]} : vector<16xi32> to vector<1xi32>
      %squeeze3A_345 = vector.extract %slice3A_344[0] : i32 from vector<1xi32>
      %add3A_346 = arith.constant 12 : i32
      %add3A_347 = arith.addi %mul3A_51, %add3A_346 : i32
      %dma_start3A_348 = arith.constant 0 : i32
      %dma_start3A_349 = tpu.memref_slice %arg9[%add3A_347, %dma_start3A_348] : memref<256x32xf32, #tpu.memory_space<vmem>> -> memref<1x32xf32, #tpu.memory_space<vmem>>
      %dma_start3A_350 = arith.constant 0 : i32
      %dma_start3A_351 = tpu.memref_slice %arg4[%squeeze3A_345, %dma_start3A_350] : memref<1000000x32xf32, #tpu.memory_space<hbm>> -> memref<1x32xf32, #tpu.memory_space<hbm>>
      %dma_start3A_352 = arith.constant 0 : i32
      %dma_start3A_353 = tpu.memref_slice %arg9[%add3A_347, %dma_start3A_352] : memref<256x32xf32, #tpu.memory_space<vmem>> -> memref<1x32xf32, #tpu.memory_space<vmem>>
      %dma_start3A_354 = arith.constant 0 : i32
      %dma_start3A_355 = tpu.memref_slice %arg4[%squeeze3A_345, %dma_start3A_354] : memref<1000000x32xf32, #tpu.memory_space<hbm>> -> memref<1x32xf32, #tpu.memory_space<hbm>>
      tpu.enqueue_dma source(%dma_start3A_355 : memref<1x32xf32, #tpu.memory_space<hbm>>) target(%dma_start3A_353 : memref<1x32xf32, #tpu.memory_space<vmem>>) target_semaphore(%arg12 : memref<!tpu.dma_semaphore, #tpu.memory_space<semaphore_mem>>)
      %slice3A_356 = vector.extract_strided_slice %get3A_58 {offsets = [12], sizes = [1], strides = [1]} : vector<16xi32> to vector<1xi32>
      %squeeze3A_357 = vector.extract %slice3A_356[0] : i32 from vector<1xi32>
      %add3A_358 = arith.constant 12 : i32
      %add3A_359 = arith.addi %mul3A_51, %add3A_358 : i32
      %dma_start3A_360 = arith.constant 0 : i32
      %dma_start3A_361 = tpu.memref_slice %arg10[%add3A_359, %dma_start3A_360] : memref<256x32xf32, #tpu.memory_space<vmem>> -> memref<1x32xf32, #tpu.memory_space<vmem>>
      %dma_start3A_362 = arith.constant 0 : i32
      %dma_start3A_363 = tpu.memref_slice %arg5[%squeeze3A_357, %dma_start3A_362] : memref<1000000x32xf32, #tpu.memory_space<hbm>> -> memref<1x32xf32, #tpu.memory_space<hbm>>
      %dma_start3A_364 = arith.constant 0 : i32
      %dma_start3A_365 = tpu.memref_slice %arg10[%add3A_359, %dma_start3A_364] : memref<256x32xf32, #tpu.memory_space<vmem>> -> memref<1x32xf32, #tpu.memory_space<vmem>>
      %dma_start3A_366 = arith.constant 0 : i32
      %dma_start3A_367 = tpu.memref_slice %arg5[%squeeze3A_357, %dma_start3A_366] : memref<1000000x32xf32, #tpu.memory_space<hbm>> -> memref<1x32xf32, #tpu.memory_space<hbm>>
      tpu.enqueue_dma source(%dma_start3A_367 : memref<1x32xf32, #tpu.memory_space<hbm>>) target(%dma_start3A_365 : memref<1x32xf32, #tpu.memory_space<vmem>>) target_semaphore(%arg13 : memref<!tpu.dma_semaphore, #tpu.memory_space<semaphore_mem>>)
      %slice3A_368 = vector.extract_strided_slice %get3A_54 {offsets = [13], sizes = [1], strides = [1]} : vector<16xi32> to vector<1xi32>
      %squeeze3A_369 = vector.extract %slice3A_368[0] : i32 from vector<1xi32>
      %add3A_370 = arith.constant 13 : i32
      %add3A_371 = arith.addi %mul3A_51, %add3A_370 : i32
      %dma_start3A_372 = arith.constant 0 : i32
      %dma_start3A_373 = tpu.memref_slice %arg9[%add3A_371, %dma_start3A_372] : memref<256x32xf32, #tpu.memory_space<vmem>> -> memref<1x32xf32, #tpu.memory_space<vmem>>
      %dma_start3A_374 = arith.constant 0 : i32
      %dma_start3A_375 = tpu.memref_slice %arg4[%squeeze3A_369, %dma_start3A_374] : memref<1000000x32xf32, #tpu.memory_space<hbm>> -> memref<1x32xf32, #tpu.memory_space<hbm>>
      %dma_start3A_376 = arith.constant 0 : i32
      %dma_start3A_377 = tpu.memref_slice %arg9[%add3A_371, %dma_start3A_376] : memref<256x32xf32, #tpu.memory_space<vmem>> -> memref<1x32xf32, #tpu.memory_space<vmem>>
      %dma_start3A_378 = arith.constant 0 : i32
      %dma_start3A_379 = tpu.memref_slice %arg4[%squeeze3A_369, %dma_start3A_378] : memref<1000000x32xf32, #tpu.memory_space<hbm>> -> memref<1x32xf32, #tpu.memory_space<hbm>>
      tpu.enqueue_dma source(%dma_start3A_379 : memref<1x32xf32, #tpu.memory_space<hbm>>) target(%dma_start3A_377 : memref<1x32xf32, #tpu.memory_space<vmem>>) target_semaphore(%arg12 : memref<!tpu.dma_semaphore, #tpu.memory_space<semaphore_mem>>)
      %slice3A_380 = vector.extract_strided_slice %get3A_58 {offsets = [13], sizes = [1], strides = [1]} : vector<16xi32> to vector<1xi32>
      %squeeze3A_381 = vector.extract %slice3A_380[0] : i32 from vector<1xi32>
      %add3A_382 = arith.constant 13 : i32
      %add3A_383 = arith.addi %mul3A_51, %add3A_382 : i32
      %dma_start3A_384 = arith.constant 0 : i32
      %dma_start3A_385 = tpu.memref_slice %arg10[%add3A_383, %dma_start3A_384] : memref<256x32xf32, #tpu.memory_space<vmem>> -> memref<1x32xf32, #tpu.memory_space<vmem>>
      %dma_start3A_386 = arith.constant 0 : i32
      %dma_start3A_387 = tpu.memref_slice %arg5[%squeeze3A_381, %dma_start3A_386] : memref<1000000x32xf32, #tpu.memory_space<hbm>> -> memref<1x32xf32, #tpu.memory_space<hbm>>
      %dma_start3A_388 = arith.constant 0 : i32
      %dma_start3A_389 = tpu.memref_slice %arg10[%add3A_383, %dma_start3A_388] : memref<256x32xf32, #tpu.memory_space<vmem>> -> memref<1x32xf32, #tpu.memory_space<vmem>>
      %dma_start3A_390 = arith.constant 0 : i32
      %dma_start3A_391 = tpu.memref_slice %arg5[%squeeze3A_381, %dma_start3A_390] : memref<1000000x32xf32, #tpu.memory_space<hbm>> -> memref<1x32xf32, #tpu.memory_space<hbm>>
      tpu.enqueue_dma source(%dma_start3A_391 : memref<1x32xf32, #tpu.memory_space<hbm>>) target(%dma_start3A_389 : memref<1x32xf32, #tpu.memory_space<vmem>>) target_semaphore(%arg13 : memref<!tpu.dma_semaphore, #tpu.memory_space<semaphore_mem>>)
      %slice3A_392 = vector.extract_strided_slice %get3A_54 {offsets = [14], sizes = [1], strides = [1]} : vector<16xi32> to vector<1xi32>
      %squeeze3A_393 = vector.extract %slice3A_392[0] : i32 from vector<1xi32>
      %add3A_394 = arith.constant 14 : i32
      %add3A_395 = arith.addi %mul3A_51, %add3A_394 : i32
      %dma_start3A_396 = arith.constant 0 : i32
      %dma_start3A_397 = tpu.memref_slice %arg9[%add3A_395, %dma_start3A_396] : memref<256x32xf32, #tpu.memory_space<vmem>> -> memref<1x32xf32, #tpu.memory_space<vmem>>
      %dma_start3A_398 = arith.constant 0 : i32
      %dma_start3A_399 = tpu.memref_slice %arg4[%squeeze3A_393, %dma_start3A_398] : memref<1000000x32xf32, #tpu.memory_space<hbm>> -> memref<1x32xf32, #tpu.memory_space<hbm>>
      %dma_start3A_400 = arith.constant 0 : i32
      %dma_start3A_401 = tpu.memref_slice %arg9[%add3A_395, %dma_start3A_400] : memref<256x32xf32, #tpu.memory_space<vmem>> -> memref<1x32xf32, #tpu.memory_space<vmem>>
      %dma_start3A_402 = arith.constant 0 : i32
      %dma_start3A_403 = tpu.memref_slice %arg4[%squeeze3A_393, %dma_start3A_402] : memref<1000000x32xf32, #tpu.memory_space<hbm>> -> memref<1x32xf32, #tpu.memory_space<hbm>>
      tpu.enqueue_dma source(%dma_start3A_403 : memref<1x32xf32, #tpu.memory_space<hbm>>) target(%dma_start3A_401 : memref<1x32xf32, #tpu.memory_space<vmem>>) target_semaphore(%arg12 : memref<!tpu.dma_semaphore, #tpu.memory_space<semaphore_mem>>)
      %slice3A_404 = vector.extract_strided_slice %get3A_58 {offsets = [14], sizes = [1], strides = [1]} : vector<16xi32> to vector<1xi32>
      %squeeze3A_405 = vector.extract %slice3A_404[0] : i32 from vector<1xi32>
      %add3A_406 = arith.constant 14 : i32
      %add3A_407 = arith.addi %mul3A_51, %add3A_406 : i32
      %dma_start3A_408 = arith.constant 0 : i32
      %dma_start3A_409 = tpu.memref_slice %arg10[%add3A_407, %dma_start3A_408] : memref<256x32xf32, #tpu.memory_space<vmem>> -> memref<1x32xf32, #tpu.memory_space<vmem>>
      %dma_start3A_410 = arith.constant 0 : i32
      %dma_start3A_411 = tpu.memref_slice %arg5[%squeeze3A_405, %dma_start3A_410] : memref<1000000x32xf32, #tpu.memory_space<hbm>> -> memref<1x32xf32, #tpu.memory_space<hbm>>
      %dma_start3A_412 = arith.constant 0 : i32
      %dma_start3A_413 = tpu.memref_slice %arg10[%add3A_407, %dma_start3A_412] : memref<256x32xf32, #tpu.memory_space<vmem>> -> memref<1x32xf32, #tpu.memory_space<vmem>>
      %dma_start3A_414 = arith.constant 0 : i32
      %dma_start3A_415 = tpu.memref_slice %arg5[%squeeze3A_405, %dma_start3A_414] : memref<1000000x32xf32, #tpu.memory_space<hbm>> -> memref<1x32xf32, #tpu.memory_space<hbm>>
      tpu.enqueue_dma source(%dma_start3A_415 : memref<1x32xf32, #tpu.memory_space<hbm>>) target(%dma_start3A_413 : memref<1x32xf32, #tpu.memory_space<vmem>>) target_semaphore(%arg13 : memref<!tpu.dma_semaphore, #tpu.memory_space<semaphore_mem>>)
      %slice3A_416 = vector.extract_strided_slice %get3A_54 {offsets = [15], sizes = [1], strides = [1]} : vector<16xi32> to vector<1xi32>
      %squeeze3A_417 = vector.extract %slice3A_416[0] : i32 from vector<1xi32>
      %add3A_418 = arith.constant 15 : i32
      %add3A_419 = arith.addi %mul3A_51, %add3A_418 : i32
      %dma_start3A_420 = arith.constant 0 : i32
      %dma_start3A_421 = tpu.memref_slice %arg9[%add3A_419, %dma_start3A_420] : memref<256x32xf32, #tpu.memory_space<vmem>> -> memref<1x32xf32, #tpu.memory_space<vmem>>
      %dma_start3A_422 = arith.constant 0 : i32
      %dma_start3A_423 = tpu.memref_slice %arg4[%squeeze3A_417, %dma_start3A_422] : memref<1000000x32xf32, #tpu.memory_space<hbm>> -> memref<1x32xf32, #tpu.memory_space<hbm>>
      %dma_start3A_424 = arith.constant 0 : i32
      %dma_start3A_425 = tpu.memref_slice %arg9[%add3A_419, %dma_start3A_424] : memref<256x32xf32, #tpu.memory_space<vmem>> -> memref<1x32xf32, #tpu.memory_space<vmem>>
      %dma_start3A_426 = arith.constant 0 : i32
      %dma_start3A_427 = tpu.memref_slice %arg4[%squeeze3A_417, %dma_start3A_426] : memref<1000000x32xf32, #tpu.memory_space<hbm>> -> memref<1x32xf32, #tpu.memory_space<hbm>>
      tpu.enqueue_dma source(%dma_start3A_427 : memref<1x32xf32, #tpu.memory_space<hbm>>) target(%dma_start3A_425 : memref<1x32xf32, #tpu.memory_space<vmem>>) target_semaphore(%arg12 : memref<!tpu.dma_semaphore, #tpu.memory_space<semaphore_mem>>)
      %slice3A_428 = vector.extract_strided_slice %get3A_58 {offsets = [15], sizes = [1], strides = [1]} : vector<16xi32> to vector<1xi32>
      %squeeze3A_429 = vector.extract %slice3A_428[0] : i32 from vector<1xi32>
      %add3A_430 = arith.constant 15 : i32
      %add3A_431 = arith.addi %mul3A_51, %add3A_430 : i32
      %dma_start3A_432 = arith.constant 0 : i32
      %dma_start3A_433 = tpu.memref_slice %arg10[%add3A_431, %dma_start3A_432] : memref<256x32xf32, #tpu.memory_space<vmem>> -> memref<1x32xf32, #tpu.memory_space<vmem>>
      %dma_start3A_434 = arith.constant 0 : i32
      %dma_start3A_435 = tpu.memref_slice %arg5[%squeeze3A_429, %dma_start3A_434] : memref<1000000x32xf32, #tpu.memory_space<hbm>> -> memref<1x32xf32, #tpu.memory_space<hbm>>
      %dma_start3A_436 = arith.constant 0 : i32
      %dma_start3A_437 = tpu.memref_slice %arg10[%add3A_431, %dma_start3A_436] : memref<256x32xf32, #tpu.memory_space<vmem>> -> memref<1x32xf32, #tpu.memory_space<vmem>>
      %dma_start3A_438 = arith.constant 0 : i32
      %dma_start3A_439 = tpu.memref_slice %arg5[%squeeze3A_429, %dma_start3A_438] : memref<1000000x32xf32, #tpu.memory_space<hbm>> -> memref<1x32xf32, #tpu.memory_space<hbm>>
      tpu.enqueue_dma source(%dma_start3A_439 : memref<1x32xf32, #tpu.memory_space<hbm>>) target(%dma_start3A_437 : memref<1x32xf32, #tpu.memory_space<vmem>>) target_semaphore(%arg13 : memref<!tpu.dma_semaphore, #tpu.memory_space<semaphore_mem>>)
    }
    %scan3A_30 = arith.constant 16 : i32
    %dma_wait3A_31 = arith.constant 0 : i32
    %dma_wait3A_32 = arith.constant 0 : i32
    %dma_wait3A_33 = tpu.memref_slice %arg4[%dma_wait3A_31, %dma_wait3A_32] : memref<1000000x32xf32, #tpu.memory_space<hbm>> -> memref<256x32xf32, #tpu.memory_space<hbm>>
    %dma_wait3A_34 = arith.constant 0 : i32
    %dma_wait3A_35 = arith.constant 0 : i32
    %dma_wait3A_36 = tpu.memref_slice %arg4[%dma_wait3A_34, %dma_wait3A_35] : memref<1000000x32xf32, #tpu.memory_space<hbm>> -> memref<256x32xf32, #tpu.memory_space<hbm>>
    tpu.wait_dma2 semaphore(%arg12 : memref<!tpu.dma_semaphore, #tpu.memory_space<semaphore_mem>>) src(%dma_wait3A_36 : memref<256x32xf32, #tpu.memory_space<hbm>>) dst(%arg9 : memref<256x32xf32, #tpu.memory_space<vmem>>)
    %dma_wait3A_37 = arith.constant 0 : i32
    %dma_wait3A_38 = arith.constant 0 : i32
    %dma_wait3A_39 = tpu.memref_slice %arg5[%dma_wait3A_37, %dma_wait3A_38] : memref<1000000x32xf32, #tpu.memory_space<hbm>> -> memref<256x32xf32, #tpu.memory_space<hbm>>
    %dma_wait3A_40 = arith.constant 0 : i32
    %dma_wait3A_41 = arith.constant 0 : i32
    %dma_wait3A_42 = tpu.memref_slice %arg5[%dma_wait3A_40, %dma_wait3A_41] : memref<1000000x32xf32, #tpu.memory_space<hbm>> -> memref<256x32xf32, #tpu.memory_space<hbm>>
    tpu.wait_dma2 semaphore(%arg13 : memref<!tpu.dma_semaphore, #tpu.memory_space<semaphore_mem>>) src(%dma_wait3A_42 : memref<256x32xf32, #tpu.memory_space<hbm>>) dst(%arg10 : memref<256x32xf32, #tpu.memory_space<vmem>>)
    %scan3A_43 = arith.constant 0 : i32
    %scan3A_44 = arith.constant 0 : i32
    %scan3A_45 = arith.constant 16 : i32
    %scan3A_46 = arith.addi %scan3A_44, %scan3A_45 : i32
    %scan3A_47 = arith.constant 1 : i32
    scf.for %scan3A_49 = %scan3A_44 to %scan3A_46 step %scan3A_47  : i32 {
      %mul3A_50 = arith.constant 16 : i32
      %mul3A_51 = arith.muli %scan3A_49, %mul3A_50 : i32
      %add3A_52 = vector.broadcast %mul3A_51 : i32 to vector<16xi32>
      %add3A_53 = arith.addi %add3A_52, %iota3A : vector<16xi32>
      %broadcast_in_dim3A = arith.constant 0.000000e+00 : f32
      %broadcast_in_dim3A_54 = vector.broadcast %broadcast_in_dim3A : f32 to vector<16xf32>
      %broadcast_in_dim3A_55 = arith.constant 0 : i32
      %broadcast_in_dim3A_56 = vector.broadcast %broadcast_in_dim3A_55 : i32 to vector<16xi32>
      %gather3A = tpu.vector_load_idx %arg9[%add3A_53, %broadcast_in_dim3A_56] : memref<256x32xf32, #tpu.memory_space<vmem>>[vector<16xi32>, vector<16xi32>], vector<16xf32>,
      %gather3A_57 = tpu.vector_load_idx %arg10[%add3A_53, %broadcast_in_dim3A_56] : memref<256x32xf32, #tpu.memory_space<vmem>>[vector<16xi32>, vector<16xi32>], vector<16xf32>,
      %mul3A_58 = arith.mulf %gather3A, %gather3A_57 : vector<16xf32>
      %add3A_59 = arith.addf %broadcast_in_dim3A_54, %mul3A_58 : vector<16xf32>
      %broadcast_in_dim3A_60 = arith.constant 1 : i32
      %broadcast_in_dim3A_61 = vector.broadcast %broadcast_in_dim3A_60 : i32 to vector<16xi32>
      %gather3A_62 = tpu.vector_load_idx %arg9[%add3A_53, %broadcast_in_dim3A_61] : memref<256x32xf32, #tpu.memory_space<vmem>>[vector<16xi32>, vector<16xi32>], vector<16xf32>,
      %gather3A_63 = tpu.vector_load_idx %arg10[%add3A_53, %broadcast_in_dim3A_61] : memref<256x32xf32, #tpu.memory_space<vmem>>[vector<16xi32>, vector<16xi32>], vector<16xf32>,
      %mul3A_64 = arith.mulf %gather3A_62, %gather3A_63 : vector<16xf32>
      %add3A_65 = arith.addf %add3A_59, %mul3A_64 : vector<16xf32>
      %broadcast_in_dim3A_66 = arith.constant 2 : i32
      %broadcast_in_dim3A_67 = vector.broadcast %broadcast_in_dim3A_66 : i32 to vector<16xi32>
      %gather3A_68 = tpu.vector_load_idx %arg9[%add3A_53, %broadcast_in_dim3A_67] : memref<256x32xf32, #tpu.memory_space<vmem>>[vector<16xi32>, vector<16xi32>], vector<16xf32>,
      %gather3A_69 = tpu.vector_load_idx %arg10[%add3A_53, %broadcast_in_dim3A_67] : memref<256x32xf32, #tpu.memory_space<vmem>>[vector<16xi32>, vector<16xi32>], vector<16xf32>,
      %mul3A_70 = arith.mulf %gather3A_68, %gather3A_69 : vector<16xf32>
      %add3A_71 = arith.addf %add3A_65, %mul3A_70 : vector<16xf32>
      %broadcast_in_dim3A_72 = arith.constant 3 : i32
      %broadcast_in_dim3A_73 = vector.broadcast %broadcast_in_dim3A_72 : i32 to vector<16xi32>
      %gather3A_74 = tpu.vector_load_idx %arg9[%add3A_53, %broadcast_in_dim3A_73] : memref<256x32xf32, #tpu.memory_space<vmem>>[vector<16xi32>, vector<16xi32>], vector<16xf32>,
      %gather3A_75 = tpu.vector_load_idx %arg10[%add3A_53, %broadcast_in_dim3A_73] : memref<256x32xf32, #tpu.memory_space<vmem>>[vector<16xi32>, vector<16xi32>], vector<16xf32>,
      %mul3A_76 = arith.mulf %gather3A_74, %gather3A_75 : vector<16xf32>
      %add3A_77 = arith.addf %add3A_71, %mul3A_76 : vector<16xf32>
      %broadcast_in_dim3A_78 = arith.constant 4 : i32
      %broadcast_in_dim3A_79 = vector.broadcast %broadcast_in_dim3A_78 : i32 to vector<16xi32>
      %gather3A_80 = tpu.vector_load_idx %arg9[%add3A_53, %broadcast_in_dim3A_79] : memref<256x32xf32, #tpu.memory_space<vmem>>[vector<16xi32>, vector<16xi32>], vector<16xf32>,
      %gather3A_81 = tpu.vector_load_idx %arg10[%add3A_53, %broadcast_in_dim3A_79] : memref<256x32xf32, #tpu.memory_space<vmem>>[vector<16xi32>, vector<16xi32>], vector<16xf32>,
      %mul3A_82 = arith.mulf %gather3A_80, %gather3A_81 : vector<16xf32>
      %add3A_83 = arith.addf %add3A_77, %mul3A_82 : vector<16xf32>
      %broadcast_in_dim3A_84 = arith.constant 5 : i32
      %broadcast_in_dim3A_85 = vector.broadcast %broadcast_in_dim3A_84 : i32 to vector<16xi32>
      %gather3A_86 = tpu.vector_load_idx %arg9[%add3A_53, %broadcast_in_dim3A_85] : memref<256x32xf32, #tpu.memory_space<vmem>>[vector<16xi32>, vector<16xi32>], vector<16xf32>,
      %gather3A_87 = tpu.vector_load_idx %arg10[%add3A_53, %broadcast_in_dim3A_85] : memref<256x32xf32, #tpu.memory_space<vmem>>[vector<16xi32>, vector<16xi32>], vector<16xf32>,
      %mul3A_88 = arith.mulf %gather3A_86, %gather3A_87 : vector<16xf32>
      %add3A_89 = arith.addf %add3A_83, %mul3A_88 : vector<16xf32>
      %broadcast_in_dim3A_90 = arith.constant 6 : i32
      %broadcast_in_dim3A_91 = vector.broadcast %broadcast_in_dim3A_90 : i32 to vector<16xi32>
      %gather3A_92 = tpu.vector_load_idx %arg9[%add3A_53, %broadcast_in_dim3A_91] : memref<256x32xf32, #tpu.memory_space<vmem>>[vector<16xi32>, vector<16xi32>], vector<16xf32>,
      %gather3A_93 = tpu.vector_load_idx %arg10[%add3A_53, %broadcast_in_dim3A_91] : memref<256x32xf32, #tpu.memory_space<vmem>>[vector<16xi32>, vector<16xi32>], vector<16xf32>,
      %mul3A_94 = arith.mulf %gather3A_92, %gather3A_93 : vector<16xf32>
      %add3A_95 = arith.addf %add3A_89, %mul3A_94 : vector<16xf32>
      %broadcast_in_dim3A_96 = arith.constant 7 : i32
      %broadcast_in_dim3A_97 = vector.broadcast %broadcast_in_dim3A_96 : i32 to vector<16xi32>
      %gather3A_98 = tpu.vector_load_idx %arg9[%add3A_53, %broadcast_in_dim3A_97] : memref<256x32xf32, #tpu.memory_space<vmem>>[vector<16xi32>, vector<16xi32>], vector<16xf32>,
      %gather3A_99 = tpu.vector_load_idx %arg10[%add3A_53, %broadcast_in_dim3A_97] : memref<256x32xf32, #tpu.memory_space<vmem>>[vector<16xi32>, vector<16xi32>], vector<16xf32>,
      %mul3A_100 = arith.mulf %gather3A_98, %gather3A_99 : vector<16xf32>
      %add3A_101 = arith.addf %add3A_95, %mul3A_100 : vector<16xf32>
      %broadcast_in_dim3A_102 = arith.constant 8 : i32
      %broadcast_in_dim3A_103 = vector.broadcast %broadcast_in_dim3A_102 : i32 to vector<16xi32>
      %gather3A_104 = tpu.vector_load_idx %arg9[%add3A_53, %broadcast_in_dim3A_103] : memref<256x32xf32, #tpu.memory_space<vmem>>[vector<16xi32>, vector<16xi32>], vector<16xf32>,
      %gather3A_105 = tpu.vector_load_idx %arg10[%add3A_53, %broadcast_in_dim3A_103] : memref<256x32xf32, #tpu.memory_space<vmem>>[vector<16xi32>, vector<16xi32>], vector<16xf32>,
      %mul3A_106 = arith.mulf %gather3A_104, %gather3A_105 : vector<16xf32>
      %add3A_107 = arith.addf %add3A_101, %mul3A_106 : vector<16xf32>
      %broadcast_in_dim3A_108 = arith.constant 9 : i32
      %broadcast_in_dim3A_109 = vector.broadcast %broadcast_in_dim3A_108 : i32 to vector<16xi32>
      %gather3A_110 = tpu.vector_load_idx %arg9[%add3A_53, %broadcast_in_dim3A_109] : memref<256x32xf32, #tpu.memory_space<vmem>>[vector<16xi32>, vector<16xi32>], vector<16xf32>,
      %gather3A_111 = tpu.vector_load_idx %arg10[%add3A_53, %broadcast_in_dim3A_109] : memref<256x32xf32, #tpu.memory_space<vmem>>[vector<16xi32>, vector<16xi32>], vector<16xf32>,
      %mul3A_112 = arith.mulf %gather3A_110, %gather3A_111 : vector<16xf32>
      %add3A_113 = arith.addf %add3A_107, %mul3A_112 : vector<16xf32>
      %broadcast_in_dim3A_114 = arith.constant 10 : i32
      %broadcast_in_dim3A_115 = vector.broadcast %broadcast_in_dim3A_114 : i32 to vector<16xi32>
      %gather3A_116 = tpu.vector_load_idx %arg9[%add3A_53, %broadcast_in_dim3A_115] : memref<256x32xf32, #tpu.memory_space<vmem>>[vector<16xi32>, vector<16xi32>], vector<16xf32>,
      %gather3A_117 = tpu.vector_load_idx %arg10[%add3A_53, %broadcast_in_dim3A_115] : memref<256x32xf32, #tpu.memory_space<vmem>>[vector<16xi32>, vector<16xi32>], vector<16xf32>,
      %mul3A_118 = arith.mulf %gather3A_116, %gather3A_117 : vector<16xf32>
      %add3A_119 = arith.addf %add3A_113, %mul3A_118 : vector<16xf32>
      %broadcast_in_dim3A_120 = arith.constant 11 : i32
      %broadcast_in_dim3A_121 = vector.broadcast %broadcast_in_dim3A_120 : i32 to vector<16xi32>
      %gather3A_122 = tpu.vector_load_idx %arg9[%add3A_53, %broadcast_in_dim3A_121] : memref<256x32xf32, #tpu.memory_space<vmem>>[vector<16xi32>, vector<16xi32>], vector<16xf32>,
      %gather3A_123 = tpu.vector_load_idx %arg10[%add3A_53, %broadcast_in_dim3A_121] : memref<256x32xf32, #tpu.memory_space<vmem>>[vector<16xi32>, vector<16xi32>], vector<16xf32>,
      %mul3A_124 = arith.mulf %gather3A_122, %gather3A_123 : vector<16xf32>
      %add3A_125 = arith.addf %add3A_119, %mul3A_124 : vector<16xf32>
      %broadcast_in_dim3A_126 = arith.constant 12 : i32
      %broadcast_in_dim3A_127 = vector.broadcast %broadcast_in_dim3A_126 : i32 to vector<16xi32>
      %gather3A_128 = tpu.vector_load_idx %arg9[%add3A_53, %broadcast_in_dim3A_127] : memref<256x32xf32, #tpu.memory_space<vmem>>[vector<16xi32>, vector<16xi32>], vector<16xf32>,
      %gather3A_129 = tpu.vector_load_idx %arg10[%add3A_53, %broadcast_in_dim3A_127] : memref<256x32xf32, #tpu.memory_space<vmem>>[vector<16xi32>, vector<16xi32>], vector<16xf32>,
      %mul3A_130 = arith.mulf %gather3A_128, %gather3A_129 : vector<16xf32>
      %add3A_131 = arith.addf %add3A_125, %mul3A_130 : vector<16xf32>
      %broadcast_in_dim3A_132 = arith.constant 13 : i32
      %broadcast_in_dim3A_133 = vector.broadcast %broadcast_in_dim3A_132 : i32 to vector<16xi32>
      %gather3A_134 = tpu.vector_load_idx %arg9[%add3A_53, %broadcast_in_dim3A_133] : memref<256x32xf32, #tpu.memory_space<vmem>>[vector<16xi32>, vector<16xi32>], vector<16xf32>,
      %gather3A_135 = tpu.vector_load_idx %arg10[%add3A_53, %broadcast_in_dim3A_133] : memref<256x32xf32, #tpu.memory_space<vmem>>[vector<16xi32>, vector<16xi32>], vector<16xf32>,
      %mul3A_136 = arith.mulf %gather3A_134, %gather3A_135 : vector<16xf32>
      %add3A_137 = arith.addf %add3A_131, %mul3A_136 : vector<16xf32>
      %broadcast_in_dim3A_138 = arith.constant 14 : i32
      %broadcast_in_dim3A_139 = vector.broadcast %broadcast_in_dim3A_138 : i32 to vector<16xi32>
      %gather3A_140 = tpu.vector_load_idx %arg9[%add3A_53, %broadcast_in_dim3A_139] : memref<256x32xf32, #tpu.memory_space<vmem>>[vector<16xi32>, vector<16xi32>], vector<16xf32>,
      %gather3A_141 = tpu.vector_load_idx %arg10[%add3A_53, %broadcast_in_dim3A_139] : memref<256x32xf32, #tpu.memory_space<vmem>>[vector<16xi32>, vector<16xi32>], vector<16xf32>,
      %mul3A_142 = arith.mulf %gather3A_140, %gather3A_141 : vector<16xf32>
      %add3A_143 = arith.addf %add3A_137, %mul3A_142 : vector<16xf32>
      %broadcast_in_dim3A_144 = arith.constant 15 : i32
      %broadcast_in_dim3A_145 = vector.broadcast %broadcast_in_dim3A_144 : i32 to vector<16xi32>
      %gather3A_146 = tpu.vector_load_idx %arg9[%add3A_53, %broadcast_in_dim3A_145] : memref<256x32xf32, #tpu.memory_space<vmem>>[vector<16xi32>, vector<16xi32>], vector<16xf32>,
      %gather3A_147 = tpu.vector_load_idx %arg10[%add3A_53, %broadcast_in_dim3A_145] : memref<256x32xf32, #tpu.memory_space<vmem>>[vector<16xi32>, vector<16xi32>], vector<16xf32>,
      %mul3A_148 = arith.mulf %gather3A_146, %gather3A_147 : vector<16xf32>
      %add3A_149 = arith.addf %add3A_143, %mul3A_148 : vector<16xf32>
      %broadcast_in_dim3A_150 = arith.constant 16 : i32
      %broadcast_in_dim3A_151 = vector.broadcast %broadcast_in_dim3A_150 : i32 to vector<16xi32>
      %gather3A_152 = tpu.vector_load_idx %arg9[%add3A_53, %broadcast_in_dim3A_151] : memref<256x32xf32, #tpu.memory_space<vmem>>[vector<16xi32>, vector<16xi32>], vector<16xf32>,
      %gather3A_153 = tpu.vector_load_idx %arg10[%add3A_53, %broadcast_in_dim3A_151] : memref<256x32xf32, #tpu.memory_space<vmem>>[vector<16xi32>, vector<16xi32>], vector<16xf32>,
      %mul3A_154 = arith.mulf %gather3A_152, %gather3A_153 : vector<16xf32>
      %add3A_155 = arith.addf %add3A_149, %mul3A_154 : vector<16xf32>
      %broadcast_in_dim3A_156 = arith.constant 17 : i32
      %broadcast_in_dim3A_157 = vector.broadcast %broadcast_in_dim3A_156 : i32 to vector<16xi32>
      %gather3A_158 = tpu.vector_load_idx %arg9[%add3A_53, %broadcast_in_dim3A_157] : memref<256x32xf32, #tpu.memory_space<vmem>>[vector<16xi32>, vector<16xi32>], vector<16xf32>,
      %gather3A_159 = tpu.vector_load_idx %arg10[%add3A_53, %broadcast_in_dim3A_157] : memref<256x32xf32, #tpu.memory_space<vmem>>[vector<16xi32>, vector<16xi32>], vector<16xf32>,
      %mul3A_160 = arith.mulf %gather3A_158, %gather3A_159 : vector<16xf32>
      %add3A_161 = arith.addf %add3A_155, %mul3A_160 : vector<16xf32>
      %broadcast_in_dim3A_162 = arith.constant 18 : i32
      %broadcast_in_dim3A_163 = vector.broadcast %broadcast_in_dim3A_162 : i32 to vector<16xi32>
      %gather3A_164 = tpu.vector_load_idx %arg9[%add3A_53, %broadcast_in_dim3A_163] : memref<256x32xf32, #tpu.memory_space<vmem>>[vector<16xi32>, vector<16xi32>], vector<16xf32>,
      %gather3A_165 = tpu.vector_load_idx %arg10[%add3A_53, %broadcast_in_dim3A_163] : memref<256x32xf32, #tpu.memory_space<vmem>>[vector<16xi32>, vector<16xi32>], vector<16xf32>,
      %mul3A_166 = arith.mulf %gather3A_164, %gather3A_165 : vector<16xf32>
      %add3A_167 = arith.addf %add3A_161, %mul3A_166 : vector<16xf32>
      %broadcast_in_dim3A_168 = arith.constant 19 : i32
      %broadcast_in_dim3A_169 = vector.broadcast %broadcast_in_dim3A_168 : i32 to vector<16xi32>
      %gather3A_170 = tpu.vector_load_idx %arg9[%add3A_53, %broadcast_in_dim3A_169] : memref<256x32xf32, #tpu.memory_space<vmem>>[vector<16xi32>, vector<16xi32>], vector<16xf32>,
      %gather3A_171 = tpu.vector_load_idx %arg10[%add3A_53, %broadcast_in_dim3A_169] : memref<256x32xf32, #tpu.memory_space<vmem>>[vector<16xi32>, vector<16xi32>], vector<16xf32>,
      %mul3A_172 = arith.mulf %gather3A_170, %gather3A_171 : vector<16xf32>
      %add3A_173 = arith.addf %add3A_167, %mul3A_172 : vector<16xf32>
      %broadcast_in_dim3A_174 = arith.constant 20 : i32
      %broadcast_in_dim3A_175 = vector.broadcast %broadcast_in_dim3A_174 : i32 to vector<16xi32>
      %gather3A_176 = tpu.vector_load_idx %arg9[%add3A_53, %broadcast_in_dim3A_175] : memref<256x32xf32, #tpu.memory_space<vmem>>[vector<16xi32>, vector<16xi32>], vector<16xf32>,
      %gather3A_177 = tpu.vector_load_idx %arg10[%add3A_53, %broadcast_in_dim3A_175] : memref<256x32xf32, #tpu.memory_space<vmem>>[vector<16xi32>, vector<16xi32>], vector<16xf32>,
      %mul3A_178 = arith.mulf %gather3A_176, %gather3A_177 : vector<16xf32>
      %add3A_179 = arith.addf %add3A_173, %mul3A_178 : vector<16xf32>
      %broadcast_in_dim3A_180 = arith.constant 21 : i32
      %broadcast_in_dim3A_181 = vector.broadcast %broadcast_in_dim3A_180 : i32 to vector<16xi32>
      %gather3A_182 = tpu.vector_load_idx %arg9[%add3A_53, %broadcast_in_dim3A_181] : memref<256x32xf32, #tpu.memory_space<vmem>>[vector<16xi32>, vector<16xi32>], vector<16xf32>,
      %gather3A_183 = tpu.vector_load_idx %arg10[%add3A_53, %broadcast_in_dim3A_181] : memref<256x32xf32, #tpu.memory_space<vmem>>[vector<16xi32>, vector<16xi32>], vector<16xf32>,
      %mul3A_184 = arith.mulf %gather3A_182, %gather3A_183 : vector<16xf32>
      %add3A_185 = arith.addf %add3A_179, %mul3A_184 : vector<16xf32>
      %broadcast_in_dim3A_186 = arith.constant 22 : i32
      %broadcast_in_dim3A_187 = vector.broadcast %broadcast_in_dim3A_186 : i32 to vector<16xi32>
      %gather3A_188 = tpu.vector_load_idx %arg9[%add3A_53, %broadcast_in_dim3A_187] : memref<256x32xf32, #tpu.memory_space<vmem>>[vector<16xi32>, vector<16xi32>], vector<16xf32>,
      %gather3A_189 = tpu.vector_load_idx %arg10[%add3A_53, %broadcast_in_dim3A_187] : memref<256x32xf32, #tpu.memory_space<vmem>>[vector<16xi32>, vector<16xi32>], vector<16xf32>,
      %mul3A_190 = arith.mulf %gather3A_188, %gather3A_189 : vector<16xf32>
      %add3A_191 = arith.addf %add3A_185, %mul3A_190 : vector<16xf32>
      %broadcast_in_dim3A_192 = arith.constant 23 : i32
      %broadcast_in_dim3A_193 = vector.broadcast %broadcast_in_dim3A_192 : i32 to vector<16xi32>
      %gather3A_194 = tpu.vector_load_idx %arg9[%add3A_53, %broadcast_in_dim3A_193] : memref<256x32xf32, #tpu.memory_space<vmem>>[vector<16xi32>, vector<16xi32>], vector<16xf32>,
      %gather3A_195 = tpu.vector_load_idx %arg10[%add3A_53, %broadcast_in_dim3A_193] : memref<256x32xf32, #tpu.memory_space<vmem>>[vector<16xi32>, vector<16xi32>], vector<16xf32>,
      %mul3A_196 = arith.mulf %gather3A_194, %gather3A_195 : vector<16xf32>
      %add3A_197 = arith.addf %add3A_191, %mul3A_196 : vector<16xf32>
      %broadcast_in_dim3A_198 = arith.constant 24 : i32
      %broadcast_in_dim3A_199 = vector.broadcast %broadcast_in_dim3A_198 : i32 to vector<16xi32>
      %gather3A_200 = tpu.vector_load_idx %arg9[%add3A_53, %broadcast_in_dim3A_199] : memref<256x32xf32, #tpu.memory_space<vmem>>[vector<16xi32>, vector<16xi32>], vector<16xf32>,
      %gather3A_201 = tpu.vector_load_idx %arg10[%add3A_53, %broadcast_in_dim3A_199] : memref<256x32xf32, #tpu.memory_space<vmem>>[vector<16xi32>, vector<16xi32>], vector<16xf32>,
      %mul3A_202 = arith.mulf %gather3A_200, %gather3A_201 : vector<16xf32>
      %add3A_203 = arith.addf %add3A_197, %mul3A_202 : vector<16xf32>
      %broadcast_in_dim3A_204 = arith.constant 25 : i32
      %broadcast_in_dim3A_205 = vector.broadcast %broadcast_in_dim3A_204 : i32 to vector<16xi32>
      %gather3A_206 = tpu.vector_load_idx %arg9[%add3A_53, %broadcast_in_dim3A_205] : memref<256x32xf32, #tpu.memory_space<vmem>>[vector<16xi32>, vector<16xi32>], vector<16xf32>,
      %gather3A_207 = tpu.vector_load_idx %arg10[%add3A_53, %broadcast_in_dim3A_205] : memref<256x32xf32, #tpu.memory_space<vmem>>[vector<16xi32>, vector<16xi32>], vector<16xf32>,
      %mul3A_208 = arith.mulf %gather3A_206, %gather3A_207 : vector<16xf32>
      %add3A_209 = arith.addf %add3A_203, %mul3A_208 : vector<16xf32>
      %broadcast_in_dim3A_210 = arith.constant 26 : i32
      %broadcast_in_dim3A_211 = vector.broadcast %broadcast_in_dim3A_210 : i32 to vector<16xi32>
      %gather3A_212 = tpu.vector_load_idx %arg9[%add3A_53, %broadcast_in_dim3A_211] : memref<256x32xf32, #tpu.memory_space<vmem>>[vector<16xi32>, vector<16xi32>], vector<16xf32>,
      %gather3A_213 = tpu.vector_load_idx %arg10[%add3A_53, %broadcast_in_dim3A_211] : memref<256x32xf32, #tpu.memory_space<vmem>>[vector<16xi32>, vector<16xi32>], vector<16xf32>,
      %mul3A_214 = arith.mulf %gather3A_212, %gather3A_213 : vector<16xf32>
      %add3A_215 = arith.addf %add3A_209, %mul3A_214 : vector<16xf32>
      %broadcast_in_dim3A_216 = arith.constant 27 : i32
      %broadcast_in_dim3A_217 = vector.broadcast %broadcast_in_dim3A_216 : i32 to vector<16xi32>
      %gather3A_218 = tpu.vector_load_idx %arg9[%add3A_53, %broadcast_in_dim3A_217] : memref<256x32xf32, #tpu.memory_space<vmem>>[vector<16xi32>, vector<16xi32>], vector<16xf32>,
      %gather3A_219 = tpu.vector_load_idx %arg10[%add3A_53, %broadcast_in_dim3A_217] : memref<256x32xf32, #tpu.memory_space<vmem>>[vector<16xi32>, vector<16xi32>], vector<16xf32>,
      %mul3A_220 = arith.mulf %gather3A_218, %gather3A_219 : vector<16xf32>
      %add3A_221 = arith.addf %add3A_215, %mul3A_220 : vector<16xf32>
      %broadcast_in_dim3A_222 = arith.constant 28 : i32
      %broadcast_in_dim3A_223 = vector.broadcast %broadcast_in_dim3A_222 : i32 to vector<16xi32>
      %gather3A_224 = tpu.vector_load_idx %arg9[%add3A_53, %broadcast_in_dim3A_223] : memref<256x32xf32, #tpu.memory_space<vmem>>[vector<16xi32>, vector<16xi32>], vector<16xf32>,
      %gather3A_225 = tpu.vector_load_idx %arg10[%add3A_53, %broadcast_in_dim3A_223] : memref<256x32xf32, #tpu.memory_space<vmem>>[vector<16xi32>, vector<16xi32>], vector<16xf32>,
      %mul3A_226 = arith.mulf %gather3A_224, %gather3A_225 : vector<16xf32>
      %add3A_227 = arith.addf %add3A_221, %mul3A_226 : vector<16xf32>
      %broadcast_in_dim3A_228 = arith.constant 29 : i32
      %broadcast_in_dim3A_229 = vector.broadcast %broadcast_in_dim3A_228 : i32 to vector<16xi32>
      %gather3A_230 = tpu.vector_load_idx %arg9[%add3A_53, %broadcast_in_dim3A_229] : memref<256x32xf32, #tpu.memory_space<vmem>>[vector<16xi32>, vector<16xi32>], vector<16xf32>,
      %gather3A_231 = tpu.vector_load_idx %arg10[%add3A_53, %broadcast_in_dim3A_229] : memref<256x32xf32, #tpu.memory_space<vmem>>[vector<16xi32>, vector<16xi32>], vector<16xf32>,
      %mul3A_232 = arith.mulf %gather3A_230, %gather3A_231 : vector<16xf32>
      %add3A_233 = arith.addf %add3A_227, %mul3A_232 : vector<16xf32>
      %broadcast_in_dim3A_234 = arith.constant 30 : i32
      %broadcast_in_dim3A_235 = vector.broadcast %broadcast_in_dim3A_234 : i32 to vector<16xi32>
      %gather3A_236 = tpu.vector_load_idx %arg9[%add3A_53, %broadcast_in_dim3A_235] : memref<256x32xf32, #tpu.memory_space<vmem>>[vector<16xi32>, vector<16xi32>], vector<16xf32>,
      %gather3A_237 = tpu.vector_load_idx %arg10[%add3A_53, %broadcast_in_dim3A_235] : memref<256x32xf32, #tpu.memory_space<vmem>>[vector<16xi32>, vector<16xi32>], vector<16xf32>,
      %mul3A_238 = arith.mulf %gather3A_236, %gather3A_237 : vector<16xf32>
      %add3A_239 = arith.addf %add3A_233, %mul3A_238 : vector<16xf32>
      %broadcast_in_dim3A_240 = arith.constant 31 : i32
      %broadcast_in_dim3A_241 = vector.broadcast %broadcast_in_dim3A_240 : i32 to vector<16xi32>
      %gather3A_242 = tpu.vector_load_idx %arg9[%add3A_53, %broadcast_in_dim3A_241] : memref<256x32xf32, #tpu.memory_space<vmem>>[vector<16xi32>, vector<16xi32>], vector<16xf32>,
      %gather3A_243 = tpu.vector_load_idx %arg10[%add3A_53, %broadcast_in_dim3A_241] : memref<256x32xf32, #tpu.memory_space<vmem>>[vector<16xi32>, vector<16xi32>], vector<16xf32>,
      %mul3A_244 = arith.mulf %gather3A_242, %gather3A_243 : vector<16xf32>
      %add3A_245 = arith.addf %add3A_239, %mul3A_244 : vector<16xf32>
      %add3A_246 = arith.constant 256 : i32
      %add3A_247 = vector.broadcast %add3A_246 : i32 to vector<16xi32>
      %add3A_248 = arith.addi %add3A_247, %add3A_53 : vector<16xi32>
      tpu.vector_store_idx %arg11[%add3A_248], %add3A_245 : memref<512xf32, #tpu.memory_space<vmem>>[vector<16xi32>], vector<16xf32>,
    }
    %scan3A_48 = arith.constant 16 : i32
    "tpu.region"() ({
      %run_scoped3A = tpu.sem_alloc : memref<!tpu.dma_semaphore, #tpu.memory_space<semaphore_mem>>
      %dma_start3A = tpu.memref_slice %arg6[%mul3A_2] : memref<16384xf32, #tpu.memory_space<hbm>> -> memref<512xf32, #tpu.memory_space<hbm>>
      %dma_start3A_49 = tpu.memref_slice %arg6[%mul3A_2] : memref<16384xf32, #tpu.memory_space<hbm>> -> memref<512xf32, #tpu.memory_space<hbm>>
      tpu.enqueue_dma source(%arg11 : memref<512xf32, #tpu.memory_space<vmem>>) target(%dma_start3A_49 : memref<512xf32, #tpu.memory_space<hbm>>) target_semaphore(%run_scoped3A : memref<!tpu.dma_semaphore, #tpu.memory_space<semaphore_mem>>)
      %dma_wait3A_50 = tpu.memref_slice %arg6[%mul3A_2] : memref<16384xf32, #tpu.memory_space<hbm>> -> memref<512xf32, #tpu.memory_space<hbm>>
      %dma_wait3A_51 = tpu.memref_slice %arg6[%mul3A_2] : memref<16384xf32, #tpu.memory_space<hbm>> -> memref<512xf32, #tpu.memory_space<hbm>>
      tpu.wait_dma2 semaphore(%run_scoped3A : memref<!tpu.dma_semaphore, #tpu.memory_space<semaphore_mem>>) src(%arg11 : memref<512xf32, #tpu.memory_space<vmem>>) dst(%dma_wait3A_51 : memref<512xf32, #tpu.memory_space<hbm>>)
      tpu.yield
    }) : () -> ()
    return
  }
}

</mosaic_0001>

<sc_bundles>
// kernel: kernel.3.cloned.1.call-start
scs
__scs_entry_jumppad:
0x0: {  	(pc) =	sbr.rel $0x88, $3  }
0x1: {  	(tag) =	ssettag $0x0;
	lr =	simm.s32 $0x1  }
0x2: {  	[smem:$0x3F9D] =	sst lr;
	_ =	strace $0xD0000000  }
0x3: {  	_ = 	snop  }
0x4: {  	_ = 	snop  }
0x5: {  	_ = 	snop  }
0x6: {  	_ = 	snop  }
0x7: {  	_ = 	snop  }
__scs_overlays_trampoline_lowered:
0x8: {  	[smem:$0x3FAC] =	sst s0  }
0x9: {  	[smem:$0x3FAD] =	sst s1  }
0xa: {  	[smem:$0x3FAE] =	sst s2  }
0xb: {  	[smem:$0x3FAF] =	sst s3  }
0xc: {  	[smem:$0x3FB0] =	sst s4  }
0xd: {  	[smem:$0x3FB1] =	sst s5  }
0xe: {  	[smem:$0x3FB2] =	sst s6  }
0xf: {  	[smem:$0x3FB3] =	sst s7  }
0x10: {  	[smem:$0x3FB4] =	sst s8  }
0x11: {  	[smem:$0x3FB5] =	sst s9;
	s0 =	simm.s32 @!p0 $0x0  }
0x12: {  	s1 =	sld [smem:$0x3F9B];
	s0 =	simm.s32 @p0 $0x1  }
0x13: {  	[smem:$0x3FB6] =	sst s0;
	s0 =	simm.s32 @!p1 $0x0  }
0x14: {  	s2 =	sld [smem:$0x3F9A];
	s0 =	simm.s32 @p1 $0x1  }
0x15: {  	[smem:$0x3FB7] =	sst s0;
	s0 =	simm.s32 @!p2 $0x0  }
0x16: {  	s3 =	sld [smem:$0x3FDB];
	s0 =	simm.s32 @p2 $0x1  }
0x17: {  	s4 =	simm.s32 $0x1BF5;
	[smem:$0x3FB9] =	sst s0  }
0x18: {  	s0 =	sld [smem:$0x3F9C];
	_ =	swait.ge [sflag:s4], $0x0  }
0x19: {  	s7 =	sld [smem:$0x3F9D]  }
0x1a: {  	s8 =	sadd.s32 $0xFFFFE003, lr  }
0x1b: {  	s9 =	sadd.s32 $0xFFFFFEF7, lr;
	s5 =	simm.s32 $0xFFFFFFFF;
	p2 =	slt.u32 s8, $0xFFFFF086  }
0x1c: {  	p1 =	slt.u32 s9, $0xF7A;
	s5 =	simm.s32 @!p2 $0x0  }
0x1d: {  	s5 =	simm.s32 @p1 $0x1;
	p0 =	seq.s32 s7, s2  }
0x1e: {  	s7 =	smul.u32 @!p0 $0xF7A, s2;
	p2 =	seq.s32 @!p0 s5, $0x0  }
0x1f: {  	s9 =	smul.u32 $0xF7A, s1;
	s8 =	simm.s32 @!p0 $0x1BF5;
	p2 =	por !p2, p0  }
0x20: {  	[sflag:s8] =	ssyncset.s32 @!p0 $0xFFFFF086;
	s6 =	sadd.s32 @!p0 s3, s7;
	s7 =	simm.s32 @!p0 $0x108  }
0x21: {  	s3 =	sadd.s32 s3, s9;
	s6 =	sadd.s32 @!p0 $0x88, s6;
	s7 =	simm.s32 @p2 $0x1082  }
0x22: {  	[simem:s7], [sflag:s8] =	dma.local @!p0 [hbm:s6], $0xF7A  }
0x23: {  	s9 =	sor.u32 $0xD0000000, s2;
	s6 =	simm.s32 $0x108;
	_ =	swait.ge @!p0 [sflag:s8], $0x0  }
0x24: {  	s3 =	sadd.s32 $0x88, s3;
	s6 =	simm.s32 @!p1 $0x1082;
	[sflag:s4] =	ssyncset.s32 $0xFFFFF086  }
0x25: {  	[simem:s6], [sflag:s4] =	dma.local [hbm:s3], $0xF7A  }
0x26: {  	[smem:$0x3F9D] =	sst s1;
	(tag) =	ssettag s2;
	_ =	strace s9  }
0x27: {  	s1 =	sld [smem:$0x3FAD]  }
0x28: {  	s2 =	sld [smem:$0x3FAE]  }
0x29: {  	s4 =	sld [smem:$0x3FB0]  }
0x2a: {  	p0 =	seq.s32 s5, $0x0;
	s5 =	sld [smem:$0x3FB1]  }
0x2b: {  	s6 =	sld [smem:$0x3FB2]  }
0x2c: {  	s7 =	sld [smem:$0x3FB3]  }
0x2d: {  	s3 =	simm.s32 $0x108;
	s8 =	sld [smem:$0x3FB4]  }
0x2e: {  	s3 =	simm.s32 @!p0 $0x1082;
	s9 =	sld [smem:$0x3FB5]  }
0x2f: {  	lr =	sadd.s32 s0, s3;
	s0 =	sld [smem:$0x3FAC]  }
0x30: {  	s3 =	sld [smem:$0x3FAF]  }
0x31: {  	[smem:$0x3FB8] =	sst s10  }
0x32: {  	s10 =	sld [smem:$0x3FB6];
	_ =	sdelay $0x3  }
0x33: {  	p0 =	seq.s32 s10, $0x1;
	s10 =	sld [smem:$0x3FB8];
	_ =	sdelay $0x3  }
0x34: {  	[smem:$0x3FB8] =	sst s10  }
0x35: {  	s10 =	sld [smem:$0x3FB7];
	_ =	sdelay $0x3  }
0x36: {  	p1 =	seq.s32 s10, $0x1;
	s10 =	sld [smem:$0x3FB8];
	_ =	sdelay $0x3  }
0x37: {  	[smem:$0x3FB8] =	sst s10  }
0x38: {  	s10 =	sld [smem:$0x3FB9]  }
0x39: {  	_ = 	snop;
	(pc) =	sbr.ind lr, $3  }
0x3a: {  	_ = 	snop  }
0x3b: {  	_ = 	snop  }
0x3c: {  	p2 =	seq.s32 s10, $0x1;
	s10 =	sld [smem:$0x3FB8]  }
0x3d: {  	_ =	shalt  }
0x3e: {  	_ =	shalt  }
0x3f: {  	_ =	shalt  }
0x40: {  	_ =	shalt  }
0x41: {  	_ =	shalt  }
0x42: {  	_ =	shalt  }
0x43: {  	_ =	shalt  }
0x44: {  	_ =	shalt  }
0x45: {  	_ =	shalt  }
0x46: {  	_ =	shalt  }
0x47: {  	_ =	shalt  }
0x48: {  	_ =	shalt  }
0x49: {  	_ =	shalt  }
0x4a: {  	_ =	shalt  }
0x4b: {  	_ =	shalt  }
0x4c: {  	_ =	shalt  }
0x4d: {  	_ =	shalt  }
0x4e: {  	_ =	shalt  }
0x4f: {  	_ =	shalt  }
0x50: {  	_ =	shalt  }
0x51: {  	_ =	shalt  }
0x52: {  	_ =	shalt  }
0x53: {  	_ =	shalt  }
0x54: {  	_ =	shalt  }
0x55: {  	_ =	shalt  }
0x56: {  	_ =	shalt  }
0x57: {  	_ =	shalt  }
0x58: {  	_ =	shalt  }
0x59: {  	_ =	shalt  }
0x5a: {  	_ =	shalt  }
0x5b: {  	_ =	shalt  }
0x5c: {  	_ =	shalt  }
0x5d: {  	_ =	shalt  }
0x5e: {  	_ =	shalt  }
0x5f: {  	_ =	shalt  }
0x60: {  	_ =	shalt  }
0x61: {  	_ =	shalt  }
0x62: {  	_ =	shalt  }
0x63: {  	_ =	shalt  }
0x64: {  	_ =	shalt  }
0x65: {  	_ =	shalt  }
0x66: {  	_ =	shalt  }
0x67: {  	_ =	shalt  }
0x68: {  	_ =	shalt  }
0x69: {  	_ =	shalt  }
0x6a: {  	_ =	shalt  }
0x6b: {  	_ =	shalt  }
0x6c: {  	_ =	shalt  }
0x6d: {  	_ =	shalt  }
0x6e: {  	_ =	shalt  }
0x6f: {  	_ =	shalt  }
0x70: {  	_ =	shalt  }
0x71: {  	_ =	shalt  }
0x72: {  	_ =	shalt  }
0x73: {  	_ =	shalt  }
0x74: {  	_ =	shalt  }
0x75: {  	_ =	shalt  }
0x76: {  	_ =	shalt  }
0x77: {  	_ =	shalt  }
0x78: {  	_ =	shalt  }
0x79: {  	_ =	shalt  }
0x7a: {  	_ =	shalt  }
0x7b: {  	_ =	shalt  }
0x7c: {  	_ =	shalt  }
0x7d: {  	_ =	shalt  }
0x7e: {  	_ =	shalt  }
0x7f: {  	_ =	shalt  }
0x80: {  	_ =	shalt  }
0x81: {  	_ =	shalt  }
0x82: {  	_ =	shalt  }
0x83: {  	_ =	shalt  }
0x84: {  	_ =	shalt  }
0x85: {  	_ =	shalt  }
0x86: {  	_ =	shalt  }
0x87: {  	_ =	shalt  }
.Lfunc_end0:
.L_simem_size_0:
called_computation_lowered:
.L_overlay_start_0:
0x88: {  	s2 =	sld [smem:$0x3FD9]  }
0x89: {  	s3 =	sld [smem:$0x3FFE];
	_ =	sdelay $0x1  }
0x8a: {  	s1 =	srdreg.scid  }
0x8b: {  	s0 =	sand.u32 $0x1, s1  }
0x8c: {  	s17 =	sshll.u32 s0, $0xA;
	s2 =	sadd.s32 s3, s2  }
0x8d: {  	s2 =	sadd.s32 s2, s17  }
0x8e: {  	[smem:$0x3FC4] =	sst s2  }
0x8f: {  	_ = 	snop  }
0x90: {  	s2 =	sld [smem:$0x3FC9]  }
0x91: {  	s18 =	sld [smem:$0x3FC8]  }
0x92: {  	s4 =	sld [smem:$0x3FD0];
	(tm) =	ssettm $0x1  }
0x93: {  	s5 =	sld [smem:$0x3FFB];
	_ =	sdelay $0x3  }
0x94: {  	_ =	strace s5  }
0x95: {  	s5 =	sld [smem:$0x3FFC];
	_ =	sdelay $0x3  }
0x96: {  	_ =	strace s5  }
0x97: {  	s5 =	sld [smem:$0x3FFD];
	_ =	sdelay $0x3  }
0x98: {  	_ =	strace s5  }
0x99: {  	_ =	strace $0x8FFFFFFF  }
0x9a: {  	s19 =	sld [smem:$0x3FDB];
	_ =	sdelay $0x1  }
0x9b: {  	s6 =	simm.s32 $_scs_section_size  }
0x9c: {  	s7 =	simm.s32 $_size__tile_overlayer_lowered;
	s8 =	simm.s32 $_tile_overlayer_lowered  }
0x9d: {  	s22 =	simm.s32 $0x1BFF;
	s21 =	sshll.u32 s8, $0x1;
	s5 =	sadd.s32 s6, s19  }
0x9e: {  	s9 =	simm.s32 $0x0;
	s20 =	sshll.u32 s7, $0x1;
	s7 =	sadd.s32 s21, s5  }
0x9f: {  	[timem:s9], [sflag:s22] =	dma.local [hbm:s7], s20  }
0xa0: {  	_ =	swait.ge [sflag:s22], s20  }
0xa1: {  	s6 =	ssub.s32 $0x0, s20;
	[sflag:s22] =	ssyncset.done $0x0  }
0xa2: {  	[sflag:s22] =	ssyncadd.s32 s6;
	_ =	sdelay $0x1  }
0xa3: {  	s23 =	simm.s32 $0x1B8B  }
0xa4: {  	_ =	swait.ge [sflag:s23], $0x1  }
0xa5: {  	[sflag:s23] =	ssyncset.done $0x0  }
0xa6: {  	s25 =	simm.s32 $0x1B8E;
	s24 =	sld [smem:$0x3FFE];
	[sflag:s23] =	ssyncadd.s32 $0xFFFFFFFF  }
0xa7: {  	s26 =	simm.s32 $execute0_lowered;
	[smem:$0x3FD2] =	sst s25  }
0xa8: {  	s7 =	sshll.u32 s26, $0x1;
	_ =	strace $0x80000046;
	[dreg:$0x1] =	wrdreg $0xFFFFFFFF  }
0xa9: {  	s28 =	simm.s32 $_size_execute0_lowered;
	s5 =	sadd.s32 s5, s7;
	[dreg:$0x0] =	wrdreg $0x0  }
0xaa: {  	s7 =	sshll.u32 s28, $0x1;
	[dreg:$0x2] =	wrdreg s5  }
0xab: {  	[dreg:$0x3] =	wrdreg s7  }
0xac: {  	[dreg:$0x4] =	wrdreg $0xC0  }
0xad: {  	_ =	task [dreg:s9], $0x5FFFF  }
0xae: {  	[dreg:$0x1] =	wrdreg $0xFFFFFFFF  }
0xaf: {  	[dreg:$0x0] =	wrdreg $0x60  }
0xb0: {  	[dreg:$0x2] =	wrdreg s2  }
0xb1: {  	[dreg:$0x3] =	wrdreg s18  }
0xb2: {  	[dreg:$0x4] =	wrdreg s24  }
0xb3: {  	[dreg:$0x5] =	wrdreg s4  }
0xb4: {  	[dreg:$0x6] =	wrdreg $0x9  }
0xb5: {  	_ =	task.clear_ibuf [dreg:s9], $0x7FFFF;
	_ =	strace $0x90000046  }
0xb6: {  	s29 =	simm.s32 $0x9;
	_ =	strace $0x80000048  }
0xb7: {  	_ =	swait.ge [sflag:s29], $0x1  }
0xb8: {  	[sflag:s29] =	ssyncadd.s32 $0xFFFFFFFF  }
0xb9: {  	_ =	strace $0x90000048  }
0xba: {  	_ =	sfence  }
0xbb: {  	s30 =	sld [smem:$0x0];
	_ =	sdelay $0x2  }
0xbc: {  	s31 =	sshll.u32 s1, $0xD;
	s1 =	sshrl.u32 s1, $0x2  }
0xbd: {  	s3 =	sand.u32 $0x4000, s31;
	s1 =	sadd.s32 s1, s30  }
0xbe: {  	s0 =	sor.u32 s3, s0;
	s1 =	sshll.u32 s1, $0x11  }
0xbf: {  	s0 =	sor.u32 s1, s0  }
0xc0: {  	s0 =	sadd.s32 $0x8F2B, s0  }
0xc1: {  	[sflag:s0] =	ssyncadd.remote.s32 $0x1  }
0xc2: {  	_ =	sfence.sel $0xFFFF  }
0xc3: {  	[dreg:$0x0] =	wrdreg $0xFFFFFFFF;
	(pc) =	sbr.abs _section_cstart, $3  }
0xc4: {  	[dreg:$0x1] =	wrdreg $0xFFFFFFFF  }
0xc5: {  	_ =	task.clear_ibuf [dreg:s9], $0x2FFFF;
	_ =	strace $0x9FFFFFFF  }
0xc6: {  	(tm) =	ssettm $0x7FFFFFFF  }
0xc7: {  	_ =	shalt  }
tec
execute0_lowered:
.L_overlay_start_1:
0x0: {  	(tag) =	ssettag $0x1  }
0x1: {  	s0 =	rddreg [dreg:$0x0]  }
0x2: {  	s2 =	rddreg [dreg:$0x1]  }
0x3: {  	s4 =	rddreg [dreg:$0x2]  }
0x4: {  	s5 =	rddreg [dreg:$0x3];
	s3 =	simm.s32 $0x0  }
0x5: {  	s6 =	srdreg.scid;
	s1 =	stileid.u32;
	s15 =	simm.s32 $0x400  }
0x6: {  	s13 =	simm.s32 $0x8400;
	[smem:$0x7FF] =	sst s3;
	s6 =	sand.u32 $0x1, s6  }
0x7: {  	s8 =	sshll.u32 s1, $0x7;
	s7 =	ssub.s32 $0x2, s6;
	s6 =	sshll.u32 s6, $0x6  }
0x8: {  	s9 =	sadd.s32 $0x400, s4;
	s12 =	sadd.s32 $0xF42800, s4;
	s6 =	sor.u32 s6, s8  }
0x9: {  	_ =	strace $0x80000047;
	[dreg:$0x5] =	wrdreg s12;
	s0 =	sadd.s32 s0, s6  }
0xa: {  	s28 =	sshrl.u32 s7, $0x1;
	s29 =	sadd.s32 s2, s6;
	[dreg:$0x1b] =	wrdreg s0  }
0xb: {  	v0 =	vlaneseq.u32;
	s7 =	ssub.s32 s7, s28;
	s30 =	sadd.s32 s5, s6;
	[dreg:$0x1c] =	wrdreg s29  }
0xc: {  	v1 =	vmul.u32 $0x80, v0;
	s1 =	simm.s32 $0x0;
	[dreg:$0x1d] =	wrdreg s30;
	s31 =	smax.u32 s7, $0x1  }
0xd: {  	v2 =	vor.u32 $0x100, v0;
	s4 =	smov.u32 s9;
	s2 =	simm.s32 $0x3;
	[dreg:$0x1e] =	wrdreg s31  }
.LBB2_1:
0xe: {  	[dreg:$0x1f] =	wrdreg s1  }
0xf: {  	s0 =	rddreg [dreg:$0x1b]  }
0x10: {  	[tilespmem:s3], [sflag:$0x3] =	stream.linear.gather [hbm4b:s0+s3], $0x200, $0x38;
	[tilespmem:$0x10600] =	vst v63  }
0x11: {  	_ =	swait.ge [sflag:s2], $0x200  }
0x12: {  	[sflag:s2] =	ssyncset.done $0x0  }
0x13: {  	s26 =	simm.s32 $0x200;
	s28 =	rddreg [dreg:$0x1c];
	[sflag:s2] =	ssyncadd.s32 $0xFFFFFE00  }
0x14: {  	[tilespmem:s26], [sflag:$0x3] =	stream.linear.gather [hbm4b:s28+s3], $0x200, $0x38;
	[tilespmem:$0x10600] =	vst v63  }
0x15: {  	_ =	swait.ge [sflag:s2], $0x200  }
0x16: {  	[sflag:s2] =	ssyncset.done $0x0  }
0x17: {  	[sflag:s2] =	ssyncadd.s32 $0xFFFFFE00  }
0x18: {  	v3 =	vld [tilespmem:s3+$0x0]  }
0x19: {  	v5 =	vld [tilespmem:s26+$0x0];
	_ =	sdelay $0x3  }
0x1a: {  	v4 =	vshll.u32 v3, $0x4  }
0x1b: {  	v3 =	vshll.u32 v5, $0x4;
	(v2sf) =	vpush v4, $0x0  }
0x1c: {  	(v2sf) =	vpush v3, $0x0  }
0x1d: {  	(v2sf) =	vpush v4, $0x1;
	_ =	sdelay $0x1  }
0x1e: {  	(v2sf) =	vpush v3, $0x1  }
0x1f: {  	(v2sf) =	vpush v4, $0x2;
	_ =	sdelay $0x1  }
0x20: {  	(v2sf) =	vpush v3, $0x2;
	_ =	sdelay $0x1  }
0x21: {  	(v2sf) =	vpush v4, $0x3;
	_ =	sdelay $0x1  }
0x22: {  	s17 =	simm.s32 $0x2000  }
0x23: {  	s16 =	simm.s32 $0x0;
	s6 =	simm.s32 $0x8400;
	s5 =	simm.s32 $0x680  }
0x24: {  	s7 =	simm.s32 $0x400;
	s9 =	simm.s32 $0x600;
	s29 =	simm.s32 $0x580  }
0x25: {  	s10 =	simm.s32 $0x480;
	s18 =	simm.s32 $0x8480;
	s20 =	simm.s32 $0x500  }
0x26: {  	s23 =	simm.s32 $0x8500;
	s0 =	simm.s32 $0x8900;
	s8 =	spop (v2sf);
	(v2sf) =	vpush v3, $0x3  }
0x27: {  	s2 =	simm.s32 $0x880;
	s8 =	sand.u32 $0x1FFFFFF0, s8;
	s11 =	spop (v2sf)  }
0x28: {  	(v2sf) =	vpush v4, $0x4;
	s8 =	sadd.s32 s4, s8;
	s30 =	sand.u32 $0x1FFFFFF0, s11;
	s31 =	spop (v2sf)  }
0x29: {  	(v2sf) =	vpush v3, $0x4;
	[tilespmem:s7], [sflag:$0x1] =	stream.linear.gather [hbm4b:s8+s3], $0x80, $0x38;
	[tilespmem:$0x10600] =	vst v63  }
0x2a: {  	s7 =	simm.s32 $0x8580;
	s11 =	sand.u32 $0x1FFFFFF0, s31;
	s14 =	spop (v2sf)  }
0x2b: {  	s8 =	sadd.s32 s12, s30;
	(v2sf) =	vpush v4, $0x5;
	s11 =	sadd.s32 s4, s11;
	s19 =	spop (v2sf)  }
0x2c: {  	[tilespmem:s6], [sflag:$0x2] =	stream.linear.gather [hbm4b:s8+s3], $0x80, $0x38;
	[tilespmem:$0x10600] =	vst v63  }
0x2d: {  	s14 =	sand.u32 $0x1FFFFFF0, s14;
	s8 =	sand.u32 $0x1FFFFFF0, s19;
	s21 =	spop (v2sf)  }
0x2e: {  	(v2sf) =	vpush v3, $0x5;
	[tilespmem:s10], [sflag:$0x1] =	stream.linear.gather [hbm4b:s11+s3], $0x80, $0x38;
	[tilespmem:$0x10600] =	vst v63  }
0x2f: {  	s19 =	simm.s32 $0x8680;
	s22 =	spop (v2sf);
	s11 =	sadd.s32 s12, s14  }
0x30: {  	(v2sf) =	vpush v4, $0x6;
	[tilespmem:s18], [sflag:$0x2] =	stream.linear.gather [hbm4b:s11+s3], $0x80, $0x38;
	[tilespmem:$0x10600] =	vst v63  }
0x31: {  	s8 =	sadd.s32 s4, s8;
	s25 =	sand.u32 $0x1FFFFFF0, s22;
	s11 =	sand.u32 $0x1FFFFFF0, s21  }
0x32: {  	(v2sf) =	vpush v3, $0x6;
	[tilespmem:s20], [sflag:$0x1] =	stream.linear.gather [hbm4b:s8+s3], $0x80, $0x38;
	[tilespmem:$0x10600] =	vst v63  }
0x33: {  	s10 =	simm.s32 $0x8A00;
	s14 =	simm.s32 $0xA80;
	s24 =	sadd.s32 s12, s11  }
0x34: {  	[tilespmem:s23], [sflag:$0x2] =	stream.linear.gather [hbm4b:s24+s3], $0x80, $0x38;
	[tilespmem:$0x10600] =	vst v63  }
0x35: {  	s28 =	sadd.s32 s4, s25;
	s21 =	simm.s32 $0x700;
	s26 =	spop (v2sf)  }
0x36: {  	(v2sf) =	vpush v4, $0x7;
	[tilespmem:s29], [sflag:$0x1] =	stream.linear.gather [hbm4b:s28+s3], $0x80, $0x38;
	[tilespmem:$0x10600] =	vst v63  }
0x37: {  	s11 =	simm.s32 $0x8A80;
	s6 =	sand.u32 $0x1FFFFFF0, s26;
	s30 =	spop (v2sf)  }
0x38: {  	s29 =	simm.s32 $0x8600;
	(v2sf) =	vpush v3, $0x7;
	s6 =	sadd.s32 s12, s6;
	s31 =	spop (v2sf)  }
0x39: {  	(v2sf) =	vpush v4, $0x8;
	[tilespmem:s7], [sflag:$0x2] =	stream.linear.gather [hbm4b:s6+s3], $0x80, $0x38;
	[tilespmem:$0x10600] =	vst v63  }
0x3a: {  	s1 =	sand.u32 $0x1FFFFFF0, s30;
	s30 =	simm.s32 $0x8700;
	s20 =	spop (v2sf)  }
0x3b: {  	s7 =	sadd.s32 s4, s1;
	s18 =	sand.u32 $0x1FFFFFF0, s31;
	(v2sf) =	vpush v3, $0x8;
	s22 =	sand.u32 $0x1FFFFFF0, s20  }
0x3c: {  	(v2sf) =	vpush v4, $0x9;
	[tilespmem:s9], [sflag:$0x1] =	stream.linear.gather [hbm4b:s7+s3], $0x80, $0x38;
	[tilespmem:$0x10600] =	vst v63  }
0x3d: {  	s23 =	spop (v2sf);
	s7 =	sadd.s32 s12, s18;
	s8 =	sadd.s32 s4, s22  }
0x3e: {  	(v2sf) =	vpush v3, $0x9;
	[tilespmem:s29], [sflag:$0x2] =	stream.linear.gather [hbm4b:s7+s3], $0x80, $0x38;
	[tilespmem:$0x10600] =	vst v63  }
0x3f: {  	s9 =	sand.u32 $0x1FFFFFF0, s23;
	s24 =	spop (v2sf);
	s18 =	simm.s32 $0x780;
	(v2sf) =	vpush v4, $0xA  }
0x40: {  	[tilespmem:s5], [sflag:$0x1] =	stream.linear.gather [hbm4b:s8+s3], $0x80, $0x38;
	[tilespmem:$0x10600] =	vst v63  }
0x41: {  	s25 =	sadd.s32 s12, s9;
	s26 =	sand.u32 $0x1FFFFFF0, s24;
	s28 =	spop (v2sf);
	(v2sf) =	vpush v3, $0xA  }
0x42: {  	[tilespmem:s19], [sflag:$0x2] =	stream.linear.gather [hbm4b:s25+s3], $0x80, $0x38;
	[tilespmem:$0x10600] =	vst v63  }
0x43: {  	s23 =	simm.s32 $0x800;
	s29 =	sadd.s32 s4, s26;
	s6 =	sand.u32 $0x1FFFFFF0, s28  }
0x44: {  	[tilespmem:s21], [sflag:$0x1] =	stream.linear.gather [hbm4b:s29+s3], $0x80, $0x38;
	[tilespmem:$0x10600] =	vst v63  }
0x45: {  	s26 =	simm.s32 $0x8800;
	s6 =	sadd.s32 s12, s6;
	s31 =	spop (v2sf)  }
0x46: {  	[tilespmem:s30], [sflag:$0x2] =	stream.linear.gather [hbm4b:s6+s3], $0x80, $0x38;
	[tilespmem:$0x10600] =	vst v63  }
0x47: {  	s5 =	simm.s32 $0x8980;
	(v2sf) =	vpush v4, $0xB;
	s8 =	sand.u32 $0x1FFFFFF0, s31;
	s1 =	spop (v2sf)  }
0x48: {  	s21 =	simm.s32 $0x8780;
	s19 =	sadd.s32 s4, s8;
	s22 =	spop (v2sf)  }
0x49: {  	(v2sf) =	vpush v3, $0xB;
	[tilespmem:s18], [sflag:$0x1] =	stream.linear.gather [hbm4b:s19+s3], $0x80, $0x38;
	[tilespmem:$0x10600] =	vst v63  }
0x4a: {  	s30 =	simm.s32 $0x8880;
	s20 =	sand.u32 $0x1FFFFFF0, s1;
	s24 =	spop (v2sf)  }
0x4b: {  	s8 =	sadd.s32 s12, s20;
	s7 =	sand.u32 $0x1FFFFFF0, s22;
	s25 =	spop (v2sf)  }
0x4c: {  	(v2sf) =	vpush v4, $0xC;
	[tilespmem:s21], [sflag:$0x2] =	stream.linear.gather [hbm4b:s8+s3], $0x80, $0x38;
	[tilespmem:$0x10600] =	vst v63  }
0x4d: {  	s1 =	simm.s32 $0x900;
	s7 =	sadd.s32 s4, s7;
	s31 =	spop (v2sf)  }
0x4e: {  	(v2sf) =	vpush v3, $0xC;
	s8 =	sand.u32 $0x1FFFFFF0, s24;
	s29 =	sand.u32 $0x1FFFFFF0, s25;
	s18 =	spop (v2sf)  }
0x4f: {  	[tilespmem:s23], [sflag:$0x1] =	stream.linear.gather [hbm4b:s7+s3], $0x80, $0x38;
	[tilespmem:$0x10600] =	vst v63  }
0x50: {  	s28 =	sadd.s32 s12, s8;
	s7 =	sand.u32 $0x1FFFFFF0, s31;
	s19 =	spop (v2sf)  }
0x51: {  	[tilespmem:s26], [sflag:$0x2] =	stream.linear.gather [hbm4b:s28+s3], $0x80, $0x38;
	[tilespmem:$0x10600] =	vst v63  }
0x52: {  	s8 =	sadd.s32 s4, s29;
	s7 =	sadd.s32 s12, s7;
	s21 =	sand.u32 $0x1FFFFFF0, s19  }
0x53: {  	[tilespmem:s2], [sflag:$0x1] =	stream.linear.gather [hbm4b:s8+s3], $0x80, $0x38;
	[tilespmem:$0x10600] =	vst v63  }
0x54: {  	s23 =	sadd.s32 s12, s21;
	s26 =	simm.s32 $0x980;
	s8 =	sand.u32 $0x1FFFFFF0, s18  }
0x55: {  	[tilespmem:s30], [sflag:$0x2] =	stream.linear.gather [hbm4b:s7+s3], $0x80, $0x38;
	[tilespmem:$0x10600] =	vst v63  }
0x56: {  	s21 =	simm.s32 $0x10;
	s20 =	sadd.s32 s4, s8;
	s22 =	spop (v2sf)  }
0x57: {  	[tilespmem:s1], [sflag:$0x1] =	stream.linear.gather [hbm4b:s20+s3], $0x80, $0x38;
	[tilespmem:$0x10600] =	vst v63  }
0x58: {  	s24 =	sand.u32 $0x1FFFFFF0, s22;
	s25 =	spop (v2sf);
	s22 =	simm.s32 $0x210  }
0x59: {  	(v2sf) =	vpush v4, $0xD;
	[tilespmem:s0], [sflag:$0x2] =	stream.linear.gather [hbm4b:s23+s3], $0x80, $0x38;
	[tilespmem:$0x10600] =	vst v63  }
0x5a: {  	(v2sf) =	vpush v3, $0xD;
	s28 =	sadd.s32 s4, s24;
	s29 =	sand.u32 $0x1FFFFFF0, s25;
	s25 =	simm.s32 $0xA00  }
0x5b: {  	(v2sf) =	vpush v4, $0xE;
	s24 =	simm.s32 $0xB00;
	s23 =	simm.s32 $0x8B00;
	s31 =	spop (v2sf)  }
0x5c: {  	(v2sf) =	vpush v3, $0xE;
	[tilespmem:s26], [sflag:$0x1] =	stream.linear.gather [hbm4b:s28+s3], $0x80, $0x38;
	[tilespmem:$0x10600] =	vst v63  }
0x5d: {  	s30 =	sadd.s32 s12, s29;
	(v2sf) =	vpush v4, $0xF;
	s0 =	sand.u32 $0x1FFFFFF0, s31;
	s2 =	spop (v2sf)  }
0x5e: {  	(v2sf) =	vpush v3, $0xF;
	[tilespmem:s5], [sflag:$0x2] =	stream.linear.gather [hbm4b:s30+s3], $0x80, $0x38;
	[tilespmem:$0x10600] =	vst v63  }
.LBB2_2:
0x5f: {  	_ =	sdelay $0x4  }
0x60: {  	s0 =	sadd.s32 s4, s0;
	s2 =	sand.u32 $0x1FFFFFF0, s2  }
0x61: {  	[tilespmem:s25], [sflag:$0x1] =	stream.linear.gather [hbm4b:s0+s3], $0x80, $0x38;
	[tilespmem:$0x10600] =	vst v63  }
0x62: {  	s30 =	sadd.s32 s12, s2  }
0x63: {  	[tilespmem:s10], [sflag:$0x2] =	stream.linear.gather [hbm4b:s30+s3], $0x80, $0x38;
	[tilespmem:$0x10600] =	vst v63  }
0x64: {  	s5 =	spop (v2sf)  }
0x65: {  	s31 =	sand.u32 $0x1FFFFFF0, s5;
	s1 =	spop (v2sf)  }
0x66: {  	s6 =	sadd.s32 s4, s31;
	s7 =	sand.u32 $0x1FFFFFF0, s1;
	s8 =	spop (v2sf)  }
0x67: {  	[tilespmem:s14], [sflag:$0x1] =	stream.linear.gather [hbm4b:s6+s3], $0x80, $0x38;
	[tilespmem:$0x10600] =	vst v63  }
0x68: {  	s9 =	sadd.s32 s12, s7;
	s10 =	sand.u32 $0x1FFFFFF0, s8;
	s14 =	spop (v2sf)  }
0x69: {  	[tilespmem:s11], [sflag:$0x2] =	stream.linear.gather [hbm4b:s9+s3], $0x80, $0x38;
	[tilespmem:$0x10600] =	vst v63  }
0x6a: {  	s18 =	sadd.s32 s4, s10;
	s19 =	sand.u32 $0x1FFFFFF0, s14;
	s20 =	spop (v2sf)  }
0x6b: {  	[tilespmem:s24], [sflag:$0x1] =	stream.linear.gather [hbm4b:s18+s3], $0x80, $0x38;
	[tilespmem:$0x10600] =	vst v63  }
0x6c: {  	s25 =	sand.u32 $0x1FFFFFF0, s20;
	s26 =	spop (v2sf);
	s24 =	sadd.s32 s12, s19  }
0x6d: {  	[tilespmem:s23], [sflag:$0x2] =	stream.linear.gather [hbm4b:s24+s3], $0x80, $0x38;
	[tilespmem:$0x10600] =	vst v63  }
0x6e: {  	s28 =	sadd.s32 $0xB80, s16;
	s2 =	sadd.s32 s4, s25;
	s5 =	sand.u32 $0x1FFFFFF0, s26  }
0x6f: {  	[tilespmem:s28], [sflag:$0x1] =	stream.linear.gather [hbm4b:s2+s3], $0x80, $0x38;
	[tilespmem:$0x10600] =	vst v63  }
0x70: {  	s29 =	sadd.s32 $0x8B80, s16;
	s30 =	sadd.s32 s12, s5  }
0x71: {  	[tilespmem:s29], [sflag:$0x2] =	stream.linear.gather [hbm4b:s30+s3], $0x80, $0x38;
	[tilespmem:$0x10600] =	vst v63  }
0x72: {  	v3 =	vld [tilespmem:s21+$0x0];
	_ =	sdelay $0x1  }
0x73: {  	v5 =	vld [tilespmem:s22+$0x0];
	_ =	sdelay $0x2  }
0x74: {  	v4 =	vshll.u32 v3, $0x4  }
0x75: {  	s31 =	smov.u32 s17;
	(v2sf) =	vpush v4, $0x0  }
0x76: {  	s16 =	sshra.s32 s31, $0x2;
	v3 =	vshll.u32 v5, $0x4  }
0x77: {  	p0 =	sne.s32 s17, $0x1E000;
	s17 =	sadd.s32 $0x2000, s17;
	s0 =	sadd.s32 $0x680, s16;
	(v2sf) =	vpush v3, $0x0  }
0x78: {  	s1 =	sadd.s32 $0x880, s16;
	s6 =	sadd.s32 $0x8A00, s16;
	s14 =	sadd.s32 $0xA80, s16  }
0x79: {  	s31 =	sadd.s32 $0x8480, s16;
	s7 =	sadd.s32 $0x700, s16;
	[dreg:$0x17] =	wrdreg s0;
	(v2sf) =	vpush v4, $0x1  }
0x7a: {  	s8 =	sadd.s32 $0x8700, s16;
	s10 =	sadd.s32 $0x900, s16;
	[dreg:$0xa] =	wrdreg s1;
	(v2sf) =	vpush v3, $0x1  }
0x7b: {  	s0 =	sadd.s32 $0x8580, s16;
	s1 =	sadd.s32 $0x8980, s16;
	[dreg:$0xc] =	wrdreg s10  }
0x7c: {  	s9 =	sadd.s32 $0x8680, s16;
	s20 =	sadd.s32 $0x8800, s16;
	[dreg:$0x8] =	wrdreg s1;
	(v2sf) =	vpush v4, $0x2  }
0x7d: {  	s11 =	sadd.s32 $0x8A80, s16;
	[dreg:$0x12] =	wrdreg s20;
	s5 =	sadd.s32 $0x8880, s16;
	(v2sf) =	vpush v3, $0x2  }
0x7e: {  	s26 =	sadd.s32 $0x400, s16;
	s19 =	sadd.s32 $0x780, s16;
	[dreg:$0xe] =	wrdreg s5  }
0x7f: {  	s25 =	sadd.s32 $0xA00, s16;
	[dreg:$0x1a] =	wrdreg s19;
	s5 =	sadd.s32 $0x980, s16  }
0x80: {  	s12 =	sadd.s32 $0x600, s16;
	s23 =	sadd.s32 $0x8780, s16;
	[dreg:$0x10] =	wrdreg s5  }
0x81: {  	s18 =	sadd.s32 $0x580, s16;
	s24 =	sadd.s32 $0x800, s16;
	[dreg:$0x18] =	wrdreg s23;
	(v2sf) =	vpush v4, $0x3  }
0x82: {  	s19 =	sadd.s32 $0x480, s16;
	[dreg:$0x15] =	wrdreg s24;
	s24 =	sadd.s32 $0xB00, s16  }
0x83: {  	s23 =	sadd.s32 $0x8B00, s16;
	s2 =	sadd.s32 $0x8900, s16;
	s28 =	sadd.s32 $0x8500, s16;
	(v2sf) =	vpush v3, $0x3  }
0x84: {  	[dreg:$0x6] =	wrdreg s2;
	s2 =	sadd.s32 $0x8600, s16;
	s20 =	spop (v2sf)  }
0x85: {  	s30 =	sadd.s32 $0x8400, s16;
	s29 =	sadd.s32 $0x500, s16;
	(v2sf) =	vpush v4, $0x4;
	s20 =	sand.u32 $0x1FFFFFF0, s20  }
0x86: {  	s21 =	sadd.s32 $0x10, s21;
	s10 =	spop (v2sf);
	s20 =	sadd.s32 s4, s20  }
0x87: {  	(v2sf) =	vpush v3, $0x4;
	[tilespmem:s26], [sflag:$0x1] =	stream.linear.gather [hbm4b:s20+s3], $0x80, $0x38;
	[tilespmem:$0x10600] =	vst v63  }
0x88: {  	s1 =	sand.u32 $0x1FFFFFF0, s10;
	s10 =	spop (v2sf);
	s26 =	rddreg [dreg:$0x5]  }
0x89: {  	(v2sf) =	vpush v4, $0x5;
	s10 =	sand.u32 $0x1FFFFFF0, s10;
	s5 =	spop (v2sf);
	s1 =	sadd.s32 s26, s1  }
0x8a: {  	[tilespmem:s30], [sflag:$0x2] =	stream.linear.gather [hbm4b:s1+s3], $0x80, $0x38;
	[tilespmem:$0x10600] =	vst v63  }
0x8b: {  	s26 =	sand.u32 $0x1FFFFFF0, s5;
	s5 =	rddreg [dreg:$0x5];
	s30 =	spop (v2sf)  }
0x8c: {  	(v2sf) =	vpush v3, $0x5;
	s10 =	sadd.s32 s4, s10;
	s1 =	sadd.s32 s5, s26;
	s20 =	spop (v2sf)  }
0x8d: {  	(v2sf) =	vpush v4, $0x6;
	[tilespmem:s19], [sflag:$0x1] =	stream.linear.gather [hbm4b:s10+s3], $0x80, $0x38;
	[tilespmem:$0x10600] =	vst v63  }
0x8e: {  	s5 =	rddreg [dreg:$0x5];
	s19 =	sand.u32 $0x1FFFFFF0, s30;
	s30 =	sand.u32 $0x1FFFFFF0, s20  }
0x8f: {  	(v2sf) =	vpush v3, $0x6;
	[tilespmem:s31], [sflag:$0x2] =	stream.linear.gather [hbm4b:s1+s3], $0x80, $0x38;
	[tilespmem:$0x10600] =	vst v63  }
0x90: {  	s26 =	sadd.s32 s4, s19;
	s31 =	spop (v2sf);
	s1 =	sadd.s32 s5, s30  }
0x91: {  	(v2sf) =	vpush v4, $0x7;
	[tilespmem:s29], [sflag:$0x1] =	stream.linear.gather [hbm4b:s26+s3], $0x80, $0x38;
	[tilespmem:$0x10600] =	vst v63  }
0x92: {  	s30 =	rddreg [dreg:$0x5];
	s19 =	sand.u32 $0x1FFFFFF0, s31;
	s20 =	spop (v2sf)  }
0x93: {  	[tilespmem:s28], [sflag:$0x2] =	stream.linear.gather [hbm4b:s1+s3], $0x80, $0x38;
	[tilespmem:$0x10600] =	vst v63  }
0x94: {  	s26 =	sadd.s32 s4, s19;
	s29 =	spop (v2sf);
	s28 =	sand.u32 $0x1FFFFFF0, s20  }
0x95: {  	(v2sf) =	vpush v3, $0x7;
	[tilespmem:s18], [sflag:$0x1] =	stream.linear.gather [hbm4b:s26+s3], $0x80, $0x38;
	[tilespmem:$0x10600] =	vst v63  }
0x96: {  	s31 =	sand.u32 $0x1FFFFFF0, s29;
	s1 =	sadd.s32 s30, s28;
	s5 =	spop (v2sf)  }
0x97: {  	(v2sf) =	vpush v4, $0x8;
	[tilespmem:s0], [sflag:$0x2] =	stream.linear.gather [hbm4b:s1+s3], $0x80, $0x38;
	[tilespmem:$0x10600] =	vst v63  }
0x98: {  	s22 =	sadd.s32 $0x10, s22;
	s10 =	sadd.s32 s4, s31;
	s19 =	spop (v2sf)  }
0x99: {  	(v2sf) =	vpush v3, $0x8;
	s18 =	sand.u32 $0x1FFFFFF0, s5;
	s5 =	rddreg [dreg:$0x17];
	s26 =	sand.u32 $0x1FFFFFF0, s19  }
0x9a: {  	[tilespmem:s12], [sflag:$0x1] =	stream.linear.gather [hbm4b:s10+s3], $0x80, $0x38;
	[tilespmem:$0x10600] =	vst v63  }
0x9b: {  	s28 =	spop (v2sf);
	s12 =	rddreg [dreg:$0x5];
	s29 =	sadd.s32 s4, s26  }
0x9c: {  	(v2sf) =	vpush v4, $0x9;
	s30 =	sand.u32 $0x1FFFFFF0, s28;
	s20 =	sadd.s32 s12, s18;
	s31 =	spop (v2sf)  }
0x9d: {  	(v2sf) =	vpush v3, $0x9;
	[tilespmem:s2], [sflag:$0x2] =	stream.linear.gather [hbm4b:s20+s3], $0x80, $0x38;
	[tilespmem:$0x10600] =	vst v63  }
0x9e: {  	s10 =	smov.u32 s6;
	s18 =	sadd.s32 s12, s30;
	s20 =	spop (v2sf)  }
0x9f: {  	[tilespmem:s5], [sflag:$0x1] =	stream.linear.gather [hbm4b:s29+s3], $0x80, $0x38;
	[tilespmem:$0x10600] =	vst v63  }
0xa0: {  	s19 =	sand.u32 $0x1FFFFFF0, s31;
	s28 =	sand.u32 $0x1FFFFFF0, s20;
	s29 =	spop (v2sf)  }
0xa1: {  	(v2sf) =	vpush v4, $0xA;
	[tilespmem:s9], [sflag:$0x2] =	stream.linear.gather [hbm4b:s18+s3], $0x80, $0x38;
	[tilespmem:$0x10600] =	vst v63  }
0xa2: {  	s26 =	sadd.s32 s4, s19;
	s30 =	sadd.s32 s12, s28;
	s31 =	sand.u32 $0x1FFFFFF0, s29  }
0xa3: {  	(v2sf) =	vpush v3, $0xA;
	[tilespmem:s7], [sflag:$0x1] =	stream.linear.gather [hbm4b:s26+s3], $0x80, $0x38;
	[tilespmem:$0x10600] =	vst v63  }
0xa4: {  	s2 =	spop (v2sf);
	s9 =	rddreg [dreg:$0x1a];
	s5 =	sadd.s32 s4, s31  }
0xa5: {  	(v2sf) =	vpush v4, $0xB;
	[tilespmem:s8], [sflag:$0x2] =	stream.linear.gather [hbm4b:s30+s3], $0x80, $0x38;
	[tilespmem:$0x10600] =	vst v63  }
0xa6: {  	s31 =	rddreg [dreg:$0x15];
	s7 =	sand.u32 $0x1FFFFFF0, s2;
	s8 =	spop (v2sf)  }
0xa7: {  	[tilespmem:s9], [sflag:$0x1] =	stream.linear.gather [hbm4b:s5+s3], $0x80, $0x38;
	[tilespmem:$0x10600] =	vst v63  }
0xa8: {  	s26 =	rddreg [dreg:$0x18];
	s19 =	sand.u32 $0x1FFFFFF0, s8;
	s20 =	spop (v2sf)  }
0xa9: {  	(v2sf) =	vpush v3, $0xB;
	s18 =	sadd.s32 s12, s7;
	s28 =	sadd.s32 s4, s19;
	s29 =	sand.u32 $0x1FFFFFF0, s20  }
0xaa: {  	(v2sf) =	vpush v4, $0xC;
	[tilespmem:s26], [sflag:$0x2] =	stream.linear.gather [hbm4b:s18+s3], $0x80, $0x38;
	[tilespmem:$0x10600] =	vst v63  }
0xab: {  	s9 =	rddreg [dreg:$0x12];
	s30 =	spop (v2sf);
	s6 =	sadd.s32 s12, s29  }
0xac: {  	(v2sf) =	vpush v3, $0xC;
	s7 =	sand.u32 $0x1FFFFFF0, s30;
	s8 =	spop (v2sf);
	s26 =	rddreg [dreg:$0xa]  }
0xad: {  	[tilespmem:s31], [sflag:$0x1] =	stream.linear.gather [hbm4b:s28+s3], $0x80, $0x38;
	[tilespmem:$0x10600] =	vst v63  }
0xae: {  	s18 =	sadd.s32 s4, s7;
	s19 =	sand.u32 $0x1FFFFFF0, s8;
	s8 =	rddreg [dreg:$0xc]  }
0xaf: {  	[tilespmem:s9], [sflag:$0x2] =	stream.linear.gather [hbm4b:s6+s3], $0x80, $0x38;
	[tilespmem:$0x10600] =	vst v63  }
0xb0: {  	s20 =	spop (v2sf);
	s28 =	sadd.s32 s12, s19;
	s31 =	rddreg [dreg:$0xe]  }
0xb1: {  	[tilespmem:s26], [sflag:$0x1] =	stream.linear.gather [hbm4b:s18+s3], $0x80, $0x38;
	[tilespmem:$0x10600] =	vst v63  }
0xb2: {  	s29 =	sand.u32 $0x1FFFFFF0, s20;
	s30 =	spop (v2sf);
	s20 =	rddreg [dreg:$0x6]  }
0xb3: {  	[tilespmem:s31], [sflag:$0x2] =	stream.linear.gather [hbm4b:s28+s3], $0x80, $0x38;
	[tilespmem:$0x10600] =	vst v63  }
0xb4: {  	s5 =	sadd.s32 s4, s29;
	s6 =	sand.u32 $0x1FFFFFF0, s30;
	s7 =	spop (v2sf)  }
0xb5: {  	[tilespmem:s8], [sflag:$0x1] =	stream.linear.gather [hbm4b:s5+s3], $0x80, $0x38;
	[tilespmem:$0x10600] =	vst v63  }
0xb6: {  	s30 =	rddreg [dreg:$0x10];
	s9 =	sadd.s32 s12, s6;
	s18 =	sand.u32 $0x1FFFFFF0, s7  }
0xb7: {  	(v2sf) =	vpush v4, $0xD;
	[tilespmem:s20], [sflag:$0x2] =	stream.linear.gather [hbm4b:s9+s3], $0x80, $0x38;
	[tilespmem:$0x10600] =	vst v63  }
.Ltmp0:
0xb8: {  	(v2sf) =	vpush v3, $0xD;
	s19 =	spop (v2sf);
	s26 =	sadd.s32 s4, s18;
	(pc) =	sbr.rel @p0 .LBB2_2-.Ltmp0, $4  }
0xb9: {  	(v2sf) =	vpush v4, $0xE;
	s28 =	sand.u32 $0x1FFFFFF0, s19;
	s31 =	rddreg [dreg:$0x8];
	s29 =	spop (v2sf)  }
0xba: {  	(v2sf) =	vpush v3, $0xE;
	[tilespmem:s30], [sflag:$0x1] =	stream.linear.gather [hbm4b:s26+s3], $0x80, $0x38;
	[tilespmem:$0x10600] =	vst v63  }
0xbb: {  	(v2sf) =	vpush v4, $0xF;
	s1 =	sadd.s32 s12, s28;
	s0 =	sand.u32 $0x1FFFFFF0, s29;
	s2 =	spop (v2sf)  }
0xbc: {  	(v2sf) =	vpush v3, $0xF;
	[tilespmem:s31], [sflag:$0x2] =	stream.linear.gather [hbm4b:s1+s3], $0x80, $0x38;
	[tilespmem:$0x10600] =	vst v63  }
0xbd: {  	_ =	sdelay $0x4  }
0xbe: {  	s0 =	sadd.s32 s4, s0;
	s1 =	sand.u32 $0x1FFFFFF0, s2  }
0xbf: {  	[tilespmem:s25], [sflag:$0x1] =	stream.linear.gather [hbm4b:s0+s3], $0x80, $0x38;
	[tilespmem:$0x10600] =	vst v63  }
0xc0: {  	s1 =	sadd.s32 s12, s1  }
0xc1: {  	[tilespmem:s10], [sflag:$0x2] =	stream.linear.gather [hbm4b:s1+s3], $0x80, $0x38;
	[tilespmem:$0x10600] =	vst v63  }
0xc2: {  	s31 =	spop (v2sf)  }
0xc3: {  	s28 =	simm.s32 $0x0;
	s2 =	sand.u32 $0x1FFFFFF0, s31;
	s5 =	spop (v2sf)  }
0xc4: {  	s6 =	sadd.s32 s4, s2;
	s7 =	sand.u32 $0x1FFFFFF0, s5;
	s8 =	spop (v2sf)  }
0xc5: {  	[tilespmem:s14], [sflag:$0x1] =	stream.linear.gather [hbm4b:s6+s3], $0x80, $0x38;
	[tilespmem:$0x10600] =	vst v63  }
0xc6: {  	s9 =	sadd.s32 s12, s7;
	s10 =	sand.u32 $0x1FFFFFF0, s8;
	s14 =	spop (v2sf)  }
0xc7: {  	[tilespmem:s11], [sflag:$0x2] =	stream.linear.gather [hbm4b:s9+s3], $0x80, $0x38;
	[tilespmem:$0x10600] =	vst v63  }
0xc8: {  	s17 =	sadd.s32 s4, s10;
	s18 =	sand.u32 $0x1FFFFFF0, s14;
	s19 =	spop (v2sf)  }
0xc9: {  	[tilespmem:s24], [sflag:$0x1] =	stream.linear.gather [hbm4b:s17+s3], $0x80, $0x38;
	[tilespmem:$0x10600] =	vst v63  }
0xca: {  	s20 =	sadd.s32 s12, s18;
	s21 =	sand.u32 $0x1FFFFFF0, s19;
	s22 =	spop (v2sf)  }
0xcb: {  	[tilespmem:s23], [sflag:$0x2] =	stream.linear.gather [hbm4b:s20+s3], $0x80, $0x38;
	[tilespmem:$0x10600] =	vst v63  }
0xcc: {  	s1 =	sadd.s32 s4, s21;
	s2 =	sand.u32 $0x1FFFFFF0, s22;
	s24 =	sadd.s32 $0xB80, s16  }
0xcd: {  	[tilespmem:s24], [sflag:$0x1] =	stream.linear.gather [hbm4b:s1+s3], $0x80, $0x38;
	[tilespmem:$0x10600] =	vst v63  }
0xce: {  	s29 =	simm.s32 $0x1;
	s25 =	sadd.s32 $0x8B80, s16;
	s26 =	sadd.s32 s12, s2  }
0xcf: {  	[tilespmem:s25], [sflag:$0x2] =	stream.linear.gather [hbm4b:s26+s3], $0x80, $0x38;
	[tilespmem:$0x10600] =	vst v63  }
0xd0: {  	v3 =	vor.u32 s28, v0;
	_ =	swait.ge [sflag:s29], $0x8000  }
0xd1: {  	v4 =	vshll.u32 v3, $0x7;
	[sflag:s29] =	ssyncset.done $0x0  }
0xd2: {  	s30 =	simm.s32 $0x2;
	[sflag:s29] =	ssyncadd.s32 $0xFFFF8000  }
0xd3: {  	v5 =	vor.u32 $0x1, v4;
	_ =	swait.ge [sflag:s30], $0x8000  }
0xd4: {  	[sflag:s30] =	ssyncset.done $0x0  }
0xd5: {  	v6 =	vor.u32 $0x2, v4;
	[sflag:s30] =	ssyncadd.s32 $0xFFFF8000  }
0xd6: {  	v7 =	vld.idx.msk [tilespmem:v4+s13+$0x0], $0xffff  }
0xd7: {  	v9 =	vor.u32 $0x3, v4;
	v8 =	vld.idx.msk [tilespmem:v4+s15+$0x0], $0xffff  }
0xd8: {  	v10 =	vld.idx.msk [tilespmem:v5+s15+$0x0], $0xffff  }
0xd9: {  	v11 =	vor.u32 $0x4, v4;
	v5 =	vld.idx.msk [tilespmem:v5+s13+$0x0], $0xffff  }
0xda: {  	v12 =	vld.idx.msk [tilespmem:v6+s15+$0x0], $0xffff  }
0xdb: {  	v13 =	vor.u32 $0x5, v4;
	v6 =	vld.idx.msk [tilespmem:v6+s13+$0x0], $0xffff  }
0xdc: {  	v14 =	vld.idx.msk [tilespmem:v9+s15+$0x0], $0xffff;
	v7 =	vmul.f32 v7, v8  }
0xdd: {  	v47 =	vor.u32 $0x6, v4;
	v8 =	vld.idx.msk [tilespmem:v9+s13+$0x0], $0xffff  }
0xde: {  	v15 =	vld.idx.msk [tilespmem:v11+s15+$0x0], $0xffff;
	v5 =	vmul.f32 v5, v10;
	v7 =	vadd.f32 $0.0e+00, v7  }
0xdf: {  	v49 =	vor.u32 $0x7, v4;
	v48 =	vld.idx.msk [tilespmem:v11+s13+$0x0], $0xffff  }
0xe0: {  	v16 =	vld.idx.msk [tilespmem:v13+s15+$0x0], $0xffff;
	v6 =	vmul.f32 v6, v12;
	v5 =	vadd.f32 v5, v7  }
0xe1: {  	v50 =	vor.u32 $0x8, v4;
	v7 =	vld.idx.msk [tilespmem:v13+s13+$0x0], $0xffff  }
0xe2: {  	v51 =	vld.idx.msk [tilespmem:v47+s15+$0x0], $0xffff;
	v5 =	vadd.f32 v6, v5;
	v6 =	vmul.f32 v8, v14  }
0xe3: {  	v52 =	vor.u32 $0x9, v4;
	v8 =	vld.idx.msk [tilespmem:v47+s13+$0x0], $0xffff  }
0xe4: {  	v53 =	vld.idx.msk [tilespmem:v49+s15+$0x0], $0xffff;
	v5 =	vadd.f32 v6, v5;
	v6 =	vmul.f32 v48, v15  }
0xe5: {  	v55 =	vor.u32 $0xA, v4;
	v54 =	vld.idx.msk [tilespmem:v49+s13+$0x0], $0xffff  }
0xe6: {  	v56 =	vld.idx.msk [tilespmem:v50+s15+$0x0], $0xffff;
	v5 =	vadd.f32 v6, v5;
	v6 =	vmul.f32 v7, v16  }
0xe7: {  	v57 =	vor.u32 $0xB, v4;
	v7 =	vld.idx.msk [tilespmem:v50+s13+$0x0], $0xffff  }
0xe8: {  	v58 =	vld.idx.msk [tilespmem:v52+s15+$0x0], $0xffff;
	v5 =	vadd.f32 v6, v5;
	v6 =	vmul.f32 v8, v51  }
0xe9: {  	v59 =	vor.u32 $0xC, v4;
	v8 =	vld.idx.msk [tilespmem:v52+s13+$0x0], $0xffff  }
0xea: {  	v60 =	vld.idx.msk [tilespmem:v55+s15+$0x0], $0xffff;
	v5 =	vadd.f32 v6, v5;
	v6 =	vmul.f32 v54, v53  }
0xeb: {  	v62 =	vor.u32 $0xD, v4;
	v61 =	vld.idx.msk [tilespmem:v55+s13+$0x0], $0xffff  }
0xec: {  	v63 =	vld.idx.msk [tilespmem:v57+s15+$0x0], $0xffff;
	v5 =	vadd.f32 v6, v5;
	v6 =	vmul.f32 v7, v56  }
0xed: {  	v20 =	vor.u32 $0xE, v4;
	v7 =	vld.idx.msk [tilespmem:v57+s13+$0x0], $0xffff  }
0xee: {  	v21 =	vld.idx.msk [tilespmem:v59+s15+$0x0], $0xffff;
	v5 =	vadd.f32 v6, v5;
	v6 =	vmul.f32 v8, v58  }
0xef: {  	v22 =	vor.u32 $0xF, v4;
	v8 =	vld.idx.msk [tilespmem:v59+s13+$0x0], $0xffff  }
0xf0: {  	v23 =	vld.idx.msk [tilespmem:v62+s15+$0x0], $0xffff;
	v5 =	vadd.f32 v6, v5;
	v6 =	vmul.f32 v61, v60  }
0xf1: {  	v25 =	vor.u32 $0x10, v4;
	v24 =	vld.idx.msk [tilespmem:v62+s13+$0x0], $0xffff  }
0xf2: {  	v26 =	vld.idx.msk [tilespmem:v20+s15+$0x0], $0xffff;
	v5 =	vadd.f32 v6, v5;
	v6 =	vmul.f32 v7, v63  }
0xf3: {  	v27 =	vor.u32 $0x11, v4;
	v7 =	vld.idx.msk [tilespmem:v20+s13+$0x0], $0xffff  }
0xf4: {  	v28 =	vld.idx.msk [tilespmem:v22+s15+$0x0], $0xffff;
	v5 =	vadd.f32 v6, v5;
	v6 =	vmul.f32 v8, v21  }
0xf5: {  	v29 =	vor.u32 $0x12, v4;
	v8 =	vld.idx.msk [tilespmem:v22+s13+$0x0], $0xffff  }
0xf6: {  	v30 =	vld.idx.msk [tilespmem:v25+s15+$0x0], $0xffff;
	v5 =	vadd.f32 v6, v5;
	v6 =	vmul.f32 v24, v23  }
0xf7: {  	v32 =	vor.u32 $0x13, v4;
	v31 =	vld.idx.msk [tilespmem:v25+s13+$0x0], $0xffff  }
0xf8: {  	v33 =	vld.idx.msk [tilespmem:v27+s15+$0x0], $0xffff;
	v5 =	vadd.f32 v6, v5;
	v6 =	vmul.f32 v7, v26  }
0xf9: {  	v34 =	vor.u32 $0x14, v4;
	v7 =	vld.idx.msk [tilespmem:v27+s13+$0x0], $0xffff  }
0xfa: {  	v35 =	vld.idx.msk [tilespmem:v29+s15+$0x0], $0xffff;
	v5 =	vadd.f32 v6, v5;
	v6 =	vmul.f32 v8, v28  }
0xfb: {  	v36 =	vor.u32 $0x15, v4;
	v8 =	vld.idx.msk [tilespmem:v29+s13+$0x0], $0xffff  }
0xfc: {  	v37 =	vld.idx.msk [tilespmem:v32+s15+$0x0], $0xffff;
	v5 =	vadd.f32 v6, v5;
	v6 =	vmul.f32 v31, v30  }
0xfd: {  	v39 =	vor.u32 $0x16, v4;
	v38 =	vld.idx.msk [tilespmem:v32+s13+$0x0], $0xffff  }
0xfe: {  	v40 =	vld.idx.msk [tilespmem:v34+s15+$0x0], $0xffff;
	v5 =	vadd.f32 v6, v5;
	v6 =	vmul.f32 v7, v33  }
0xff: {  	v41 =	vor.u32 $0x17, v4;
	v7 =	vld.idx.msk [tilespmem:v34+s13+$0x0], $0xffff  }
0x100: {  	v42 =	vld.idx.msk [tilespmem:v36+s15+$0x0], $0xffff;
	v5 =	vadd.f32 v6, v5;
	v6 =	vmul.f32 v8, v35  }
0x101: {  	v43 =	vor.u32 $0x18, v4;
	v8 =	vld.idx.msk [tilespmem:v36+s13+$0x0], $0xffff  }
0x102: {  	v44 =	vld.idx.msk [tilespmem:v39+s15+$0x0], $0xffff;
	v5 =	vadd.f32 v6, v5;
	v6 =	vmul.f32 v38, v37  }
0x103: {  	v46 =	vor.u32 $0x19, v4;
	v45 =	vld.idx.msk [tilespmem:v39+s13+$0x0], $0xffff  }
0x104: {  	v47 =	vld.idx.msk [tilespmem:v41+s15+$0x0], $0xffff;
	v5 =	vadd.f32 v6, v5;
	v6 =	vmul.f32 v7, v40  }
0x105: {  	v48 =	vor.u32 $0x1A, v4;
	v7 =	vld.idx.msk [tilespmem:v41+s13+$0x0], $0xffff  }
0x106: {  	v49 =	vld.idx.msk [tilespmem:v43+s15+$0x0], $0xffff;
	v5 =	vadd.f32 v6, v5;
	v6 =	vmul.f32 v8, v42  }
0x107: {  	v50 =	vor.u32 $0x1B, v4;
	v8 =	vld.idx.msk [tilespmem:v43+s13+$0x0], $0xffff  }
0x108: {  	v51 =	vld.idx.msk [tilespmem:v46+s15+$0x0], $0xffff;
	v5 =	vadd.f32 v6, v5;
	v6 =	vmul.f32 v45, v44  }
0x109: {  	v52 =	vld.idx.msk [tilespmem:v46+s13+$0x0], $0xffff;
	v53 =	vor.u32 $0x1C, v4  }
0x10a: {  	v54 =	vld.idx.msk [tilespmem:v48+s15+$0x0], $0xffff;
	v5 =	vadd.f32 v6, v5;
	v6 =	vmul.f32 v7, v47  }
0x10b: {  	v55 =	vor.u32 $0x1D, v4;
	v7 =	vld.idx.msk [tilespmem:v48+s13+$0x0], $0xffff  }
0x10c: {  	v56 =	vld.idx.msk [tilespmem:v50+s15+$0x0], $0xffff;
	v5 =	vadd.f32 v6, v5;
	v6 =	vmul.f32 v8, v49  }
0x10d: {  	v57 =	vor.u32 $0x1E, v4;
	v8 =	vld.idx.msk [tilespmem:v50+s13+$0x0], $0xffff  }
0x10e: {  	v58 =	vld.idx.msk [tilespmem:v53+s15+$0x0], $0xffff;
	v5 =	vadd.f32 v6, v5;
	v6 =	vmul.f32 v52, v51  }
0x10f: {  	v4 =	vor.u32 $0x1F, v4;
	v59 =	vld.idx.msk [tilespmem:v53+s13+$0x0], $0xffff  }
0x110: {  	v60 =	vld.idx.msk [tilespmem:v55+s15+$0x0], $0xffff;
	v5 =	vadd.f32 v6, v5;
	v6 =	vmul.f32 v7, v54  }
0x111: {  	v7 =	vld.idx.msk [tilespmem:v55+s13+$0x0], $0xffff  }
0x112: {  	v61 =	vld.idx.msk [tilespmem:v57+s15+$0x0], $0xffff;
	v5 =	vadd.f32 v6, v5;
	v6 =	vmul.f32 v8, v56  }
0x113: {  	v8 =	vld.idx.msk [tilespmem:v57+s13+$0x0], $0xffff  }
0x114: {  	v62 =	vld.idx.msk [tilespmem:v4+s15+$0x0], $0xffff;
	v5 =	vadd.f32 v6, v5;
	v6 =	vmul.f32 v59, v58  }
0x115: {  	v63 =	vld.idx.msk [tilespmem:v4+s13+$0x0], $0xffff  }
0x116: {  	v4 =	vadd.f32 v6, v5;
	v5 =	vmul.f32 v7, v60;
	_ =	sdelay $0x1  }
0x117: {  	s31 =	simm.s32 $0x10;
	v7 =	vmul.f32 v8, v61;
	v6 =	vadd.f32 v5, v4  }
0x118: {  	v5 =	vor.u32 s31, v0  }
0x119: {  	s0 =	simm.s32 $0x10400;
	s16 =	simm.s32 $0x20;
	v4 =	vshll.u32 v5, $0x7;
	v6 =	vadd.f32 v7, v6;
	v7 =	vmul.f32 v63, v62  }
.LBB2_4:
0x11a: {  	p0 =	sne.s32 s16, $0xF0  }
0x11b: {  	v8 =	vor.u32 $0x1, v4;
	v6 =	vadd.f32 v7, v6;
	_ =	sdelay $0x1  }
0x11c: {  	v7 =	vor.u32 $0x2, v4;
	[tilespmem:v3+s0+$0x0] =	vst.idx.msk $0xffff, v6;
	v3 =	vmov v5  }
0x11d: {  	v5 =	vld.idx.msk [tilespmem:v4+s13+$0x0], $0xffff  }
0x11e: {  	v9 =	vor.u32 $0x3, v4;
	v6 =	vld.idx.msk [tilespmem:v4+s15+$0x0], $0xffff  }
0x11f: {  	v10 =	vld.idx.msk [tilespmem:v8+s15+$0x0], $0xffff  }
0x120: {  	v11 =	vor.u32 $0x4, v4;
	v8 =	vld.idx.msk [tilespmem:v8+s13+$0x0], $0xffff  }
0x121: {  	v12 =	vld.idx.msk [tilespmem:v7+s15+$0x0], $0xffff  }
0x122: {  	v13 =	vor.u32 $0x5, v4;
	v7 =	vld.idx.msk [tilespmem:v7+s13+$0x0], $0xffff  }
0x123: {  	v14 =	vld.idx.msk [tilespmem:v9+s15+$0x0], $0xffff  }
0x124: {  	v5 =	vmul.f32 v5, v6;
	v6 =	vld.idx.msk [tilespmem:v9+s13+$0x0], $0xffff;
	v9 =	vor.u32 $0x6, v4  }
0x125: {  	v15 =	vld.idx.msk [tilespmem:v11+s15+$0x0], $0xffff  }
0x126: {  	v5 =	vadd.f32 $0.0e+00, v5;
	v8 =	vmul.f32 v8, v10;
	v10 =	vld.idx.msk [tilespmem:v11+s13+$0x0], $0xffff;
	v11 =	vor.u32 $0x7, v4  }
0x127: {  	v16 =	vld.idx.msk [tilespmem:v13+s15+$0x0], $0xffff  }
0x128: {  	v5 =	vadd.f32 v8, v5;
	v7 =	vmul.f32 v7, v12;
	v12 =	vor.u32 $0x8, v4;
	v8 =	vld.idx.msk [tilespmem:v13+s13+$0x0], $0xffff  }
0x129: {  	v13 =	vld.idx.msk [tilespmem:v9+s15+$0x0], $0xffff  }
0x12a: {  	v5 =	vadd.f32 v7, v5;
	v6 =	vmul.f32 v6, v14;
	v7 =	vld.idx.msk [tilespmem:v9+s13+$0x0], $0xffff;
	v9 =	vor.u32 $0x9, v4  }
0x12b: {  	v14 =	vld.idx.msk [tilespmem:v11+s15+$0x0], $0xffff  }
0x12c: {  	v5 =	vadd.f32 v6, v5;
	v6 =	vmul.f32 v10, v15;
	v10 =	vld.idx.msk [tilespmem:v11+s13+$0x0], $0xffff;
	v11 =	vor.u32 $0xA, v4  }
0x12d: {  	v15 =	vld.idx.msk [tilespmem:v12+s15+$0x0], $0xffff  }
0x12e: {  	v5 =	vadd.f32 v6, v5;
	v6 =	vmul.f32 v8, v16;
	v8 =	vld.idx.msk [tilespmem:v12+s13+$0x0], $0xffff;
	v12 =	vor.u32 $0xB, v4  }
0x12f: {  	v16 =	vld.idx.msk [tilespmem:v9+s15+$0x0], $0xffff  }
0x130: {  	v5 =	vadd.f32 v6, v5;
	v6 =	vmul.f32 v7, v13;
	v7 =	vld.idx.msk [tilespmem:v9+s13+$0x0], $0xffff;
	v9 =	vor.u32 $0xC, v4  }
0x131: {  	v13 =	vld.idx.msk [tilespmem:v11+s15+$0x0], $0xffff  }
0x132: {  	v5 =	vadd.f32 v6, v5;
	v6 =	vmul.f32 v10, v14;
	v10 =	vld.idx.msk [tilespmem:v11+s13+$0x0], $0xffff;
	v11 =	vor.u32 $0xD, v4  }
0x133: {  	v14 =	vld.idx.msk [tilespmem:v12+s15+$0x0], $0xffff  }
0x134: {  	v5 =	vadd.f32 v6, v5;
	v6 =	vmul.f32 v8, v15;
	v8 =	vld.idx.msk [tilespmem:v12+s13+$0x0], $0xffff;
	v12 =	vor.u32 $0xE, v4  }
0x135: {  	v15 =	vld.idx.msk [tilespmem:v9+s15+$0x0], $0xffff  }
0x136: {  	v5 =	vadd.f32 v6, v5;
	v6 =	vmul.f32 v7, v16;
	v7 =	vld.idx.msk [tilespmem:v9+s13+$0x0], $0xffff;
	v9 =	vor.u32 $0xF, v4  }
0x137: {  	v16 =	vld.idx.msk [tilespmem:v11+s15+$0x0], $0xffff  }
0x138: {  	v5 =	vadd.f32 v6, v5;
	v6 =	vmul.f32 v10, v13;
	v10 =	vld.idx.msk [tilespmem:v11+s13+$0x0], $0xffff;
	v11 =	vor.u32 $0x10, v4  }
0x139: {  	v13 =	vld.idx.msk [tilespmem:v12+s15+$0x0], $0xffff  }
0x13a: {  	v5 =	vadd.f32 v6, v5;
	v6 =	vmul.f32 v8, v14;
	v8 =	vld.idx.msk [tilespmem:v12+s13+$0x0], $0xffff;
	v12 =	vor.u32 $0x11, v4  }
0x13b: {  	v14 =	vld.idx.msk [tilespmem:v9+s15+$0x0], $0xffff  }
0x13c: {  	v5 =	vadd.f32 v6, v5;
	v6 =	vmul.f32 v7, v15;
	v7 =	vld.idx.msk [tilespmem:v9+s13+$0x0], $0xffff;
	v9 =	vor.u32 $0x12, v4  }
0x13d: {  	v15 =	vld.idx.msk [tilespmem:v11+s15+$0x0], $0xffff  }
0x13e: {  	v5 =	vadd.f32 v6, v5;
	v6 =	vmul.f32 v10, v16;
	v10 =	vld.idx.msk [tilespmem:v11+s13+$0x0], $0xffff;
	v11 =	vor.u32 $0x13, v4  }
0x13f: {  	v16 =	vld.idx.msk [tilespmem:v12+s15+$0x0], $0xffff  }
0x140: {  	v5 =	vadd.f32 v6, v5;
	v6 =	vmul.f32 v8, v13;
	v8 =	vld.idx.msk [tilespmem:v12+s13+$0x0], $0xffff;
	v12 =	vor.u32 $0x14, v4  }
0x141: {  	v13 =	vld.idx.msk [tilespmem:v9+s15+$0x0], $0xffff  }
0x142: {  	v5 =	vadd.f32 v6, v5;
	v6 =	vmul.f32 v7, v14;
	v7 =	vld.idx.msk [tilespmem:v9+s13+$0x0], $0xffff;
	v9 =	vor.u32 $0x15, v4  }
0x143: {  	v14 =	vld.idx.msk [tilespmem:v11+s15+$0x0], $0xffff  }
0x144: {  	v5 =	vadd.f32 v6, v5;
	v6 =	vmul.f32 v10, v15;
	v10 =	vld.idx.msk [tilespmem:v11+s13+$0x0], $0xffff;
	v11 =	vor.u32 $0x16, v4  }
0x145: {  	v15 =	vld.idx.msk [tilespmem:v12+s15+$0x0], $0xffff  }
0x146: {  	v5 =	vadd.f32 v6, v5;
	v6 =	vmul.f32 v8, v16;
	v8 =	vld.idx.msk [tilespmem:v12+s13+$0x0], $0xffff;
	v12 =	vor.u32 $0x17, v4  }
0x147: {  	v16 =	vld.idx.msk [tilespmem:v9+s15+$0x0], $0xffff  }
0x148: {  	v5 =	vadd.f32 v6, v5;
	v6 =	vmul.f32 v7, v13;
	v7 =	vld.idx.msk [tilespmem:v9+s13+$0x0], $0xffff;
	v9 =	vor.u32 $0x18, v4  }
0x149: {  	v13 =	vld.idx.msk [tilespmem:v11+s15+$0x0], $0xffff  }
0x14a: {  	v5 =	vadd.f32 v6, v5;
	v6 =	vmul.f32 v10, v14;
	v10 =	vld.idx.msk [tilespmem:v11+s13+$0x0], $0xffff;
	v11 =	vor.u32 $0x19, v4  }
0x14b: {  	v14 =	vld.idx.msk [tilespmem:v12+s15+$0x0], $0xffff  }
0x14c: {  	v5 =	vadd.f32 v6, v5;
	v6 =	vmul.f32 v8, v15;
	v8 =	vld.idx.msk [tilespmem:v12+s13+$0x0], $0xffff;
	v12 =	vor.u32 $0x1A, v4  }
0x14d: {  	v15 =	vld.idx.msk [tilespmem:v9+s15+$0x0], $0xffff  }
0x14e: {  	v5 =	vadd.f32 v6, v5;
	v6 =	vmul.f32 v7, v16;
	v7 =	vld.idx.msk [tilespmem:v9+s13+$0x0], $0xffff;
	v9 =	vor.u32 $0x1B, v4  }
0x14f: {  	v16 =	vld.idx.msk [tilespmem:v11+s15+$0x0], $0xffff  }
0x150: {  	v5 =	vadd.f32 v6, v5;
	v6 =	vmul.f32 v10, v13;
	v10 =	vld.idx.msk [tilespmem:v11+s13+$0x0], $0xffff;
	v11 =	vor.u32 $0x1C, v4  }
0x151: {  	v13 =	vld.idx.msk [tilespmem:v12+s15+$0x0], $0xffff  }
0x152: {  	v5 =	vadd.f32 v6, v5;
	v6 =	vmul.f32 v8, v14;
	v8 =	vld.idx.msk [tilespmem:v12+s13+$0x0], $0xffff;
	v12 =	vor.u32 $0x1D, v4  }
0x153: {  	v14 =	vld.idx.msk [tilespmem:v9+s15+$0x0], $0xffff  }
0x154: {  	v5 =	vadd.f32 v6, v5;
	v6 =	vmul.f32 v7, v15;
	v7 =	vld.idx.msk [tilespmem:v9+s13+$0x0], $0xffff;
	v9 =	vor.u32 $0x1E, v4  }
0x155: {  	v15 =	vld.idx.msk [tilespmem:v11+s15+$0x0], $0xffff  }
0x156: {  	v4 =	vor.u32 $0x1F, v4;
	v5 =	vadd.f32 v6, v5;
	v6 =	vmul.f32 v10, v16;
	v10 =	vld.idx.msk [tilespmem:v11+s13+$0x0], $0xffff  }
0x157: {  	v11 =	vld.idx.msk [tilespmem:v12+s15+$0x0], $0xffff  }
0x158: {  	v5 =	vadd.f32 v6, v5;
	v6 =	vmul.f32 v8, v13;
	v8 =	vld.idx.msk [tilespmem:v12+s13+$0x0], $0xffff  }
0x159: {  	v12 =	vld.idx.msk [tilespmem:v9+s15+$0x0], $0xffff  }
0x15a: {  	v5 =	vadd.f32 v6, v5;
	v6 =	vmul.f32 v7, v14;
	v7 =	vld.idx.msk [tilespmem:v9+s13+$0x0], $0xffff  }
0x15b: {  	v9 =	vld.idx.msk [tilespmem:v4+s15+$0x0], $0xffff  }
0x15c: {  	v5 =	vadd.f32 v6, v5;
	v6 =	vmul.f32 v10, v15;
	v10 =	vld.idx.msk [tilespmem:v4+s13+$0x0], $0xffff;
	_ =	sdelay $0x1  }
.Ltmp1:
0x15d: {  	v4 =	vadd.f32 v6, v5;
	v5 =	vmul.f32 v8, v11;
	(pc) =	sbr.rel @p0 .LBB2_4-.Ltmp1, $4  }
0x15e: {  	_ = 	snop  }
0x15f: {  	v6 =	vadd.f32 v5, v4;
	v7 =	vmul.f32 v7, v12  }
0x160: {  	v5 =	vor.u32 s16, v0  }
0x161: {  	s16 =	sadd.s32 $0x10, s16;
	v4 =	vshll.u32 v5, $0x7;
	v6 =	vadd.f32 v7, v6;
	v7 =	vmul.f32 v10, v9  }
0x162: {  	_ =	sdelay $0x1  }
0x163: {  	v8 =	vor.u32 $0x1, v4;
	v6 =	vadd.f32 v7, v6;
	_ =	sdelay $0x1  }
0x164: {  	v45 =	vor.u32 $0x2, v4;
	[tilespmem:v3+s0+$0x0] =	vst.idx.msk $0xffff, v6  }
0x165: {  	v3 =	vld.idx.msk [tilespmem:v4+s13+$0x0], $0xffff  }
0x166: {  	v9 =	vor.u32 $0x3, v4;
	v6 =	vld.idx.msk [tilespmem:v4+s15+$0x0], $0xffff  }
0x167: {  	v10 =	vld.idx.msk [tilespmem:v8+s15+$0x0], $0xffff  }
0x168: {  	v11 =	vor.u32 $0x4, v4;
	v8 =	vld.idx.msk [tilespmem:v8+s13+$0x0], $0xffff  }
0x169: {  	v12 =	vld.idx.msk [tilespmem:v45+s15+$0x0], $0xffff  }
0x16a: {  	v13 =	vor.u32 $0x5, v4;
	v7 =	vld.idx.msk [tilespmem:v45+s13+$0x0], $0xffff  }
0x16b: {  	v14 =	vld.idx.msk [tilespmem:v9+s15+$0x0], $0xffff;
	v3 =	vmul.f32 v3, v6  }
0x16c: {  	v47 =	vor.u32 $0x6, v4;
	v46 =	vld.idx.msk [tilespmem:v9+s13+$0x0], $0xffff  }
0x16d: {  	v15 =	vld.idx.msk [tilespmem:v11+s15+$0x0], $0xffff;
	v8 =	vmul.f32 v8, v10;
	v3 =	vadd.f32 $0.0e+00, v3  }
0x16e: {  	v49 =	vor.u32 $0x7, v4;
	v48 =	vld.idx.msk [tilespmem:v11+s13+$0x0], $0xffff  }
0x16f: {  	v16 =	vld.idx.msk [tilespmem:v13+s15+$0x0], $0xffff;
	v7 =	vmul.f32 v7, v12;
	v3 =	vadd.f32 v8, v3  }
0x170: {  	v51 =	vor.u32 $0x8, v4;
	v50 =	vld.idx.msk [tilespmem:v13+s13+$0x0], $0xffff  }
0x171: {  	v52 =	vld.idx.msk [tilespmem:v47+s15+$0x0], $0xffff;
	v6 =	vmul.f32 v46, v14;
	v3 =	vadd.f32 v7, v3  }
0x172: {  	v54 =	vor.u32 $0x9, v4;
	v53 =	vld.idx.msk [tilespmem:v47+s13+$0x0], $0xffff  }
0x173: {  	v55 =	vld.idx.msk [tilespmem:v49+s15+$0x0], $0xffff;
	v56 =	vmul.f32 v48, v15;
	v3 =	vadd.f32 v6, v3  }
0x174: {  	v58 =	vor.u32 $0xA, v4;
	v57 =	vld.idx.msk [tilespmem:v49+s13+$0x0], $0xffff  }
0x175: {  	v59 =	vld.idx.msk [tilespmem:v51+s15+$0x0], $0xffff;
	v60 =	vmul.f32 v50, v16;
	v3 =	vadd.f32 v56, v3  }
0x176: {  	v62 =	vor.u32 $0xB, v4;
	v61 =	vld.idx.msk [tilespmem:v51+s13+$0x0], $0xffff  }
0x177: {  	v63 =	vld.idx.msk [tilespmem:v54+s15+$0x0], $0xffff;
	v18 =	vmul.f32 v53, v52;
	v3 =	vadd.f32 v60, v3  }
0x178: {  	v20 =	vor.u32 $0xC, v4;
	v19 =	vld.idx.msk [tilespmem:v54+s13+$0x0], $0xffff  }
0x179: {  	v21 =	vld.idx.msk [tilespmem:v58+s15+$0x0], $0xffff;
	v22 =	vmul.f32 v57, v55;
	v3 =	vadd.f32 v18, v3  }
0x17a: {  	v24 =	vor.u32 $0xD, v4;
	v23 =	vld.idx.msk [tilespmem:v58+s13+$0x0], $0xffff  }
0x17b: {  	v25 =	vld.idx.msk [tilespmem:v62+s15+$0x0], $0xffff;
	v26 =	vmul.f32 v61, v59;
	v3 =	vadd.f32 v22, v3  }
0x17c: {  	v28 =	vor.u32 $0xE, v4;
	v27 =	vld.idx.msk [tilespmem:v62+s13+$0x0], $0xffff  }
0x17d: {  	v29 =	vld.idx.msk [tilespmem:v20+s15+$0x0], $0xffff;
	v30 =	vmul.f32 v19, v63;
	v3 =	vadd.f32 v26, v3  }
0x17e: {  	v32 =	vor.u32 $0xF, v4;
	v31 =	vld.idx.msk [tilespmem:v20+s13+$0x0], $0xffff  }
0x17f: {  	v33 =	vld.idx.msk [tilespmem:v24+s15+$0x0], $0xffff;
	v34 =	vmul.f32 v23, v21;
	v3 =	vadd.f32 v30, v3  }
0x180: {  	v36 =	vor.u32 $0x10, v4;
	v35 =	vld.idx.msk [tilespmem:v24+s13+$0x0], $0xffff  }
0x181: {  	v37 =	vld.idx.msk [tilespmem:v28+s15+$0x0], $0xffff;
	v38 =	vmul.f32 v27, v25;
	v3 =	vadd.f32 v34, v3  }
0x182: {  	v40 =	vor.u32 $0x11, v4;
	v39 =	vld.idx.msk [tilespmem:v28+s13+$0x0], $0xffff  }
0x183: {  	v41 =	vld.idx.msk [tilespmem:v32+s15+$0x0], $0xffff;
	v42 =	vmul.f32 v31, v29;
	v3 =	vadd.f32 v38, v3  }
0x184: {  	v44 =	vor.u32 $0x12, v4;
	v43 =	vld.idx.msk [tilespmem:v32+s13+$0x0], $0xffff  }
0x185: {  	v45 =	vld.idx.msk [tilespmem:v36+s15+$0x0], $0xffff;
	v46 =	vmul.f32 v35, v33;
	v3 =	vadd.f32 v42, v3  }
0x186: {  	v47 =	vld.idx.msk [tilespmem:v36+s13+$0x0], $0xffff;
	v48 =	vor.u32 $0x13, v4  }
0x187: {  	v49 =	vld.idx.msk [tilespmem:v40+s15+$0x0], $0xffff;
	v50 =	vmul.f32 v39, v37;
	v3 =	vadd.f32 v46, v3  }
0x188: {  	v51 =	vld.idx.msk [tilespmem:v40+s13+$0x0], $0xffff;
	v52 =	vor.u32 $0x14, v4  }
0x189: {  	v53 =	vld.idx.msk [tilespmem:v44+s15+$0x0], $0xffff;
	v54 =	vmul.f32 v43, v41;
	v3 =	vadd.f32 v50, v3  }
0x18a: {  	v55 =	vld.idx.msk [tilespmem:v44+s13+$0x0], $0xffff;
	v56 =	vor.u32 $0x15, v4  }
0x18b: {  	v58 =	vmul.f32 v47, v45;
	v57 =	vld.idx.msk [tilespmem:v48+s15+$0x0], $0xffff;
	v3 =	vadd.f32 v54, v3  }
0x18c: {  	v59 =	vld.idx.msk [tilespmem:v48+s13+$0x0], $0xffff;
	v60 =	vor.u32 $0x16, v4  }
0x18d: {  	v62 =	vmul.f32 v51, v49;
	v61 =	vld.idx.msk [tilespmem:v52+s15+$0x0], $0xffff;
	v3 =	vadd.f32 v58, v3  }
0x18e: {  	v20 =	vor.u32 $0x17, v4;
	v63 =	vld.idx.msk [tilespmem:v52+s13+$0x0], $0xffff  }
0x18f: {  	v21 =	vld.idx.msk [tilespmem:v56+s15+$0x0], $0xffff;
	v22 =	vmul.f32 v55, v53;
	v3 =	vadd.f32 v62, v3  }
0x190: {  	v24 =	vor.u32 $0x18, v4;
	v23 =	vld.idx.msk [tilespmem:v56+s13+$0x0], $0xffff  }
0x191: {  	v25 =	vld.idx.msk [tilespmem:v60+s15+$0x0], $0xffff;
	v26 =	vmul.f32 v59, v57;
	v3 =	vadd.f32 v22, v3  }
0x192: {  	v28 =	vor.u32 $0x19, v4;
	v27 =	vld.idx.msk [tilespmem:v60+s13+$0x0], $0xffff  }
0x193: {  	v29 =	vld.idx.msk [tilespmem:v20+s15+$0x0], $0xffff;
	v30 =	vmul.f32 v63, v61;
	v3 =	vadd.f32 v26, v3  }
0x194: {  	v32 =	vor.u32 $0x1A, v4;
	v31 =	vld.idx.msk [tilespmem:v20+s13+$0x0], $0xffff  }
0x195: {  	v33 =	vld.idx.msk [tilespmem:v24+s15+$0x0], $0xffff;
	v34 =	vmul.f32 v23, v21;
	v3 =	vadd.f32 v30, v3  }
0x196: {  	v36 =	vor.u32 $0x1B, v4;
	v35 =	vld.idx.msk [tilespmem:v24+s13+$0x0], $0xffff  }
0x197: {  	v37 =	vld.idx.msk [tilespmem:v28+s15+$0x0], $0xffff;
	v38 =	vmul.f32 v27, v25;
	v3 =	vadd.f32 v34, v3  }
0x198: {  	v40 =	vor.u32 $0x1C, v4;
	v39 =	vld.idx.msk [tilespmem:v28+s13+$0x0], $0xffff  }
0x199: {  	v41 =	vld.idx.msk [tilespmem:v32+s15+$0x0], $0xffff;
	v42 =	vmul.f32 v31, v29;
	v3 =	vadd.f32 v38, v3  }
0x19a: {  	v43 =	vld.idx.msk [tilespmem:v32+s13+$0x0], $0xffff;
	v44 =	vor.u32 $0x1D, v4  }
0x19b: {  	v45 =	vld.idx.msk [tilespmem:v36+s15+$0x0], $0xffff;
	v46 =	vmul.f32 v35, v33;
	v3 =	vadd.f32 v42, v3  }
0x19c: {  	v47 =	vld.idx.msk [tilespmem:v36+s13+$0x0], $0xffff;
	v48 =	vor.u32 $0x1E, v4  }
0x19d: {  	v49 =	vld.idx.msk [tilespmem:v40+s15+$0x0], $0xffff;
	v50 =	vmul.f32 v39, v37;
	v3 =	vadd.f32 v46, v3  }
0x19e: {  	v51 =	vld.idx.msk [tilespmem:v40+s13+$0x0], $0xffff;
	v52 =	vor.u32 $0x1F, v4  }
0x19f: {  	v53 =	vld.idx.msk [tilespmem:v44+s15+$0x0], $0xffff;
	v54 =	vmul.f32 v43, v41;
	v3 =	vadd.f32 v50, v3  }
0x1a0: {  	v55 =	vld.idx.msk [tilespmem:v44+s13+$0x0], $0xffff  }
0x1a1: {  	v56 =	vld.idx.msk [tilespmem:v48+s15+$0x0], $0xffff;
	v57 =	vmul.f32 v47, v45;
	v3 =	vadd.f32 v54, v3  }
0x1a2: {  	v58 =	vld.idx.msk [tilespmem:v48+s13+$0x0], $0xffff  }
0x1a3: {  	v4 =	vld.idx.msk [tilespmem:v52+s13+$0x0], $0xffff;
	v60 =	vmul.f32 v51, v49;
	v3 =	vadd.f32 v57, v3  }
0x1a4: {  	v59 =	vld.idx.msk [tilespmem:v52+s15+$0x0], $0xffff  }
0x1a5: {  	v61 =	vmul.f32 v55, v53;
	v3 =	vadd.f32 v60, v3;
	_ =	sdelay $0x1  }
0x1a6: {  	v62 =	vmul.f32 v58, v56;
	v3 =	vadd.f32 v61, v3;
	_ =	sdelay $0x1  }
0x1a7: {  	v4 =	vmul.f32 v4, v59;
	v3 =	vadd.f32 v62, v3;
	_ =	sdelay $0x1  }
0x1a8: {  	v3 =	vadd.f32 v4, v3;
	_ =	sdelay $0x1  }
0x1a9: {  	s29 =	simm.s32 $0x100;
	[tilespmem:v5+s0+$0x0] =	vst.idx.msk $0xffff, v3  }
0x1aa: {  	s30 =	simm.s32 $0x300;
	v3 =	vld [tilespmem:s29+$0x0]  }
0x1ab: {  	v5 =	vld [tilespmem:s30+$0x0];
	_ =	sdelay $0x3  }
0x1ac: {  	v63 =	vshll.u32 v3, $0x4  }
0x1ad: {  	v3 =	vshll.u32 v5, $0x4;
	(v2sf) =	vpush v63, $0x0  }
0x1ae: {  	(v2sf) =	vpush v3, $0x0  }
0x1af: {  	(v2sf) =	vpush v63, $0x1;
	_ =	sdelay $0x1  }
0x1b0: {  	(v2sf) =	vpush v3, $0x1;
	_ =	sdelay $0x2  }
0x1b1: {  	(v2sf) =	vpush v63, $0x2;
	_ =	sdelay $0x1  }
0x1b2: {  	(v2sf) =	vpush v3, $0x2;
	_ =	sdelay $0x1  }
0x1b3: {  	s17 =	simm.s32 $0x2000;
	(v2sf) =	vpush v63, $0x3  }
0x1b4: {  	s16 =	simm.s32 $0x0;
	s1 =	simm.s32 $0x8400;
	s14 =	simm.s32 $0x680  }
0x1b5: {  	s2 =	simm.s32 $0x880;
	s6 =	simm.s32 $0x400;
	s8 =	simm.s32 $0x600  }
0x1b6: {  	s9 =	simm.s32 $0x580;
	s19 =	simm.s32 $0x8480;
	s21 =	simm.s32 $0x500  }
0x1b7: {  	s24 =	simm.s32 $0x8500;
	s0 =	simm.s32 $0x8900;
	s7 =	spop (v2sf);
	(v2sf) =	vpush v3, $0x3  }
0x1b8: {  	s30 =	simm.s32 $0x8600;
	s7 =	sand.u32 $0x1FFFFFF0, s7;
	s10 =	spop (v2sf)  }
0x1b9: {  	(v2sf) =	vpush v63, $0x4;
	s7 =	sadd.s32 s4, s7;
	s31 =	sand.u32 $0x1FFFFFF0, s10;
	s5 =	spop (v2sf)  }
0x1ba: {  	(v2sf) =	vpush v3, $0x4;
	[tilespmem:s6], [sflag:$0x1] =	stream.linear.gather [hbm4b:s7+s3], $0x80, $0x38;
	[tilespmem:$0x10600] =	vst v63  }
0x1bb: {  	s6 =	simm.s32 $0x8580;
	s10 =	sand.u32 $0x1FFFFFF0, s5;
	s11 =	spop (v2sf)  }
0x1bc: {  	s7 =	sadd.s32 s12, s31;
	s10 =	sadd.s32 s4, s10;
	s18 =	sand.u32 $0x1FFFFFF0, s11  }
0x1bd: {  	(v2sf) =	vpush v63, $0x5;
	[tilespmem:s1], [sflag:$0x2] =	stream.linear.gather [hbm4b:s7+s3], $0x80, $0x38;
	[tilespmem:$0x10600] =	vst v63  }
0x1be: {  	s20 =	spop (v2sf);
	s11 =	simm.s32 $0x8A00;
	s7 =	simm.s32 $0x480  }
0x1bf: {  	(v2sf) =	vpush v3, $0x5;
	[tilespmem:s7], [sflag:$0x1] =	stream.linear.gather [hbm4b:s10+s3], $0x80, $0x38;
	[tilespmem:$0x10600] =	vst v63  }
0x1c0: {  	s22 =	spop (v2sf);
	s10 =	sadd.s32 s12, s18;
	s7 =	sand.u32 $0x1FFFFFF0, s20  }
0x1c1: {  	(v2sf) =	vpush v63, $0x6;
	[tilespmem:s19], [sflag:$0x2] =	stream.linear.gather [hbm4b:s10+s3], $0x80, $0x38;
	[tilespmem:$0x10600] =	vst v63  }
0x1c2: {  	s23 =	spop (v2sf);
	s7 =	sadd.s32 s4, s7;
	s10 =	sand.u32 $0x1FFFFFF0, s22  }
0x1c3: {  	(v2sf) =	vpush v3, $0x6;
	[tilespmem:s21], [sflag:$0x1] =	stream.linear.gather [hbm4b:s7+s3], $0x80, $0x38;
	[tilespmem:$0x10600] =	vst v63  }
0x1c4: {  	s26 =	sand.u32 $0x1FFFFFF0, s23;
	s18 =	simm.s32 $0xA80;
	s25 =	sadd.s32 s12, s10  }
0x1c5: {  	[tilespmem:s24], [sflag:$0x2] =	stream.linear.gather [hbm4b:s25+s3], $0x80, $0x38;
	[tilespmem:$0x10600] =	vst v63  }
0x1c6: {  	s23 =	simm.s32 $0x700;
	s29 =	sadd.s32 s4, s26;
	s28 =	spop (v2sf)  }
0x1c7: {  	(v2sf) =	vpush v63, $0x7;
	[tilespmem:s9], [sflag:$0x1] =	stream.linear.gather [hbm4b:s29+s3], $0x80, $0x38;
	[tilespmem:$0x10600] =	vst v63  }
0x1c8: {  	s10 =	simm.s32 $0x8980;
	s1 =	sand.u32 $0x1FFFFFF0, s28;
	s31 =	spop (v2sf)  }
0x1c9: {  	(v2sf) =	vpush v3, $0x7;
	s1 =	sadd.s32 s12, s1;
	s9 =	sand.u32 $0x1FFFFFF0, s31;
	s5 =	spop (v2sf)  }
0x1ca: {  	(v2sf) =	vpush v63, $0x8;
	[tilespmem:s6], [sflag:$0x2] =	stream.linear.gather [hbm4b:s1+s3], $0x80, $0x38;
	[tilespmem:$0x10600] =	vst v63  }
0x1cb: {  	s21 =	simm.s32 $0x8680;
	s19 =	sadd.s32 s4, s9;
	s20 =	sand.u32 $0x1FFFFFF0, s5  }
0x1cc: {  	s22 =	spop (v2sf);
	(v2sf) =	vpush v3, $0x8;
	s5 =	simm.s32 $0x8A80;
	s6 =	sadd.s32 s12, s20  }
0x1cd: {  	(v2sf) =	vpush v63, $0x9;
	[tilespmem:s8], [sflag:$0x1] =	stream.linear.gather [hbm4b:s19+s3], $0x80, $0x38;
	[tilespmem:$0x10600] =	vst v63  }
0x1ce: {  	s24 =	sand.u32 $0x1FFFFFF0, s22;
	s25 =	spop (v2sf);
	s22 =	simm.s32 $0x8780  }
0x1cf: {  	(v2sf) =	vpush v3, $0x9;
	[tilespmem:s30], [sflag:$0x2] =	stream.linear.gather [hbm4b:s6+s3], $0x80, $0x38;
	[tilespmem:$0x10600] =	vst v63  }
0x1d0: {  	s7 =	sadd.s32 s4, s24;
	s8 =	sand.u32 $0x1FFFFFF0, s25;
	s26 =	spop (v2sf);
	(v2sf) =	vpush v63, $0xA  }
0x1d1: {  	[tilespmem:s14], [sflag:$0x1] =	stream.linear.gather [hbm4b:s7+s3], $0x80, $0x38;
	[tilespmem:$0x10600] =	vst v63  }
0x1d2: {  	s28 =	sadd.s32 s12, s8;
	s29 =	sand.u32 $0x1FFFFFF0, s26;
	s30 =	spop (v2sf);
	(v2sf) =	vpush v3, $0xA  }
0x1d3: {  	[tilespmem:s21], [sflag:$0x2] =	stream.linear.gather [hbm4b:s28+s3], $0x80, $0x38;
	[tilespmem:$0x10600] =	vst v63  }
0x1d4: {  	s19 =	simm.s32 $0x780;
	s31 =	sadd.s32 s4, s29;
	s1 =	sand.u32 $0x1FFFFFF0, s30  }
0x1d5: {  	[tilespmem:s23], [sflag:$0x1] =	stream.linear.gather [hbm4b:s31+s3], $0x80, $0x38;
	[tilespmem:$0x10600] =	vst v63  }
0x1d6: {  	s8 =	simm.s32 $0x8700;
	s1 =	sadd.s32 s12, s1;
	s9 =	spop (v2sf)  }
0x1d7: {  	[tilespmem:s8], [sflag:$0x2] =	stream.linear.gather [hbm4b:s1+s3], $0x80, $0x38;
	[tilespmem:$0x10600] =	vst v63  }
0x1d8: {  	s24 =	simm.s32 $0x800;
	(v2sf) =	vpush v63, $0xB;
	s7 =	sand.u32 $0x1FFFFFF0, s9;
	s14 =	spop (v2sf)  }
0x1d9: {  	s28 =	simm.s32 $0x8800;
	s20 =	sadd.s32 s4, s7;
	s23 =	spop (v2sf)  }
0x1da: {  	(v2sf) =	vpush v3, $0xB;
	[tilespmem:s19], [sflag:$0x1] =	stream.linear.gather [hbm4b:s20+s3], $0x80, $0x38;
	[tilespmem:$0x10600] =	vst v63  }
0x1db: {  	s31 =	simm.s32 $0x8880;
	s21 =	sand.u32 $0x1FFFFFF0, s14;
	s25 =	spop (v2sf)  }
0x1dc: {  	s7 =	sadd.s32 s12, s21;
	s6 =	sand.u32 $0x1FFFFFF0, s23;
	s26 =	spop (v2sf)  }
0x1dd: {  	(v2sf) =	vpush v63, $0xC;
	[tilespmem:s22], [sflag:$0x2] =	stream.linear.gather [hbm4b:s7+s3], $0x80, $0x38;
	[tilespmem:$0x10600] =	vst v63  }
0x1de: {  	s9 =	simm.s32 $0x900;
	s6 =	sadd.s32 s4, s6;
	s8 =	spop (v2sf)  }
0x1df: {  	(v2sf) =	vpush v3, $0xC;
	s7 =	sand.u32 $0x1FFFFFF0, s25;
	s30 =	sand.u32 $0x1FFFFFF0, s26;
	s14 =	spop (v2sf)  }
0x1e0: {  	[tilespmem:s24], [sflag:$0x1] =	stream.linear.gather [hbm4b:s6+s3], $0x80, $0x38;
	[tilespmem:$0x10600] =	vst v63  }
0x1e1: {  	s26 =	simm.s32 $0x980;
	s29 =	sadd.s32 s12, s7;
	s19 =	spop (v2sf)  }
0x1e2: {  	[tilespmem:s28], [sflag:$0x2] =	stream.linear.gather [hbm4b:s29+s3], $0x80, $0x38;
	[tilespmem:$0x10600] =	vst v63  }
0x1e3: {  	s7 =	sadd.s32 s4, s30;
	s6 =	sand.u32 $0x1FFFFFF0, s8;
	s21 =	sand.u32 $0x1FFFFFF0, s19  }
0x1e4: {  	[tilespmem:s2], [sflag:$0x1] =	stream.linear.gather [hbm4b:s7+s3], $0x80, $0x38;
	[tilespmem:$0x10600] =	vst v63  }
0x1e5: {  	s6 =	sadd.s32 s12, s6;
	s23 =	sadd.s32 s12, s21;
	s7 =	sand.u32 $0x1FFFFFF0, s14  }
0x1e6: {  	[tilespmem:s31], [sflag:$0x2] =	stream.linear.gather [hbm4b:s6+s3], $0x80, $0x38;
	[tilespmem:$0x10600] =	vst v63  }
0x1e7: {  	s21 =	simm.s32 $0x110;
	s20 =	sadd.s32 s4, s7;
	s22 =	spop (v2sf)  }
0x1e8: {  	[tilespmem:s9], [sflag:$0x1] =	stream.linear.gather [hbm4b:s20+s3], $0x80, $0x38;
	[tilespmem:$0x10600] =	vst v63  }
0x1e9: {  	s24 =	sand.u32 $0x1FFFFFF0, s22;
	s25 =	spop (v2sf);
	s22 =	simm.s32 $0x310  }
0x1ea: {  	(v2sf) =	vpush v63, $0xD;
	[tilespmem:s0], [sflag:$0x2] =	stream.linear.gather [hbm4b:s23+s3], $0x80, $0x38;
	[tilespmem:$0x10600] =	vst v63  }
0x1eb: {  	(v2sf) =	vpush v3, $0xD;
	s28 =	sadd.s32 s4, s24;
	s29 =	sand.u32 $0x1FFFFFF0, s25;
	s25 =	simm.s32 $0xA00  }
0x1ec: {  	(v2sf) =	vpush v63, $0xE;
	s24 =	simm.s32 $0xB00;
	s23 =	simm.s32 $0x8B00;
	s31 =	spop (v2sf)  }
0x1ed: {  	(v2sf) =	vpush v3, $0xE;
	[tilespmem:s26], [sflag:$0x1] =	stream.linear.gather [hbm4b:s28+s3], $0x80, $0x38;
	[tilespmem:$0x10600] =	vst v63  }
0x1ee: {  	s30 =	sadd.s32 s12, s29;
	(v2sf) =	vpush v63, $0xF;
	s0 =	sand.u32 $0x1FFFFFF0, s31;
	s2 =	spop (v2sf)  }
0x1ef: {  	(v2sf) =	vpush v3, $0xF;
	[tilespmem:s10], [sflag:$0x2] =	stream.linear.gather [hbm4b:s30+s3], $0x80, $0x38;
	[tilespmem:$0x10600] =	vst v63  }
.LBB2_6:
0x1f0: {  	_ =	sdelay $0x4  }
0x1f1: {  	s0 =	sadd.s32 s4, s0;
	s1 =	sand.u32 $0x1FFFFFF0, s2  }
0x1f2: {  	[tilespmem:s25], [sflag:$0x1] =	stream.linear.gather [hbm4b:s0+s3], $0x80, $0x38;
	[tilespmem:$0x10600] =	vst v63  }
0x1f3: {  	s6 =	sadd.s32 s12, s1  }
0x1f4: {  	[tilespmem:s11], [sflag:$0x2] =	stream.linear.gather [hbm4b:s6+s3], $0x80, $0x38;
	[tilespmem:$0x10600] =	vst v63  }
0x1f5: {  	s31 =	spop (v2sf)  }
0x1f6: {  	s7 =	sand.u32 $0x1FFFFFF0, s31;
	s8 =	spop (v2sf)  }
0x1f7: {  	s9 =	sadd.s32 s4, s7;
	s10 =	sand.u32 $0x1FFFFFF0, s8;
	s11 =	spop (v2sf)  }
0x1f8: {  	[tilespmem:s18], [sflag:$0x1] =	stream.linear.gather [hbm4b:s9+s3], $0x80, $0x38;
	[tilespmem:$0x10600] =	vst v63  }
0x1f9: {  	s14 =	sadd.s32 s12, s10;
	s18 =	sand.u32 $0x1FFFFFF0, s11;
	s19 =	spop (v2sf)  }
0x1fa: {  	[tilespmem:s5], [sflag:$0x2] =	stream.linear.gather [hbm4b:s14+s3], $0x80, $0x38;
	[tilespmem:$0x10600] =	vst v63  }
0x1fb: {  	s20 =	sadd.s32 s4, s18;
	s25 =	sand.u32 $0x1FFFFFF0, s19;
	s26 =	spop (v2sf)  }
0x1fc: {  	[tilespmem:s24], [sflag:$0x1] =	stream.linear.gather [hbm4b:s20+s3], $0x80, $0x38;
	[tilespmem:$0x10600] =	vst v63  }
0x1fd: {  	s28 =	sadd.s32 s12, s25;
	s29 =	sand.u32 $0x1FFFFFF0, s26;
	s30 =	spop (v2sf)  }
0x1fe: {  	[tilespmem:s23], [sflag:$0x2] =	stream.linear.gather [hbm4b:s28+s3], $0x80, $0x38;
	[tilespmem:$0x10600] =	vst v63  }
0x1ff: {  	s31 =	sadd.s32 $0xB80, s16;
	s1 =	sadd.s32 s4, s29;
	s2 =	sand.u32 $0x1FFFFFF0, s30  }
0x200: {  	[tilespmem:s31], [sflag:$0x1] =	stream.linear.gather [hbm4b:s1+s3], $0x80, $0x38;
	[tilespmem:$0x10600] =	vst v63  }
0x201: {  	s2 =	sadd.s32 s12, s2;
	s1 =	sadd.s32 $0x8B80, s16  }
0x202: {  	[tilespmem:s1], [sflag:$0x2] =	stream.linear.gather [hbm4b:s2+s3], $0x80, $0x38;
	[tilespmem:$0x10600] =	vst v63  }
0x203: {  	v3 =	vld [tilespmem:s21+$0x0];
	_ =	sdelay $0x1  }
0x204: {  	v5 =	vld [tilespmem:s22+$0x0];
	_ =	sdelay $0x2  }
0x205: {  	v4 =	vshll.u32 v3, $0x4  }
0x206: {  	(v2sf) =	vpush v4, $0x0  }
0x207: {  	s3 =	smov.u32 s17;
	v3 =	vshll.u32 v5, $0x4  }
0x208: {  	p0 =	sne.s32 s17, $0x1E000;
	s17 =	sadd.s32 $0x2000, s17;
	s16 =	sshra.s32 s3, $0x2;
	(v2sf) =	vpush v3, $0x0  }
0x209: {  	s21 =	sadd.s32 $0x10, s21;
	s22 =	sadd.s32 $0x10, s22;
	s30 =	sadd.s32 $0x8400, s16  }
0x20a: {  	s6 =	sadd.s32 $0x680, s16;
	s0 =	sadd.s32 $0x880, s16;
	s10 =	sadd.s32 $0x400, s16;
	(v2sf) =	vpush v4, $0x1  }
0x20b: {  	s2 =	sadd.s32 $0x600, s16;
	s5 =	sadd.s32 $0x8900, s16;
	s18 =	sadd.s32 $0x580, s16;
	(v2sf) =	vpush v3, $0x1  }
0x20c: {  	s7 =	sadd.s32 $0x8A00, s16;
	s29 =	sadd.s32 $0x500, s16;
	s14 =	sadd.s32 $0x8600, s16  }
0x20d: {  	s1 =	sadd.s32 $0xA80, s16;
	s31 =	sadd.s32 $0x8480, s16;
	[dreg:$0xb] =	wrdreg s0;
	(v2sf) =	vpush v4, $0x2  }
0x20e: {  	s28 =	sadd.s32 $0x8500, s16;
	s9 =	sadd.s32 $0x8680, s16;
	[dreg:$0x7] =	wrdreg s5  }
0x20f: {  	s11 =	sadd.s32 $0x700, s16;
	s8 =	sadd.s32 $0x8980, s16;
	[dreg:$0x14] =	wrdreg s7  }
0x210: {  	s12 =	sadd.s32 $0x8880, s16;
	s19 =	sadd.s32 $0x900, s16;
	[dreg:$0x9] =	wrdreg s8;
	(v2sf) =	vpush v3, $0x2  }
0x211: {  	s20 =	sadd.s32 $0x8800, s16;
	s25 =	sadd.s32 $0xA00, s16;
	[dreg:$0xf] =	wrdreg s12  }
0x212: {  	s26 =	sadd.s32 $0x480, s16;
	s23 =	sadd.s32 $0x8780, s16;
	[dreg:$0xd] =	wrdreg s19;
	(v2sf) =	vpush v4, $0x3  }
0x213: {  	s24 =	sadd.s32 $0x800, s16;
	s0 =	sadd.s32 $0x8580, s16;
	[dreg:$0x13] =	wrdreg s20  }
0x214: {  	s5 =	sadd.s32 $0x8A80, s16;
	s7 =	sadd.s32 $0x8700, s16;
	[dreg:$0x19] =	wrdreg s23  }
0x215: {  	[dreg:$0x16] =	wrdreg s24;
	s12 =	sadd.s32 $0x980, s16;
	s19 =	spop (v2sf)  }
0x216: {  	s8 =	sadd.s32 $0x780, s16;
	[dreg:$0x11] =	wrdreg s12;
	(v2sf) =	vpush v3, $0x3;
	s19 =	sand.u32 $0x1FFFFFF0, s19  }
0x217: {  	s12 =	simm.s32 $0x0;
	s20 =	spop (v2sf);
	s19 =	sadd.s32 s4, s19  }
0x218: {  	(v2sf) =	vpush v4, $0x4;
	[tilespmem:s10], [sflag:$0x1] =	stream.linear.gather [hbm4b:s19+s12], $0x80, $0x38;
	[tilespmem:$0x10600] =	vst v63  }
0x219: {  	(v2sf) =	vpush v3, $0x4;
	s20 =	sand.u32 $0x1FFFFFF0, s20;
	s3 =	spop (v2sf);
	s19 =	rddreg [dreg:$0x5]  }
0x21a: {  	s3 =	sand.u32 $0x1FFFFFF0, s3;
	s10 =	sadd.s32 s19, s20;
	s20 =	spop (v2sf)  }
0x21b: {  	[tilespmem:s30], [sflag:$0x2] =	stream.linear.gather [hbm4b:s10+s12], $0x80, $0x38;
	[tilespmem:$0x10600] =	vst v63  }
0x21c: {  	s24 =	sadd.s32 $0xB00, s16;
	(v2sf) =	vpush v4, $0x5;
	s3 =	sadd.s32 s4, s3;
	s30 =	spop (v2sf)  }
0x21d: {  	[tilespmem:s26], [sflag:$0x1] =	stream.linear.gather [hbm4b:s3+s12], $0x80, $0x38;
	[tilespmem:$0x10600] =	vst v63  }
0x21e: {  	(v2sf) =	vpush v3, $0x5;
	s19 =	sand.u32 $0x1FFFFFF0, s20;
	s20 =	rddreg [dreg:$0x5];
	s26 =	sand.u32 $0x1FFFFFF0, s30  }
0x21f: {  	s3 =	sadd.s32 s20, s19;
	s30 =	spop (v2sf);
	s20 =	sadd.s32 s4, s26  }
0x220: {  	(v2sf) =	vpush v4, $0x6;
	[tilespmem:s31], [sflag:$0x2] =	stream.linear.gather [hbm4b:s3+s12], $0x80, $0x38;
	[tilespmem:$0x10600] =	vst v63  }
0x221: {  	(v2sf) =	vpush v3, $0x6;
	s26 =	sand.u32 $0x1FFFFFF0, s30;
	s30 =	spop (v2sf);
	s31 =	rddreg [dreg:$0x5]  }
0x222: {  	[tilespmem:s29], [sflag:$0x1] =	stream.linear.gather [hbm4b:s20+s12], $0x80, $0x38;
	[tilespmem:$0x10600] =	vst v63  }
0x223: {  	s23 =	sadd.s32 $0x8B00, s16;
	s3 =	sadd.s32 s31, s26;
	s20 =	sand.u32 $0x1FFFFFF0, s30  }
0x224: {  	(v2sf) =	vpush v4, $0x7;
	[tilespmem:s28], [sflag:$0x2] =	stream.linear.gather [hbm4b:s3+s12], $0x80, $0x38;
	[tilespmem:$0x10600] =	vst v63  }
0x225: {  	s19 =	rddreg [dreg:$0x5];
	s26 =	spop (v2sf);
	s29 =	sadd.s32 s4, s20  }
0x226: {  	(v2sf) =	vpush v3, $0x7;
	[tilespmem:s18], [sflag:$0x1] =	stream.linear.gather [hbm4b:s29+s12], $0x80, $0x38;
	[tilespmem:$0x10600] =	vst v63  }
0x227: {  	s30 =	sand.u32 $0x1FFFFFF0, s26;
	s31 =	spop (v2sf);
	s18 =	rddreg [dreg:$0x5]  }
0x228: {  	(v2sf) =	vpush v4, $0x8;
	s20 =	sand.u32 $0x1FFFFFF0, s31;
	s3 =	sadd.s32 s18, s30;
	s26 =	spop (v2sf)  }
0x229: {  	[tilespmem:s0], [sflag:$0x2] =	stream.linear.gather [hbm4b:s3+s12], $0x80, $0x38;
	[tilespmem:$0x10600] =	vst v63  }
0x22a: {  	s31 =	rddreg [dreg:$0x5];
	s28 =	sadd.s32 s4, s20;
	s29 =	sand.u32 $0x1FFFFFF0, s26  }
0x22b: {  	s18 =	smov.u32 s1;
	s30 =	spop (v2sf);
	s0 =	sadd.s32 s31, s29  }
0x22c: {  	(v2sf) =	vpush v3, $0x8;
	[tilespmem:s2], [sflag:$0x1] =	stream.linear.gather [hbm4b:s28+s12], $0x80, $0x38;
	[tilespmem:$0x10600] =	vst v63  }
0x22d: {  	s1 =	sand.u32 $0x1FFFFFF0, s30;
	s31 =	rddreg [dreg:$0x5];
	s2 =	spop (v2sf)  }
0x22e: {  	[tilespmem:s14], [sflag:$0x2] =	stream.linear.gather [hbm4b:s0+s12], $0x80, $0x38;
	[tilespmem:$0x10600] =	vst v63  }
0x22f: {  	(v2sf) =	vpush v4, $0x9;
	s3 =	sadd.s32 s4, s1;
	s10 =	sand.u32 $0x1FFFFFF0, s2;
	s14 =	spop (v2sf)  }
0x230: {  	(v2sf) =	vpush v3, $0x9;
	s0 =	sadd.s32 s19, s10;
	s20 =	sand.u32 $0x1FFFFFF0, s14;
	s26 =	spop (v2sf)  }
0x231: {  	[tilespmem:s6], [sflag:$0x1] =	stream.linear.gather [hbm4b:s3+s12], $0x80, $0x38;
	[tilespmem:$0x10600] =	vst v63  }
0x232: {  	(v2sf) =	vpush v4, $0xA;
	s19 =	rddreg [dreg:$0x5];
	s28 =	sadd.s32 s4, s20;
	s29 =	sand.u32 $0x1FFFFFF0, s26  }
0x233: {  	s30 =	spop (v2sf);
	s6 =	rddreg [dreg:$0x16];
	s3 =	simm.s32 $0x0  }
0x234: {  	[tilespmem:s9], [sflag:$0x2] =	stream.linear.gather [hbm4b:s0+s12], $0x80, $0x38;
	[tilespmem:$0x10600] =	vst v63  }
0x235: {  	s1 =	sand.u32 $0x1FFFFFF0, s30;
	s0 =	sadd.s32 s31, s29;
	s2 =	spop (v2sf)  }
0x236: {  	(v2sf) =	vpush v3, $0xA;
	[tilespmem:s11], [sflag:$0x1] =	stream.linear.gather [hbm4b:s28+s12], $0x80, $0x38;
	[tilespmem:$0x10600] =	vst v63  }
0x237: {  	s9 =	sadd.s32 s4, s1;
	s14 =	spop (v2sf);
	s11 =	rddreg [dreg:$0x14]  }
0x238: {  	(v2sf) =	vpush v4, $0xB;
	[tilespmem:s7], [sflag:$0x2] =	stream.linear.gather [hbm4b:s0+s12], $0x80, $0x38;
	[tilespmem:$0x10600] =	vst v63  }
0x239: {  	s10 =	sand.u32 $0x1FFFFFF0, s2;
	s20 =	sand.u32 $0x1FFFFFF0, s14;
	s28 =	rddreg [dreg:$0x19]  }
0x23a: {  	[tilespmem:s8], [sflag:$0x1] =	stream.linear.gather [hbm4b:s9+s12], $0x80, $0x38;
	[tilespmem:$0x10600] =	vst v63  }
0x23b: {  	s29 =	sadd.s32 s4, s20;
	s7 =	rddreg [dreg:$0x5];
	s26 =	spop (v2sf)  }
0x23c: {  	(v2sf) =	vpush v3, $0xB;
	s0 =	sadd.s32 s19, s10;
	s10 =	rddreg [dreg:$0x13];
	s30 =	sand.u32 $0x1FFFFFF0, s26  }
0x23d: {  	(v2sf) =	vpush v4, $0xC;
	[tilespmem:s28], [sflag:$0x2] =	stream.linear.gather [hbm4b:s0+s12], $0x80, $0x38;
	[tilespmem:$0x10600] =	vst v63  }
0x23e: {  	s31 =	spop (v2sf);
	s26 =	rddreg [dreg:$0xb];
	s0 =	sadd.s32 s7, s30  }
0x23f: {  	(v2sf) =	vpush v3, $0xC;
	s8 =	sand.u32 $0x1FFFFFF0, s31;
	s31 =	rddreg [dreg:$0xf];
	s9 =	spop (v2sf)  }
0x240: {  	[tilespmem:s6], [sflag:$0x1] =	stream.linear.gather [hbm4b:s29+s12], $0x80, $0x38;
	[tilespmem:$0x10600] =	vst v63  }
0x241: {  	s19 =	sand.u32 $0x1FFFFFF0, s9;
	s9 =	rddreg [dreg:$0xd];
	s20 =	spop (v2sf)  }
0x242: {  	[tilespmem:s10], [sflag:$0x2] =	stream.linear.gather [hbm4b:s0+s12], $0x80, $0x38;
	[tilespmem:$0x10600] =	vst v63  }
0x243: {  	s14 =	sadd.s32 s4, s8;
	s12 =	rddreg [dreg:$0x5];
	s29 =	sand.u32 $0x1FFFFFF0, s20  }
0x244: {  	[tilespmem:s26], [sflag:$0x1] =	stream.linear.gather [hbm4b:s14+s3], $0x80, $0x38;
	[tilespmem:$0x10600] =	vst v63  }
0x245: {  	s30 =	spop (v2sf);
	s20 =	rddreg [dreg:$0x7];
	s28 =	sadd.s32 s12, s19  }
0x246: {  	[tilespmem:s31], [sflag:$0x2] =	stream.linear.gather [hbm4b:s28+s3], $0x80, $0x38;
	[tilespmem:$0x10600] =	vst v63  }
0x247: {  	s6 =	sadd.s32 s4, s29;
	s7 =	sand.u32 $0x1FFFFFF0, s30;
	s8 =	spop (v2sf)  }
0x248: {  	[tilespmem:s9], [sflag:$0x1] =	stream.linear.gather [hbm4b:s6+s3], $0x80, $0x38;
	[tilespmem:$0x10600] =	vst v63  }
0x249: {  	s30 =	rddreg [dreg:$0x11];
	s10 =	sadd.s32 s12, s7;
	s14 =	sand.u32 $0x1FFFFFF0, s8  }
0x24a: {  	(v2sf) =	vpush v4, $0xD;
	[tilespmem:s20], [sflag:$0x2] =	stream.linear.gather [hbm4b:s10+s3], $0x80, $0x38;
	[tilespmem:$0x10600] =	vst v63  }
.Ltmp2:
0x24b: {  	(v2sf) =	vpush v3, $0xD;
	s19 =	spop (v2sf);
	s26 =	sadd.s32 s4, s14;
	(pc) =	sbr.rel @p0 .LBB2_6-.Ltmp2, $4  }
0x24c: {  	(v2sf) =	vpush v4, $0xE;
	s28 =	sand.u32 $0x1FFFFFF0, s19;
	s29 =	spop (v2sf);
	s31 =	rddreg [dreg:$0x9]  }
0x24d: {  	(v2sf) =	vpush v3, $0xE;
	[tilespmem:s30], [sflag:$0x1] =	stream.linear.gather [hbm4b:s26+s3], $0x80, $0x38;
	[tilespmem:$0x10600] =	vst v63  }
0x24e: {  	(v2sf) =	vpush v4, $0xF;
	s1 =	sadd.s32 s12, s28;
	s0 =	sand.u32 $0x1FFFFFF0, s29;
	s2 =	spop (v2sf)  }
0x24f: {  	(v2sf) =	vpush v3, $0xF;
	[tilespmem:s31], [sflag:$0x2] =	stream.linear.gather [hbm4b:s1+s3], $0x80, $0x38;
	[tilespmem:$0x10600] =	vst v63  }
0x250: {  	_ =	sdelay $0x4  }
0x251: {  	s0 =	sadd.s32 s4, s0;
	s1 =	sand.u32 $0x1FFFFFF0, s2  }
0x252: {  	[tilespmem:s25], [sflag:$0x1] =	stream.linear.gather [hbm4b:s0+s3], $0x80, $0x38;
	[tilespmem:$0x10600] =	vst v63  }
0x253: {  	s1 =	sadd.s32 s12, s1  }
0x254: {  	[tilespmem:s11], [sflag:$0x2] =	stream.linear.gather [hbm4b:s1+s3], $0x80, $0x38;
	[tilespmem:$0x10600] =	vst v63  }
0x255: {  	s31 =	spop (v2sf)  }
0x256: {  	s26 =	sadd.s32 $0x8B80, s16;
	s6 =	sand.u32 $0x1FFFFFF0, s31;
	s7 =	spop (v2sf)  }
0x257: {  	s8 =	sadd.s32 s4, s6;
	s9 =	sand.u32 $0x1FFFFFF0, s7;
	s10 =	spop (v2sf)  }
0x258: {  	[tilespmem:s18], [sflag:$0x1] =	stream.linear.gather [hbm4b:s8+s3], $0x80, $0x38;
	[tilespmem:$0x10600] =	vst v63  }
0x259: {  	s11 =	sadd.s32 s12, s9;
	s14 =	sand.u32 $0x1FFFFFF0, s10;
	s17 =	spop (v2sf)  }
0x25a: {  	[tilespmem:s5], [sflag:$0x2] =	stream.linear.gather [hbm4b:s11+s3], $0x80, $0x38;
	[tilespmem:$0x10600] =	vst v63  }
0x25b: {  	s18 =	sadd.s32 s4, s14;
	s19 =	sand.u32 $0x1FFFFFF0, s17;
	s20 =	spop (v2sf)  }
0x25c: {  	[tilespmem:s24], [sflag:$0x1] =	stream.linear.gather [hbm4b:s18+s3], $0x80, $0x38;
	[tilespmem:$0x10600] =	vst v63  }
0x25d: {  	s21 =	sadd.s32 s12, s19;
	s22 =	sand.u32 $0x1FFFFFF0, s20;
	s24 =	spop (v2sf)  }
0x25e: {  	[tilespmem:s23], [sflag:$0x2] =	stream.linear.gather [hbm4b:s21+s3], $0x80, $0x38;
	[tilespmem:$0x10600] =	vst v63  }
0x25f: {  	s25 =	sadd.s32 $0xB80, s16;
	s1 =	sadd.s32 s4, s22;
	s2 =	sand.u32 $0x1FFFFFF0, s24  }
0x260: {  	[tilespmem:s25], [sflag:$0x1] =	stream.linear.gather [hbm4b:s1+s3], $0x80, $0x38;
	[tilespmem:$0x10600] =	vst v63  }
0x261: {  	s29 =	simm.s32 $0x0;
	s30 =	simm.s32 $0x1;
	s28 =	sadd.s32 s12, s2  }
0x262: {  	v3 =	vmov s29;
	[tilespmem:s26], [sflag:$0x2] =	stream.linear.gather [hbm4b:s28+s3], $0x80, $0x38;
	[tilespmem:$0x10600] =	vst v63  }
0x263: {  	v3 =	vshll.u32 v3, $0x7;
	_ =	swait.ge [sflag:s30], $0x8000  }
0x264: {  	v3 =	vor.u32 v1, v3;
	[sflag:s30] =	ssyncset.done $0x0  }
0x265: {  	s31 =	simm.s32 $0x2;
	[sflag:s30] =	ssyncadd.s32 $0xFFFF8000  }
0x266: {  	v4 =	vor.u32 $0x1, v3;
	_ =	swait.ge [sflag:s31], $0x8000  }
0x267: {  	[sflag:s31] =	ssyncset.done $0x0  }
0x268: {  	v5 =	vor.u32 $0x2, v3;
	[sflag:s31] =	ssyncadd.s32 $0xFFFF8000  }
0x269: {  	v6 =	vld.idx.msk [tilespmem:v3+s13+$0x0], $0xffff  }
0x26a: {  	v8 =	vor.u32 $0x3, v3;
	v7 =	vld.idx.msk [tilespmem:v3+s15+$0x0], $0xffff  }
0x26b: {  	v9 =	vld.idx.msk [tilespmem:v4+s15+$0x0], $0xffff  }
0x26c: {  	v10 =	vor.u32 $0x4, v3;
	v4 =	vld.idx.msk [tilespmem:v4+s13+$0x0], $0xffff  }
0x26d: {  	v11 =	vld.idx.msk [tilespmem:v5+s15+$0x0], $0xffff  }
0x26e: {  	v12 =	vor.u32 $0x5, v3;
	v5 =	vld.idx.msk [tilespmem:v5+s13+$0x0], $0xffff  }
0x26f: {  	v13 =	vld.idx.msk [tilespmem:v8+s15+$0x0], $0xffff;
	v6 =	vmul.f32 v6, v7  }
0x270: {  	v7 =	vld.idx.msk [tilespmem:v8+s13+$0x0], $0xffff;
	v8 =	vor.u32 $0x6, v3  }
0x271: {  	v14 =	vld.idx.msk [tilespmem:v10+s15+$0x0], $0xffff;
	v4 =	vmul.f32 v4, v9;
	v6 =	vadd.f32 $0.0e+00, v6  }
0x272: {  	v9 =	vld.idx.msk [tilespmem:v10+s13+$0x0], $0xffff;
	v10 =	vor.u32 $0x7, v3  }
0x273: {  	v15 =	vld.idx.msk [tilespmem:v12+s15+$0x0], $0xffff;
	v5 =	vmul.f32 v5, v11;
	v4 =	vadd.f32 v4, v6  }
0x274: {  	v11 =	vor.u32 $0x8, v3;
	v6 =	vld.idx.msk [tilespmem:v12+s13+$0x0], $0xffff  }
0x275: {  	v41 =	vld.idx.msk [tilespmem:v8+s15+$0x0], $0xffff;
	v4 =	vadd.f32 v5, v4;
	v5 =	vmul.f32 v7, v13  }
0x276: {  	v7 =	vld.idx.msk [tilespmem:v8+s13+$0x0], $0xffff;
	v8 =	vor.u32 $0x9, v3  }
0x277: {  	v42 =	vld.idx.msk [tilespmem:v10+s15+$0x0], $0xffff;
	v4 =	vadd.f32 v5, v4;
	v5 =	vmul.f32 v9, v14  }
0x278: {  	v9 =	vld.idx.msk [tilespmem:v10+s13+$0x0], $0xffff;
	v10 =	vor.u32 $0xA, v3  }
0x279: {  	v43 =	vld.idx.msk [tilespmem:v11+s15+$0x0], $0xffff;
	v4 =	vadd.f32 v5, v4;
	v5 =	vmul.f32 v6, v15  }
0x27a: {  	v6 =	vld.idx.msk [tilespmem:v11+s13+$0x0], $0xffff;
	v11 =	vor.u32 $0xB, v3  }
0x27b: {  	v44 =	vld.idx.msk [tilespmem:v8+s15+$0x0], $0xffff;
	v4 =	vadd.f32 v5, v4;
	v5 =	vmul.f32 v7, v41  }
0x27c: {  	v7 =	vld.idx.msk [tilespmem:v8+s13+$0x0], $0xffff;
	v8 =	vor.u32 $0xC, v3  }
0x27d: {  	v45 =	vld.idx.msk [tilespmem:v10+s15+$0x0], $0xffff;
	v4 =	vadd.f32 v5, v4;
	v5 =	vmul.f32 v9, v42  }
0x27e: {  	v9 =	vld.idx.msk [tilespmem:v10+s13+$0x0], $0xffff;
	v10 =	vor.u32 $0xD, v3  }
0x27f: {  	v46 =	vld.idx.msk [tilespmem:v11+s15+$0x0], $0xffff;
	v4 =	vadd.f32 v5, v4;
	v5 =	vmul.f32 v6, v43  }
0x280: {  	v6 =	vld.idx.msk [tilespmem:v11+s13+$0x0], $0xffff;
	v11 =	vor.u32 $0xE, v3  }
0x281: {  	v47 =	vld.idx.msk [tilespmem:v8+s15+$0x0], $0xffff;
	v4 =	vadd.f32 v5, v4;
	v5 =	vmul.f32 v7, v44  }
0x282: {  	v7 =	vld.idx.msk [tilespmem:v8+s13+$0x0], $0xffff;
	v8 =	vor.u32 $0xF, v3  }
0x283: {  	v48 =	vld.idx.msk [tilespmem:v10+s15+$0x0], $0xffff;
	v4 =	vadd.f32 v5, v4;
	v5 =	vmul.f32 v9, v45  }
0x284: {  	v9 =	vld.idx.msk [tilespmem:v10+s13+$0x0], $0xffff;
	v10 =	vor.u32 $0x10, v3  }
0x285: {  	v49 =	vld.idx.msk [tilespmem:v11+s15+$0x0], $0xffff;
	v4 =	vadd.f32 v5, v4;
	v5 =	vmul.f32 v6, v46  }
0x286: {  	v6 =	vld.idx.msk [tilespmem:v11+s13+$0x0], $0xffff;
	v11 =	vor.u32 $0x11, v3  }
0x287: {  	v50 =	vld.idx.msk [tilespmem:v8+s15+$0x0], $0xffff;
	v4 =	vadd.f32 v5, v4;
	v5 =	vmul.f32 v7, v47  }
0x288: {  	v7 =	vld.idx.msk [tilespmem:v8+s13+$0x0], $0xffff;
	v8 =	vor.u32 $0x12, v3  }
0x289: {  	v51 =	vld.idx.msk [tilespmem:v10+s15+$0x0], $0xffff;
	v4 =	vadd.f32 v5, v4;
	v5 =	vmul.f32 v9, v48  }
0x28a: {  	v9 =	vld.idx.msk [tilespmem:v10+s13+$0x0], $0xffff;
	v10 =	vor.u32 $0x13, v3  }
0x28b: {  	v52 =	vld.idx.msk [tilespmem:v11+s15+$0x0], $0xffff;
	v4 =	vadd.f32 v5, v4;
	v5 =	vmul.f32 v6, v49  }
0x28c: {  	v6 =	vld.idx.msk [tilespmem:v11+s13+$0x0], $0xffff;
	v11 =	vor.u32 $0x14, v3  }
0x28d: {  	v53 =	vld.idx.msk [tilespmem:v8+s15+$0x0], $0xffff;
	v4 =	vadd.f32 v5, v4;
	v5 =	vmul.f32 v7, v50  }
0x28e: {  	v7 =	vld.idx.msk [tilespmem:v8+s13+$0x0], $0xffff;
	v8 =	vor.u32 $0x15, v3  }
0x28f: {  	v54 =	vld.idx.msk [tilespmem:v10+s15+$0x0], $0xffff;
	v4 =	vadd.f32 v5, v4;
	v5 =	vmul.f32 v9, v51  }
0x290: {  	v9 =	vld.idx.msk [tilespmem:v10+s13+$0x0], $0xffff;
	v10 =	vor.u32 $0x16, v3  }
0x291: {  	v55 =	vld.idx.msk [tilespmem:v11+s15+$0x0], $0xffff;
	v4 =	vadd.f32 v5, v4;
	v5 =	vmul.f32 v6, v52  }
0x292: {  	v6 =	vld.idx.msk [tilespmem:v11+s13+$0x0], $0xffff;
	v11 =	vor.u32 $0x17, v3  }
0x293: {  	v56 =	vld.idx.msk [tilespmem:v8+s15+$0x0], $0xffff;
	v4 =	vadd.f32 v5, v4;
	v5 =	vmul.f32 v7, v53  }
0x294: {  	v7 =	vld.idx.msk [tilespmem:v8+s13+$0x0], $0xffff;
	v8 =	vor.u32 $0x18, v3  }
0x295: {  	v57 =	vld.idx.msk [tilespmem:v10+s15+$0x0], $0xffff;
	v4 =	vadd.f32 v5, v4;
	v5 =	vmul.f32 v9, v54  }
0x296: {  	v9 =	vld.idx.msk [tilespmem:v10+s13+$0x0], $0xffff;
	v10 =	vor.u32 $0x19, v3  }
0x297: {  	v58 =	vld.idx.msk [tilespmem:v11+s15+$0x0], $0xffff;
	v4 =	vadd.f32 v5, v4;
	v5 =	vmul.f32 v6, v55  }
0x298: {  	v6 =	vld.idx.msk [tilespmem:v11+s13+$0x0], $0xffff;
	v11 =	vor.u32 $0x1A, v3  }
0x299: {  	v59 =	vld.idx.msk [tilespmem:v8+s15+$0x0], $0xffff;
	v4 =	vadd.f32 v5, v4;
	v5 =	vmul.f32 v7, v56  }
0x29a: {  	v7 =	vld.idx.msk [tilespmem:v8+s13+$0x0], $0xffff;
	v8 =	vor.u32 $0x1B, v3  }
0x29b: {  	v60 =	vld.idx.msk [tilespmem:v10+s15+$0x0], $0xffff;
	v4 =	vadd.f32 v5, v4;
	v5 =	vmul.f32 v9, v57  }
0x29c: {  	v9 =	vld.idx.msk [tilespmem:v10+s13+$0x0], $0xffff;
	v10 =	vor.u32 $0x1C, v3  }
0x29d: {  	v61 =	vld.idx.msk [tilespmem:v11+s15+$0x0], $0xffff;
	v4 =	vadd.f32 v5, v4;
	v5 =	vmul.f32 v6, v58  }
0x29e: {  	v6 =	vld.idx.msk [tilespmem:v11+s13+$0x0], $0xffff;
	v11 =	vor.u32 $0x1D, v3  }
0x29f: {  	v62 =	vld.idx.msk [tilespmem:v8+s15+$0x0], $0xffff;
	v4 =	vadd.f32 v5, v4;
	v5 =	vmul.f32 v7, v59  }
0x2a0: {  	v7 =	vld.idx.msk [tilespmem:v8+s13+$0x0], $0xffff  }
0x2a1: {  	v63 =	vld.idx.msk [tilespmem:v10+s15+$0x0], $0xffff;
	v4 =	vadd.f32 v5, v4;
	v5 =	vmul.f32 v9, v60  }
0x2a2: {  	v9 =	vld.idx.msk [tilespmem:v10+s13+$0x0], $0xffff  }
0x2a3: {  	v8 =	vor.u32 $0x1E, v3;
	v10 =	vld.idx.msk [tilespmem:v11+s15+$0x0], $0xffff;
	v4 =	vadd.f32 v5, v4;
	v5 =	vmul.f32 v6, v61  }
0x2a4: {  	v6 =	vld.idx.msk [tilespmem:v11+s13+$0x0], $0xffff  }
0x2a5: {  	v3 =	vor.u32 $0x1F, v3;
	v4 =	vadd.f32 v5, v4;
	v5 =	vmul.f32 v7, v62;
	_ =	sdelay $0x1  }
0x2a6: {  	v4 =	vadd.f32 v5, v4;
	v5 =	vmul.f32 v9, v63  }
0x2a7: {  	v11 =	vld.idx.msk [tilespmem:v8+s15+$0x0], $0xffff  }
0x2a8: {  	v8 =	vld.idx.msk [tilespmem:v8+s13+$0x0], $0xffff;
	v6 =	vmul.f32 v6, v10;
	v5 =	vadd.f32 v5, v4  }
0x2a9: {  	v4 =	vld.idx.msk [tilespmem:v3+s15+$0x0], $0xffff  }
0x2aa: {  	v7 =	vadd.f32 v6, v5;
	v5 =	vld.idx.msk [tilespmem:v3+s13+$0x0], $0xffff;
	_ =	sdelay $0x1  }
0x2ab: {  	s16 =	simm.s32 $0x10  }
0x2ac: {  	v9 =	vmov s16;
	v8 =	vmul.f32 v8, v11  }
0x2ad: {  	s17 =	simm.s32 $0x20;
	s1 =	simm.s32 $0x10400;
	v3 =	vshll.u32 v9, $0x7;
	v6 =	vor.u32 s29, v2  }
.LBB2_8:
0x2ae: {  	p0 =	sne.s32 s17, $0xF0;
	v3 =	vor.u32 v1, v3;
	v7 =	vadd.f32 v8, v7;
	v4 =	vmul.f32 v5, v4;
	_ =	sdelay $0x1  }
0x2af: {  	v5 =	vor.u32 $0x1, v3;
	v4 =	vadd.f32 v4, v7;
	_ =	sdelay $0x1  }
0x2b0: {  	v7 =	vor.u32 $0x2, v3;
	[tilespmem:v6+s1+$0x0] =	vst.idx.msk $0xffff, v4  }
0x2b1: {  	v4 =	vld.idx.msk [tilespmem:v3+s13+$0x0], $0xffff  }
0x2b2: {  	v8 =	vor.u32 $0x3, v3;
	v6 =	vld.idx.msk [tilespmem:v3+s15+$0x0], $0xffff  }
0x2b3: {  	v9 =	vld.idx.msk [tilespmem:v5+s15+$0x0], $0xffff  }
0x2b4: {  	v10 =	vor.u32 $0x4, v3;
	v5 =	vld.idx.msk [tilespmem:v5+s13+$0x0], $0xffff  }
0x2b5: {  	v11 =	vld.idx.msk [tilespmem:v7+s15+$0x0], $0xffff  }
0x2b6: {  	v12 =	vor.u32 $0x5, v3;
	v7 =	vld.idx.msk [tilespmem:v7+s13+$0x0], $0xffff  }
0x2b7: {  	v13 =	vld.idx.msk [tilespmem:v8+s15+$0x0], $0xffff  }
0x2b8: {  	v4 =	vmul.f32 v4, v6;
	v6 =	vld.idx.msk [tilespmem:v8+s13+$0x0], $0xffff;
	v8 =	vor.u32 $0x6, v3  }
0x2b9: {  	v14 =	vld.idx.msk [tilespmem:v10+s15+$0x0], $0xffff  }
0x2ba: {  	v4 =	vadd.f32 $0.0e+00, v4;
	v5 =	vmul.f32 v5, v9;
	v9 =	vld.idx.msk [tilespmem:v10+s13+$0x0], $0xffff;
	v10 =	vor.u32 $0x7, v3  }
0x2bb: {  	v15 =	vld.idx.msk [tilespmem:v12+s15+$0x0], $0xffff  }
0x2bc: {  	v4 =	vadd.f32 v5, v4;
	v5 =	vmul.f32 v7, v11;
	v11 =	vor.u32 $0x8, v3;
	v7 =	vld.idx.msk [tilespmem:v12+s13+$0x0], $0xffff  }
0x2bd: {  	v12 =	vld.idx.msk [tilespmem:v8+s15+$0x0], $0xffff  }
0x2be: {  	v4 =	vadd.f32 v5, v4;
	v5 =	vmul.f32 v6, v13;
	v6 =	vld.idx.msk [tilespmem:v8+s13+$0x0], $0xffff;
	v8 =	vor.u32 $0x9, v3  }
0x2bf: {  	v13 =	vld.idx.msk [tilespmem:v10+s15+$0x0], $0xffff  }
0x2c0: {  	v4 =	vadd.f32 v5, v4;
	v5 =	vmul.f32 v9, v14;
	v9 =	vld.idx.msk [tilespmem:v10+s13+$0x0], $0xffff;
	v10 =	vor.u32 $0xA, v3  }
0x2c1: {  	v14 =	vld.idx.msk [tilespmem:v11+s15+$0x0], $0xffff  }
0x2c2: {  	v4 =	vadd.f32 v5, v4;
	v5 =	vmul.f32 v7, v15;
	v7 =	vld.idx.msk [tilespmem:v11+s13+$0x0], $0xffff;
	v11 =	vor.u32 $0xB, v3  }
0x2c3: {  	v15 =	vld.idx.msk [tilespmem:v8+s15+$0x0], $0xffff  }
0x2c4: {  	v4 =	vadd.f32 v5, v4;
	v5 =	vmul.f32 v6, v12;
	v6 =	vld.idx.msk [tilespmem:v8+s13+$0x0], $0xffff;
	v8 =	vor.u32 $0xC, v3  }
0x2c5: {  	v12 =	vld.idx.msk [tilespmem:v10+s15+$0x0], $0xffff  }
0x2c6: {  	v4 =	vadd.f32 v5, v4;
	v5 =	vmul.f32 v9, v13;
	v9 =	vld.idx.msk [tilespmem:v10+s13+$0x0], $0xffff;
	v10 =	vor.u32 $0xD, v3  }
0x2c7: {  	v13 =	vld.idx.msk [tilespmem:v11+s15+$0x0], $0xffff  }
0x2c8: {  	v4 =	vadd.f32 v5, v4;
	v5 =	vmul.f32 v7, v14;
	v7 =	vld.idx.msk [tilespmem:v11+s13+$0x0], $0xffff;
	v11 =	vor.u32 $0xE, v3  }
0x2c9: {  	v14 =	vld.idx.msk [tilespmem:v8+s15+$0x0], $0xffff  }
0x2ca: {  	v4 =	vadd.f32 v5, v4;
	v5 =	vmul.f32 v6, v15;
	v6 =	vld.idx.msk [tilespmem:v8+s13+$0x0], $0xffff;
	v8 =	vor.u32 $0xF, v3  }
0x2cb: {  	v15 =	vld.idx.msk [tilespmem:v10+s15+$0x0], $0xffff  }
0x2cc: {  	v4 =	vadd.f32 v5, v4;
	v5 =	vmul.f32 v9, v12;
	v9 =	vld.idx.msk [tilespmem:v10+s13+$0x0], $0xffff;
	v10 =	vor.u32 $0x10, v3  }
0x2cd: {  	v12 =	vld.idx.msk [tilespmem:v11+s15+$0x0], $0xffff  }
0x2ce: {  	v4 =	vadd.f32 v5, v4;
	v5 =	vmul.f32 v7, v13;
	v7 =	vld.idx.msk [tilespmem:v11+s13+$0x0], $0xffff;
	v11 =	vor.u32 $0x11, v3  }
0x2cf: {  	v13 =	vld.idx.msk [tilespmem:v8+s15+$0x0], $0xffff  }
0x2d0: {  	v4 =	vadd.f32 v5, v4;
	v5 =	vmul.f32 v6, v14;
	v6 =	vld.idx.msk [tilespmem:v8+s13+$0x0], $0xffff;
	v8 =	vor.u32 $0x12, v3  }
0x2d1: {  	v14 =	vld.idx.msk [tilespmem:v10+s15+$0x0], $0xffff  }
0x2d2: {  	v4 =	vadd.f32 v5, v4;
	v5 =	vmul.f32 v9, v15;
	v9 =	vld.idx.msk [tilespmem:v10+s13+$0x0], $0xffff;
	v10 =	vor.u32 $0x13, v3  }
0x2d3: {  	v15 =	vld.idx.msk [tilespmem:v11+s15+$0x0], $0xffff  }
0x2d4: {  	v4 =	vadd.f32 v5, v4;
	v5 =	vmul.f32 v7, v12;
	v7 =	vld.idx.msk [tilespmem:v11+s13+$0x0], $0xffff;
	v11 =	vor.u32 $0x14, v3  }
0x2d5: {  	v12 =	vld.idx.msk [tilespmem:v8+s15+$0x0], $0xffff  }
0x2d6: {  	v4 =	vadd.f32 v5, v4;
	v5 =	vmul.f32 v6, v13;
	v6 =	vld.idx.msk [tilespmem:v8+s13+$0x0], $0xffff;
	v8 =	vor.u32 $0x15, v3  }
0x2d7: {  	v13 =	vld.idx.msk [tilespmem:v10+s15+$0x0], $0xffff  }
0x2d8: {  	v4 =	vadd.f32 v5, v4;
	v5 =	vmul.f32 v9, v14;
	v9 =	vld.idx.msk [tilespmem:v10+s13+$0x0], $0xffff;
	v10 =	vor.u32 $0x16, v3  }
0x2d9: {  	v14 =	vld.idx.msk [tilespmem:v11+s15+$0x0], $0xffff  }
0x2da: {  	v4 =	vadd.f32 v5, v4;
	v5 =	vmul.f32 v7, v15;
	v7 =	vld.idx.msk [tilespmem:v11+s13+$0x0], $0xffff;
	v11 =	vor.u32 $0x17, v3  }
0x2db: {  	v15 =	vld.idx.msk [tilespmem:v8+s15+$0x0], $0xffff  }
0x2dc: {  	v4 =	vadd.f32 v5, v4;
	v5 =	vmul.f32 v6, v12;
	v6 =	vld.idx.msk [tilespmem:v8+s13+$0x0], $0xffff;
	v8 =	vor.u32 $0x18, v3  }
0x2dd: {  	v12 =	vld.idx.msk [tilespmem:v10+s15+$0x0], $0xffff  }
0x2de: {  	v4 =	vadd.f32 v5, v4;
	v5 =	vmul.f32 v9, v13;
	v9 =	vld.idx.msk [tilespmem:v10+s13+$0x0], $0xffff;
	v10 =	vor.u32 $0x19, v3  }
0x2df: {  	v13 =	vld.idx.msk [tilespmem:v11+s15+$0x0], $0xffff  }
0x2e0: {  	v4 =	vadd.f32 v5, v4;
	v5 =	vmul.f32 v7, v14;
	v7 =	vld.idx.msk [tilespmem:v11+s13+$0x0], $0xffff;
	v11 =	vor.u32 $0x1A, v3  }
0x2e1: {  	v14 =	vld.idx.msk [tilespmem:v8+s15+$0x0], $0xffff  }
0x2e2: {  	v4 =	vadd.f32 v5, v4;
	v5 =	vmul.f32 v6, v15;
	v6 =	vld.idx.msk [tilespmem:v8+s13+$0x0], $0xffff;
	v8 =	vor.u32 $0x1B, v3  }
0x2e3: {  	v15 =	vld.idx.msk [tilespmem:v10+s15+$0x0], $0xffff  }
0x2e4: {  	v4 =	vadd.f32 v5, v4;
	v5 =	vmul.f32 v9, v12;
	v9 =	vld.idx.msk [tilespmem:v10+s13+$0x0], $0xffff;
	v10 =	vor.u32 $0x1C, v3  }
0x2e5: {  	v12 =	vld.idx.msk [tilespmem:v11+s15+$0x0], $0xffff  }
0x2e6: {  	v4 =	vadd.f32 v5, v4;
	v5 =	vmul.f32 v7, v13;
	v7 =	vld.idx.msk [tilespmem:v11+s13+$0x0], $0xffff;
	v11 =	vor.u32 $0x1D, v3  }
0x2e7: {  	v13 =	vld.idx.msk [tilespmem:v8+s15+$0x0], $0xffff  }
0x2e8: {  	v4 =	vadd.f32 v5, v4;
	v5 =	vmul.f32 v6, v14;
	v6 =	vld.idx.msk [tilespmem:v8+s13+$0x0], $0xffff;
	v8 =	vor.u32 $0x1E, v3  }
0x2e9: {  	v14 =	vld.idx.msk [tilespmem:v10+s15+$0x0], $0xffff  }
0x2ea: {  	v3 =	vor.u32 $0x1F, v3;
	v4 =	vadd.f32 v5, v4;
	v5 =	vmul.f32 v9, v15;
	v9 =	vld.idx.msk [tilespmem:v10+s13+$0x0], $0xffff  }
0x2eb: {  	v10 =	vld.idx.msk [tilespmem:v11+s15+$0x0], $0xffff  }
0x2ec: {  	v4 =	vadd.f32 v5, v4;
	v5 =	vmul.f32 v7, v12;
	v7 =	vld.idx.msk [tilespmem:v11+s13+$0x0], $0xffff  }
0x2ed: {  	v11 =	vld.idx.msk [tilespmem:v8+s15+$0x0], $0xffff  }
0x2ee: {  	v5 =	vadd.f32 v5, v4;
	v6 =	vmul.f32 v6, v13;
	v8 =	vld.idx.msk [tilespmem:v8+s13+$0x0], $0xffff  }
0x2ef: {  	v4 =	vld.idx.msk [tilespmem:v3+s15+$0x0], $0xffff  }
0x2f0: {  	v6 =	vadd.f32 v6, v5;
	v9 =	vmul.f32 v9, v14;
	v5 =	vld.idx.msk [tilespmem:v3+s13+$0x0], $0xffff  }
.Ltmp3:
0x2f1: {  	(pc) =	sbr.rel @p0 .LBB2_8-.Ltmp3, $3  }
0x2f2: {  	v3 =	vadd.f32 v9, v6;
	v6 =	vmul.f32 v7, v10;
	_ =	sdelay $0x1  }
0x2f3: {  	v9 =	vmov s17;
	v7 =	vadd.f32 v6, v3;
	v8 =	vmul.f32 v8, v11  }
0x2f4: {  	v3 =	vshll.u32 v9, $0x7;
	v6 =	vor.u32 s16, v2;
	s16 =	smov.u32 s17;
	s17 =	sadd.s32 $0x10, s17  }
0x2f5: {  	v3 =	vor.u32 v1, v3;
	v7 =	vadd.f32 v8, v7;
	v4 =	vmul.f32 v5, v4;
	_ =	sdelay $0x1  }
0x2f6: {  	v44 =	vor.u32 $0x1, v3;
	v4 =	vadd.f32 v4, v7;
	_ =	sdelay $0x1  }
0x2f7: {  	v45 =	vor.u32 $0x2, v3;
	[tilespmem:v6+s1+$0x0] =	vst.idx.msk $0xffff, v4  }
0x2f8: {  	v4 =	vld.idx.msk [tilespmem:v3+s13+$0x0], $0xffff  }
0x2f9: {  	v46 =	vor.u32 $0x3, v3;
	v6 =	vld.idx.msk [tilespmem:v3+s15+$0x0], $0xffff  }
0x2fa: {  	v9 =	vld.idx.msk [tilespmem:v44+s15+$0x0], $0xffff  }
0x2fb: {  	v10 =	vor.u32 $0x4, v3;
	v5 =	vld.idx.msk [tilespmem:v44+s13+$0x0], $0xffff  }
0x2fc: {  	v11 =	vld.idx.msk [tilespmem:v45+s15+$0x0], $0xffff  }
0x2fd: {  	v12 =	vor.u32 $0x5, v3;
	v7 =	vld.idx.msk [tilespmem:v45+s13+$0x0], $0xffff  }
0x2fe: {  	v13 =	vld.idx.msk [tilespmem:v46+s15+$0x0], $0xffff;
	v4 =	vmul.f32 v4, v6  }
0x2ff: {  	v48 =	vor.u32 $0x6, v3;
	v47 =	vld.idx.msk [tilespmem:v46+s13+$0x0], $0xffff  }
0x300: {  	v14 =	vld.idx.msk [tilespmem:v10+s15+$0x0], $0xffff;
	v5 =	vmul.f32 v5, v9;
	v4 =	vadd.f32 $0.0e+00, v4  }
0x301: {  	v50 =	vor.u32 $0x7, v3;
	v49 =	vld.idx.msk [tilespmem:v10+s13+$0x0], $0xffff  }
0x302: {  	v15 =	vld.idx.msk [tilespmem:v12+s15+$0x0], $0xffff;
	v51 =	vmul.f32 v7, v11;
	v4 =	vadd.f32 v5, v4  }
0x303: {  	v53 =	vor.u32 $0x8, v3;
	v52 =	vld.idx.msk [tilespmem:v12+s13+$0x0], $0xffff  }
0x304: {  	v54 =	vld.idx.msk [tilespmem:v48+s15+$0x0], $0xffff;
	v55 =	vmul.f32 v47, v13;
	v4 =	vadd.f32 v51, v4  }
0x305: {  	v57 =	vor.u32 $0x9, v3;
	v56 =	vld.idx.msk [tilespmem:v48+s13+$0x0], $0xffff  }
0x306: {  	v58 =	vld.idx.msk [tilespmem:v50+s15+$0x0], $0xffff;
	v59 =	vmul.f32 v49, v14;
	v4 =	vadd.f32 v55, v4  }
0x307: {  	v61 =	vor.u32 $0xA, v3;
	v60 =	vld.idx.msk [tilespmem:v50+s13+$0x0], $0xffff  }
0x308: {  	v62 =	vld.idx.msk [tilespmem:v53+s15+$0x0], $0xffff;
	v63 =	vmul.f32 v52, v15;
	v4 =	vadd.f32 v59, v4  }
0x309: {  	v19 =	vor.u32 $0xB, v3;
	v18 =	vld.idx.msk [tilespmem:v53+s13+$0x0], $0xffff  }
0x30a: {  	v20 =	vld.idx.msk [tilespmem:v57+s15+$0x0], $0xffff;
	v21 =	vmul.f32 v56, v54;
	v4 =	vadd.f32 v63, v4  }
0x30b: {  	v23 =	vor.u32 $0xC, v3;
	v22 =	vld.idx.msk [tilespmem:v57+s13+$0x0], $0xffff  }
0x30c: {  	v24 =	vld.idx.msk [tilespmem:v61+s15+$0x0], $0xffff;
	v25 =	vmul.f32 v60, v58;
	v4 =	vadd.f32 v21, v4  }
0x30d: {  	v27 =	vor.u32 $0xD, v3;
	v26 =	vld.idx.msk [tilespmem:v61+s13+$0x0], $0xffff  }
0x30e: {  	v28 =	vld.idx.msk [tilespmem:v19+s15+$0x0], $0xffff;
	v29 =	vmul.f32 v18, v62;
	v4 =	vadd.f32 v25, v4  }
0x30f: {  	v31 =	vor.u32 $0xE, v3;
	v30 =	vld.idx.msk [tilespmem:v19+s13+$0x0], $0xffff  }
0x310: {  	v32 =	vld.idx.msk [tilespmem:v23+s15+$0x0], $0xffff;
	v33 =	vmul.f32 v22, v20;
	v4 =	vadd.f32 v29, v4  }
0x311: {  	v35 =	vor.u32 $0xF, v3;
	v34 =	vld.idx.msk [tilespmem:v23+s13+$0x0], $0xffff  }
0x312: {  	v36 =	vld.idx.msk [tilespmem:v27+s15+$0x0], $0xffff;
	v37 =	vmul.f32 v26, v24;
	v4 =	vadd.f32 v33, v4  }
0x313: {  	v39 =	vor.u32 $0x10, v3;
	v38 =	vld.idx.msk [tilespmem:v27+s13+$0x0], $0xffff  }
0x314: {  	v40 =	vld.idx.msk [tilespmem:v31+s15+$0x0], $0xffff;
	v41 =	vmul.f32 v30, v28;
	v4 =	vadd.f32 v37, v4  }
0x315: {  	v43 =	vor.u32 $0x11, v3;
	v42 =	vld.idx.msk [tilespmem:v31+s13+$0x0], $0xffff  }
0x316: {  	v44 =	vld.idx.msk [tilespmem:v35+s15+$0x0], $0xffff;
	v45 =	vmul.f32 v34, v32;
	v4 =	vadd.f32 v41, v4  }
0x317: {  	v46 =	vld.idx.msk [tilespmem:v35+s13+$0x0], $0xffff;
	v47 =	vor.u32 $0x12, v3  }
0x318: {  	v48 =	vld.idx.msk [tilespmem:v39+s15+$0x0], $0xffff;
	v49 =	vmul.f32 v38, v36;
	v4 =	vadd.f32 v45, v4  }
0x319: {  	v50 =	vld.idx.msk [tilespmem:v39+s13+$0x0], $0xffff;
	v51 =	vor.u32 $0x13, v3  }
0x31a: {  	v52 =	vld.idx.msk [tilespmem:v43+s15+$0x0], $0xffff;
	v53 =	vmul.f32 v42, v40;
	v4 =	vadd.f32 v49, v4  }
0x31b: {  	v54 =	vld.idx.msk [tilespmem:v43+s13+$0x0], $0xffff;
	v55 =	vor.u32 $0x14, v3  }
0x31c: {  	v57 =	vmul.f32 v46, v44;
	v56 =	vld.idx.msk [tilespmem:v47+s15+$0x0], $0xffff;
	v4 =	vadd.f32 v53, v4  }
0x31d: {  	v58 =	vld.idx.msk [tilespmem:v47+s13+$0x0], $0xffff;
	v59 =	vor.u32 $0x15, v3  }
0x31e: {  	v61 =	vmul.f32 v50, v48;
	v60 =	vld.idx.msk [tilespmem:v51+s15+$0x0], $0xffff;
	v4 =	vadd.f32 v57, v4  }
0x31f: {  	v62 =	vld.idx.msk [tilespmem:v51+s13+$0x0], $0xffff;
	v63 =	vor.u32 $0x16, v3  }
0x320: {  	v19 =	vmul.f32 v54, v52;
	v18 =	vld.idx.msk [tilespmem:v55+s15+$0x0], $0xffff;
	v4 =	vadd.f32 v61, v4  }
0x321: {  	v20 =	vld.idx.msk [tilespmem:v55+s13+$0x0], $0xffff;
	v21 =	vor.u32 $0x17, v3  }
0x322: {  	v23 =	vmul.f32 v58, v56;
	v22 =	vld.idx.msk [tilespmem:v59+s15+$0x0], $0xffff;
	v4 =	vadd.f32 v19, v4  }
0x323: {  	v24 =	vld.idx.msk [tilespmem:v59+s13+$0x0], $0xffff;
	v25 =	vor.u32 $0x18, v3  }
0x324: {  	v27 =	vmul.f32 v62, v60;
	v26 =	vld.idx.msk [tilespmem:v63+s15+$0x0], $0xffff;
	v4 =	vadd.f32 v23, v4  }
0x325: {  	v28 =	vld.idx.msk [tilespmem:v63+s13+$0x0], $0xffff;
	v29 =	vor.u32 $0x19, v3  }
0x326: {  	v31 =	vmul.f32 v20, v18;
	v30 =	vld.idx.msk [tilespmem:v21+s15+$0x0], $0xffff;
	v4 =	vadd.f32 v27, v4  }
0x327: {  	v32 =	vld.idx.msk [tilespmem:v21+s13+$0x0], $0xffff;
	v33 =	vor.u32 $0x1A, v3  }
0x328: {  	v35 =	vmul.f32 v24, v22;
	v34 =	vld.idx.msk [tilespmem:v25+s15+$0x0], $0xffff;
	v4 =	vadd.f32 v31, v4  }
0x329: {  	v36 =	vld.idx.msk [tilespmem:v25+s13+$0x0], $0xffff;
	v37 =	vor.u32 $0x1B, v3  }
0x32a: {  	v39 =	vmul.f32 v28, v26;
	v38 =	vld.idx.msk [tilespmem:v29+s15+$0x0], $0xffff;
	v4 =	vadd.f32 v35, v4  }
0x32b: {  	v40 =	vld.idx.msk [tilespmem:v29+s13+$0x0], $0xffff;
	v41 =	vor.u32 $0x1C, v3  }
0x32c: {  	v43 =	vmul.f32 v32, v30;
	v42 =	vld.idx.msk [tilespmem:v33+s15+$0x0], $0xffff;
	v4 =	vadd.f32 v39, v4  }
0x32d: {  	v44 =	vld.idx.msk [tilespmem:v33+s13+$0x0], $0xffff;
	v45 =	vor.u32 $0x1D, v3  }
0x32e: {  	v47 =	vmul.f32 v36, v34;
	v46 =	vld.idx.msk [tilespmem:v37+s15+$0x0], $0xffff;
	v4 =	vadd.f32 v43, v4  }
0x32f: {  	v48 =	vld.idx.msk [tilespmem:v37+s13+$0x0], $0xffff;
	v49 =	vor.u32 $0x1E, v3  }
0x330: {  	v51 =	vmul.f32 v40, v38;
	v50 =	vld.idx.msk [tilespmem:v41+s15+$0x0], $0xffff;
	v4 =	vadd.f32 v47, v4  }
0x331: {  	v3 =	vor.u32 $0x1F, v3;
	v52 =	vld.idx.msk [tilespmem:v41+s13+$0x0], $0xffff  }
0x332: {  	v54 =	vmul.f32 v44, v42;
	v53 =	vld.idx.msk [tilespmem:v45+s15+$0x0], $0xffff;
	v4 =	vadd.f32 v51, v4  }
0x333: {  	v55 =	vld.idx.msk [tilespmem:v45+s13+$0x0], $0xffff  }
0x334: {  	v57 =	vmul.f32 v48, v46;
	v56 =	vld.idx.msk [tilespmem:v49+s15+$0x0], $0xffff;
	v4 =	vadd.f32 v54, v4  }
0x335: {  	v58 =	vld.idx.msk [tilespmem:v49+s13+$0x0], $0xffff  }
0x336: {  	v59 =	vld.idx.msk [tilespmem:v3+s15+$0x0], $0xffff;
	v60 =	vmul.f32 v52, v50;
	v4 =	vadd.f32 v57, v4  }
0x337: {  	v3 =	vld.idx.msk [tilespmem:v3+s13+$0x0], $0xffff  }
0x338: {  	v61 =	vmul.f32 v55, v53;
	v4 =	vadd.f32 v60, v4;
	_ =	sdelay $0x1  }
0x339: {  	v62 =	vmul.f32 v58, v56;
	v4 =	vadd.f32 v61, v4  }
0x33a: {  	v63 =	vor.u32 s16, v2  }
0x33b: {  	v3 =	vmul.f32 v3, v59;
	v4 =	vadd.f32 v62, v4;
	_ =	sdelay $0x1  }
0x33c: {  	v3 =	vadd.f32 v3, v4;
	_ =	sdelay $0x1  }
0x33d: {  	s0 =	rddreg [dreg:$0x1d];
	s2 =	simm.s32 $0x3;
	[tilespmem:v63+s1+$0x0] =	vst.idx.msk $0xffff, v3  }
0x33e: {  	[hbm4b:s0+s3] =	stream.linear.scatter [tilespmem:s1], [sflag:$0x3], $0x200, $0x38;
	[tilespmem:$0x10600] =	vst v63  }
0x33f: {  	_ =	swait.ge [sflag:s2], $0x200  }
0x340: {  	s30 =	rddreg [dreg:$0x1f]  }
0x341: {  	s31 =	rddreg [dreg:$0x1e];
	s1 =	sadd.s32 $0x1, s30  }
0x342: {  	p0 =	sne.s32 s1, s31  }
.Ltmp4:
0x343: {  	_ = 	snop;
	(pc) =	sbr.rel @p0 .LBB2_1-.Ltmp4, $3  }
0x344: {  	_ =	sdelay $0x1  }
0x345: {  	[sflag:s2] =	ssyncset.done $0x0  }
0x346: {  	[sflag:s2] =	ssyncadd.s32 $0xFFFFFE00  }
0x347: {  	_ =	sfence.sel $0x180000  }
0x348: {  	[bflag:$0x0] =	sbarrier.arrive $0xFFFF  }
0x349: {  	_ =	strace $0x90000047  }
0x34a: {  	s0 =	stileid.u32;
	[bflag:$0x2] =	sbarrier.arrive $0xFFFF  }
0x34b: {  	p0 =	sne.s32 s0, $0x0;
	s0 =	rddreg [dreg:$0x4]  }
0x34c: {  	s0 =	sadd.s32 @!p0 $0x100000, s0  }
0x34d: {  	[sflag:s0] =	ssyncadd.tile.s32 @!p0 $0x1;
	_ =	shalt  }
.Lfunc_end2:
_tile_overlayer_lowered:
.L_overlay_start_2:
0x34e: {  	(tag) =	ssettag $0x2  }
0x34f: {  	s0 =	rddreg [dreg:$0x0];
	s2 =	stileid.u32  }
0x350: {  	s1 =	rddreg [dreg:$0x1];
	p0 =	sne.s32 s2, $0x0  }
0x351: {  	s3 =	rddreg [dreg:$0x2];
	[bflag:$0x3] =	sbarrier.arrive $0xFFFF;
	s2 =	simm.s32 @!p0 $0x1C03  }
0x352: {  	[timem:s3], [sflag:s2] =	dma.local @!p0 [hbm:s0], s1  }
0x353: {  	s0 =	simm.s32 @!p0 $0x3  }
0x354: {  	_ =	swait.ge @!p0 [sflag:s0], s1  }
0x355: {  	s1 =	ssub.s32 @!p0 $0x0, s1;
	[sflag:s0] =	ssyncset.done @!p0 $0x0  }
0x356: {  	[sflag:s0] =	ssyncadd.s32 @!p0 s1  }
0x357: {  	[bflag:$0x3] =	sbarrier.arrive $0xFFFF  }
0x358: {  	_ =	shalt  }

</sc_bundles>
